<compile_context>
chip_gen: v7x
topology: tpu7x:2x2x1
jax: 0.10.2.dev20260603
libtpu: 0.0.44.dev20260713+nightly
codegen_flags: <defaults>
</compile_context>

<pallas_src>
import functools

import jax
import jax.numpy as jnp
from jax import lax
from jax.experimental import pallas as pl
from jax.experimental.pallas import tpu as pltpu
from jax.experimental.pallas import tpu_sc as plsc

N = 10000
E = 320000
D = 128
ED = 16

NC = 2
NS = 16
NW = NC * NS
CH = 128
NCHUNK = 79
EPW = CH * NCHUNK
EPAD = EPW * NW
NPAD = 10240
RPT = NPAD // NS


def _edge_mlp_body(ea_ref, we_ref, be_ref, o_ref):
    o_ref[...] = (
        jnp.dot(ea_ref[...], we_ref[...], preferred_element_type=jnp.float32)
        + be_ref[...]
    )


def _edge_mlp(ea, we, be):
    m = 2048
    grid = EPAD // m
    return pl.pallas_call(
        _edge_mlp_body,
        grid=(grid,),
        in_specs=[
            pl.BlockSpec((m, ED), lambda i: (i, 0)),
            pl.BlockSpec((ED, D), lambda i: (0, 0)),
            pl.BlockSpec((1, D), lambda i: (0, 0)),
        ],
        out_specs=pl.BlockSpec((m, D), lambda i: (i, 0)),
        out_shape=jax.ShapeDtypeStruct((EPAD, D), jnp.float32),
    )(ea, we, be)


def _sc_body(h_hbm, e_hbm, sd_hbm, out_hbm,
             isd, ebuf, hbuf, acc, sem_g, sem_e):
    c = lax.axis_index("c")
    s = lax.axis_index("s")
    wid = c * NS + s
    base = wid * EPW

    zero = jnp.zeros((16,), jnp.float32)

    def _zrow(r, carry):
        for j in range(D // 16):
            hbuf[r, pl.ds(j * 16, 16)] = zero
        return carry

    lax.fori_loop(0, CH, _zrow, 0)
    for t in range(RPT // CH):
        pltpu.sync_copy(hbuf, acc.at[pl.ds(s * RPT + t * CH, CH)])
    plsc.subcore_barrier()

    def _chunk(g, carry):
        off = base + g * CH
        pltpu.sync_copy(sd_hbm.at[wid, g], isd)
        cp_g = pltpu.async_copy(h_hbm.at[isd.at[0]], hbuf, sem_g)
        cp_e = pltpu.async_copy(e_hbm.at[pl.ds(off, CH)], ebuf, sem_e)
        cp_g.wait()
        cp_e.wait()

        @plsc.parallel_loop(0, CH, unroll=2)
        def _row(r):
            for j in range(D // 16):
                sl = pl.ds(j * 16, 16)
                ebuf[r, sl] = jnp.maximum(hbuf[r, sl] + ebuf[r, sl], 0.0)
        pltpu.sync_copy(ebuf, acc.at[isd.at[1]], add=True)
        return carry

    lax.fori_loop(0, NCHUNK, _chunk, 0)
    plsc.subcore_barrier()
    for t in range(RPT // CH):
        r0 = s * RPT + t * CH
        pltpu.sync_copy(acc.at[pl.ds(r0, CH)], out_hbm.at[c, pl.ds(r0, CH)])


_sc_message = functools.partial(
    pl.kernel,
    out_type=jax.ShapeDtypeStruct((NC, NPAD, D), jnp.float32),
    mesh=plsc.VectorSubcoreMesh(core_axis_name="c", subcore_axis_name="s"),
    scratch_types=[
        pltpu.VMEM((2, CH), jnp.int32),
        pltpu.VMEM((CH, D), jnp.float32),
        pltpu.VMEM((CH, D), jnp.float32),
        pltpu.VMEM_SHARED((NPAD, D), jnp.float32),
        pltpu.SemaphoreType.DMA,
        pltpu.SemaphoreType.DMA,
    ],
)(_sc_body)


def _node_mlp_body(h_ref, p_ref, w1_ref, b1_ref, w2_ref, b2_ref, o_ref):
    z = h_ref[...] + p_ref[0] + p_ref[1]
    t = jnp.maximum(
        jnp.dot(z, w1_ref[...], preferred_element_type=jnp.float32) + b1_ref[...],
        0.0,
    )
    o = jnp.dot(t, w2_ref[...], preferred_element_type=jnp.float32) + b2_ref[...]
    o_ref[...] = jnp.maximum(o, 0.0)


def _node_mlp(h, parts, w1, b1, w2, b2):
    m = 1024
    grid = (N + m - 1) // m
    return pl.pallas_call(
        _node_mlp_body,
        grid=(grid,),
        in_specs=[
            pl.BlockSpec((m, D), lambda i: (i, 0)),
            pl.BlockSpec((NC, m, D), lambda i: (0, i, 0)),
            pl.BlockSpec((D, D), lambda i: (0, 0)),
            pl.BlockSpec((1, D), lambda i: (0, 0)),
            pl.BlockSpec((D, D), lambda i: (0, 0)),
            pl.BlockSpec((1, D), lambda i: (0, 0)),
        ],
        out_specs=pl.BlockSpec((m, D), lambda i: (i, 0)),
        out_shape=jax.ShapeDtypeStruct((N, D), jnp.float32),
    )(h, parts, w1, b1, w2, b2)


def _final_body(h_ref, wt_ref, bt_ref, o_ref):
    t = jnp.sum(h_ref[...] * wt_ref[...], axis=1, keepdims=True) + bt_ref[...]
    o_ref[...] = 1.0 / (1.0 + jnp.exp(-t))


def _final(h, wt, bt):
    m = 1024
    grid = (N + m - 1) // m
    return pl.pallas_call(
        _final_body,
        grid=(grid,),
        in_specs=[
            pl.BlockSpec((m, D), lambda i: (i, 0)),
            pl.BlockSpec((1, D), lambda i: (0, 0)),
            pl.BlockSpec((1, 1), lambda i: (0, 0)),
        ],
        out_specs=pl.BlockSpec((m, 1), lambda i: (i, 0)),
        out_shape=jax.ShapeDtypeStruct((N, 1), jnp.float32),
    )(h, wt, bt)


def kernel(x, edge_index, edge_attr,
           We0, be0, W10, b10, W20, b20,
           We1, be1, W11, b11, W21, b21,
           We2, be2, W12, b12, W22, b22,
           Wout, bout):
    pad = EPAD - E
    src = jnp.concatenate([edge_index[0], jnp.zeros((pad,), jnp.int32)])
    dst = jnp.concatenate([edge_index[1], jnp.full((pad,), N, jnp.int32)])
    sd = jnp.stack([src.reshape(NW, NCHUNK, CH), dst.reshape(NW, NCHUNK, CH)],
                   axis=2)
    ea = jnp.concatenate([edge_attr, jnp.zeros((pad, ED), jnp.float32)])

    layers = [(We0, be0, W10, b10, W20, b20),
              (We1, be1, W11, b11, W21, b21),
              (We2, be2, W12, b12, W22, b22)]
    h = x
    for (we, be, w1, b1, w2, b2) in layers:
        e = _edge_mlp(ea, we, be.reshape(1, D))
        parts = _sc_message(h, e, sd)
        h = _node_mlp(h, parts, w1, b1.reshape(1, D), w2, b2.reshape(1, D))
    out = _final(h, Wout.reshape(1, D), bout.reshape(1, 1))
    return jnp.squeeze(out, axis=-1)

# --- scband reference (transcript-rebuilt; emitter-appended) ---
"""Pipeline reference for scband-ginemodel-12455405159096 (READ-ONLY COPY).

The authoritative reference and input builder live on the scoring server;
editing this copy changes nothing except your own understanding.
"""

import jax, jax.numpy as jnp
import numpy as np

N = 10000
E = 320000
D = 128
ED = 16
H = 128


def setup_inputs(seed: int = 0) -> dict:
    key = jax.random.key(seed)
    ks = jax.random.split(key, 30)
    s = 0.05
    inp = {
        "x": jax.random.normal(ks[0], (N, D), dtype=jnp.float32),
        "edge_index": jax.random.randint(ks[1], (2, E), 0, N, dtype=jnp.int32),
        "edge_attr": jax.random.normal(ks[2], (E, ED), dtype=jnp.float32),
    }
    i = 3
    dims_in = [D, H, H]
    for l in range(3):
        inp[f"We{l}"] = jax.random.normal(ks[i], (ED, dims_in[l]), dtype=jnp.float32) * s; i += 1
        inp[f"be{l}"] = jnp.zeros((dims_in[l],), jnp.float32)
        inp[f"W1{l}"] = jax.random.normal(ks[i], (dims_in[l], H), dtype=jnp.float32) * s; i += 1
        inp[f"b1{l}"] = jnp.zeros((H,), jnp.float32)
        inp[f"W2{l}"] = jax.random.normal(ks[i], (H, H), dtype=jnp.float32) * s; i += 1
        inp[f"b2{l}"] = jnp.zeros((H,), jnp.float32)
    inp["Wout"] = jax.random.normal(ks[i], (H, 1), dtype=jnp.float32) * s
    inp["bout"] = jnp.zeros((1,), jnp.float32)
    return inp


def reference(x, edge_index, edge_attr,
              We0, be0, W10, b10, W20, b20,
              We1, be1, W11, b11, W21, b21,
              We2, be2, W12, b12, W22, b22,
              Wout, bout):
    # GINEModel forward (eval mode: dropout is a no-op).
    # GINEConv: m_e = relu(x[src] + Linear(edge_attr)); agg = scatter_add(m_e -> dst);
    #           out = MLP((1+eps)*x + agg), eps=0 (default).
    src = edge_index[0]
    dst = edge_index[1]
    layers = [(We0, be0, W10, b10, W20, b20),
              (We1, be1, W11, b11, W21, b21),
              (We2, be2, W12, b12, W22, b22)]
    h = x
    for (We, be, W1, b1, W2, b2) in layers:
        e = edge_attr @ We + be
        m = jax.nn.relu(h[src] + e)
        agg = jax.ops.segment_sum(m, dst, num_segments=N)
        z = h + agg
        z = jax.nn.relu(z @ W1 + b1) @ W2 + b2
        h = jax.nn.relu(z)  # model activation; dropout skipped (eval)
    out = jax.nn.sigmoid(h @ Wout + bout)
    return jnp.squeeze(out, axis=-1)

if __name__ == "__main__":
    import jax
    _d = setup_inputs()
    print(jax.jit(kernel)(*tuple(_d.values())))

</pallas_src>

<mosaic_0001>
#map = affine_map<(d0, d1) -> (0, 0)>
#map1 = affine_map<(d0, d1) -> (0, 0, 0, 0)>
#map2 = affine_map<(d0, d1) -> (0, 0, 0)>
module attributes {stable_mosaic.version = 14 : i64} {
  func.func @_sc_body(%arg0: i32, %arg1: i32, %arg2: memref<10000x128xf32, #tpu.memory_space<hbm>>, %arg3: memref<323584x128xf32, #tpu.memory_space<hbm>>, %arg4: memref<32x79x2x128xi32, #tpu.memory_space<hbm>>, %arg5: memref<2x10240x128xf32, #tpu.memory_space<hbm>>, %arg6: memref<2x128xi32, #tpu.memory_space<vmem>>, %arg7: memref<128x128xf32, #tpu.memory_space<vmem>>, %arg8: memref<128x128xf32, #tpu.memory_space<vmem>>, %arg9: memref<10240x128xf32, #tpu.memory_space<vmem_shared>>, %arg10: memref<!tpu.dma_semaphore, #tpu.memory_space<semaphore_mem>>, %arg11: memref<!tpu.dma_semaphore, #tpu.memory_space<semaphore_mem>>) attributes {dimension_semantics = [#tpu.dimension_semantics<core_parallel>, #tpu.dimension_semantics<subcore_parallel>], iteration_bounds = array<i64: 2, 16>, scalar_prefetch = 0 : i64, scratch_operands = 6 : i64, tpu.core_type = #tpu.core_type<sc_vector_subcore>, window_params = [{transform_indices = #map}, {transform_indices = #map}, {transform_indices = #map1}, {transform_indices = #map2}]} {
    %mul3A = arith.constant 16 : i32
    %mul3A_0 = arith.muli %arg0, %mul3A : i32
    %add3A = arith.addi %mul3A_0, %arg1 : i32
    %mul3A_1 = arith.constant 10112 : i32
    %mul3A_2 = arith.muli %add3A, %mul3A_1 : i32
    %broadcast_in_dim3A = arith.constant 0.000000e+00 : f32
    %broadcast_in_dim3A_3 = vector.broadcast %broadcast_in_dim3A : f32 to vector<16xf32>
    %scan3A = arith.constant 0 : i32
    %scan3A_4 = arith.constant 0 : i32
    %scan3A_5 = arith.constant 128 : i32
    %scan3A_6 = arith.addi %scan3A_4, %scan3A_5 : i32
    %scan3A_7 = arith.constant 1 : i32
    scf.for %scan3A_56 = %scan3A_4 to %scan3A_6 step %scan3A_7  : i32 {
      %swap3A = arith.index_cast %scan3A_56 : i32 to index
      %swap3A_57 = arith.constant 0 : index
      %swap3A_58 = tpu.vector_load %arg8[%swap3A, %swap3A_57] {strides = array<i32>} : memref<128x128xf32, #tpu.memory_space<vmem>>, vector<1x16xf32>,
      %swap3A_59 = vector.shape_cast %swap3A_58 : vector<1x16xf32> to vector<16xf32>
      %swap3A_60 = vector.shape_cast %broadcast_in_dim3A_3 : vector<16xf32> to vector<1x16xf32>
      tpu.vector_store %arg8[%swap3A, %swap3A_57], %swap3A_60 {strides = array<i32>} : memref<128x128xf32, #tpu.memory_space<vmem>>, vector<1x16xf32>,
      %swap3A_61 = arith.index_cast %scan3A_56 : i32 to index
      %swap3A_62 = arith.constant 16 : index
      %swap3A_63 = tpu.vector_load %arg8[%swap3A_61, %swap3A_62] {strides = array<i32>} : memref<128x128xf32, #tpu.memory_space<vmem>>, vector<1x16xf32>,
      %swap3A_64 = vector.shape_cast %swap3A_63 : vector<1x16xf32> to vector<16xf32>
      %swap3A_65 = vector.shape_cast %broadcast_in_dim3A_3 : vector<16xf32> to vector<1x16xf32>
      tpu.vector_store %arg8[%swap3A_61, %swap3A_62], %swap3A_65 {strides = array<i32>} : memref<128x128xf32, #tpu.memory_space<vmem>>, vector<1x16xf32>,
      %swap3A_66 = arith.index_cast %scan3A_56 : i32 to index
      %swap3A_67 = arith.constant 32 : index
      %swap3A_68 = tpu.vector_load %arg8[%swap3A_66, %swap3A_67] {strides = array<i32>} : memref<128x128xf32, #tpu.memory_space<vmem>>, vector<1x16xf32>,
      %swap3A_69 = vector.shape_cast %swap3A_68 : vector<1x16xf32> to vector<16xf32>
      %swap3A_70 = vector.shape_cast %broadcast_in_dim3A_3 : vector<16xf32> to vector<1x16xf32>
      tpu.vector_store %arg8[%swap3A_66, %swap3A_67], %swap3A_70 {strides = array<i32>} : memref<128x128xf32, #tpu.memory_space<vmem>>, vector<1x16xf32>,
      %swap3A_71 = arith.index_cast %scan3A_56 : i32 to index
      %swap3A_72 = arith.constant 48 : index
      %swap3A_73 = tpu.vector_load %arg8[%swap3A_71, %swap3A_72] {strides = array<i32>} : memref<128x128xf32, #tpu.memory_space<vmem>>, vector<1x16xf32>,
      %swap3A_74 = vector.shape_cast %swap3A_73 : vector<1x16xf32> to vector<16xf32>
      %swap3A_75 = vector.shape_cast %broadcast_in_dim3A_3 : vector<16xf32> to vector<1x16xf32>
      tpu.vector_store %arg8[%swap3A_71, %swap3A_72], %swap3A_75 {strides = array<i32>} : memref<128x128xf32, #tpu.memory_space<vmem>>, vector<1x16xf32>,
      %swap3A_76 = arith.index_cast %scan3A_56 : i32 to index
      %swap3A_77 = arith.constant 64 : index
      %swap3A_78 = tpu.vector_load %arg8[%swap3A_76, %swap3A_77] {strides = array<i32>} : memref<128x128xf32, #tpu.memory_space<vmem>>, vector<1x16xf32>,
      %swap3A_79 = vector.shape_cast %swap3A_78 : vector<1x16xf32> to vector<16xf32>
      %swap3A_80 = vector.shape_cast %broadcast_in_dim3A_3 : vector<16xf32> to vector<1x16xf32>
      tpu.vector_store %arg8[%swap3A_76, %swap3A_77], %swap3A_80 {strides = array<i32>} : memref<128x128xf32, #tpu.memory_space<vmem>>, vector<1x16xf32>,
      %swap3A_81 = arith.index_cast %scan3A_56 : i32 to index
      %swap3A_82 = arith.constant 80 : index
      %swap3A_83 = tpu.vector_load %arg8[%swap3A_81, %swap3A_82] {strides = array<i32>} : memref<128x128xf32, #tpu.memory_space<vmem>>, vector<1x16xf32>,
      %swap3A_84 = vector.shape_cast %swap3A_83 : vector<1x16xf32> to vector<16xf32>
      %swap3A_85 = vector.shape_cast %broadcast_in_dim3A_3 : vector<16xf32> to vector<1x16xf32>
      tpu.vector_store %arg8[%swap3A_81, %swap3A_82], %swap3A_85 {strides = array<i32>} : memref<128x128xf32, #tpu.memory_space<vmem>>, vector<1x16xf32>,
      %swap3A_86 = arith.index_cast %scan3A_56 : i32 to index
      %swap3A_87 = arith.constant 96 : index
      %swap3A_88 = tpu.vector_load %arg8[%swap3A_86, %swap3A_87] {strides = array<i32>} : memref<128x128xf32, #tpu.memory_space<vmem>>, vector<1x16xf32>,
      %swap3A_89 = vector.shape_cast %swap3A_88 : vector<1x16xf32> to vector<16xf32>
      %swap3A_90 = vector.shape_cast %broadcast_in_dim3A_3 : vector<16xf32> to vector<1x16xf32>
      tpu.vector_store %arg8[%swap3A_86, %swap3A_87], %swap3A_90 {strides = array<i32>} : memref<128x128xf32, #tpu.memory_space<vmem>>, vector<1x16xf32>,
      %swap3A_91 = arith.index_cast %scan3A_56 : i32 to index
      %swap3A_92 = arith.constant 112 : index
      %swap3A_93 = tpu.vector_load %arg8[%swap3A_91, %swap3A_92] {strides = array<i32>} : memref<128x128xf32, #tpu.memory_space<vmem>>, vector<1x16xf32>,
      %swap3A_94 = vector.shape_cast %swap3A_93 : vector<1x16xf32> to vector<16xf32>
      %swap3A_95 = vector.shape_cast %broadcast_in_dim3A_3 : vector<16xf32> to vector<1x16xf32>
      tpu.vector_store %arg8[%swap3A_91, %swap3A_92], %swap3A_95 {strides = array<i32>} : memref<128x128xf32, #tpu.memory_space<vmem>>, vector<1x16xf32>,
    }
    %scan3A_8 = arith.constant 128 : i32
    %mul3A_9 = arith.constant 640 : i32
    %mul3A_10 = arith.muli %arg1, %mul3A_9 : i32
    %add3A_11 = arith.constant 0 : i32
    %add3A_12 = arith.addi %mul3A_10, %add3A_11 : i32
    "tpu.region"() ({
      %run_scoped3A = tpu.sem_alloc : memref<!tpu.dma_semaphore, #tpu.memory_space<semaphore_mem>>
      %dma_start3A = arith.constant 0 : i32
      %dma_start3A_56 = tpu.memref_slice %arg9[%add3A_12, %dma_start3A] : memref<10240x128xf32, #tpu.memory_space<vmem_shared>> -> memref<128x128xf32, #tpu.memory_space<vmem_shared>>
      %dma_start3A_57 = arith.constant 0 : i32
      %dma_start3A_58 = tpu.memref_slice %arg9[%add3A_12, %dma_start3A_57] : memref<10240x128xf32, #tpu.memory_space<vmem_shared>> -> memref<128x128xf32, #tpu.memory_space<vmem_shared>>
      tpu.enqueue_dma source(%arg8 : memref<128x128xf32, #tpu.memory_space<vmem>>) target(%dma_start3A_58 : memref<128x128xf32, #tpu.memory_space<vmem_shared>>) target_semaphore(%run_scoped3A : memref<!tpu.dma_semaphore, #tpu.memory_space<semaphore_mem>>)
      %dma_wait3A = arith.constant 0 : i32
      %dma_wait3A_59 = tpu.memref_slice %arg9[%add3A_12, %dma_wait3A] : memref<10240x128xf32, #tpu.memory_space<vmem_shared>> -> memref<128x128xf32, #tpu.memory_space<vmem_shared>>
      %dma_wait3A_60 = arith.constant 0 : i32
      %dma_wait3A_61 = tpu.memref_slice %arg9[%add3A_12, %dma_wait3A_60] : memref<10240x128xf32, #tpu.memory_space<vmem_shared>> -> memref<128x128xf32, #tpu.memory_space<vmem_shared>>
      tpu.wait_dma2 semaphore(%run_scoped3A : memref<!tpu.dma_semaphore, #tpu.memory_space<semaphore_mem>>) src(%arg8 : memref<128x128xf32, #tpu.memory_space<vmem>>) dst(%dma_wait3A_61 : memref<128x128xf32, #tpu.memory_space<vmem_shared>>)
      tpu.yield
    }) : () -> ()
    %mul3A_13 = arith.constant 640 : i32
    %mul3A_14 = arith.muli %arg1, %mul3A_13 : i32
    %add3A_15 = arith.constant 128 : i32
    %add3A_16 = arith.addi %mul3A_14, %add3A_15 : i32
    "tpu.region"() ({
      %run_scoped3A = tpu.sem_alloc : memref<!tpu.dma_semaphore, #tpu.memory_space<semaphore_mem>>
      %dma_start3A = arith.constant 0 : i32
      %dma_start3A_56 = tpu.memref_slice %arg9[%add3A_16, %dma_start3A] : memref<10240x128xf32, #tpu.memory_space<vmem_shared>> -> memref<128x128xf32, #tpu.memory_space<vmem_shared>>
      %dma_start3A_57 = arith.constant 0 : i32
      %dma_start3A_58 = tpu.memref_slice %arg9[%add3A_16, %dma_start3A_57] : memref<10240x128xf32, #tpu.memory_space<vmem_shared>> -> memref<128x128xf32, #tpu.memory_space<vmem_shared>>
      tpu.enqueue_dma source(%arg8 : memref<128x128xf32, #tpu.memory_space<vmem>>) target(%dma_start3A_58 : memref<128x128xf32, #tpu.memory_space<vmem_shared>>) target_semaphore(%run_scoped3A : memref<!tpu.dma_semaphore, #tpu.memory_space<semaphore_mem>>)
      %dma_wait3A = arith.constant 0 : i32
      %dma_wait3A_59 = tpu.memref_slice %arg9[%add3A_16, %dma_wait3A] : memref<10240x128xf32, #tpu.memory_space<vmem_shared>> -> memref<128x128xf32, #tpu.memory_space<vmem_shared>>
      %dma_wait3A_60 = arith.constant 0 : i32
      %dma_wait3A_61 = tpu.memref_slice %arg9[%add3A_16, %dma_wait3A_60] : memref<10240x128xf32, #tpu.memory_space<vmem_shared>> -> memref<128x128xf32, #tpu.memory_space<vmem_shared>>
      tpu.wait_dma2 semaphore(%run_scoped3A : memref<!tpu.dma_semaphore, #tpu.memory_space<semaphore_mem>>) src(%arg8 : memref<128x128xf32, #tpu.memory_space<vmem>>) dst(%dma_wait3A_61 : memref<128x128xf32, #tpu.memory_space<vmem_shared>>)
      tpu.yield
    }) : () -> ()
    %mul3A_17 = arith.constant 640 : i32
    %mul3A_18 = arith.muli %arg1, %mul3A_17 : i32
    %add3A_19 = arith.constant 256 : i32
    %add3A_20 = arith.addi %mul3A_18, %add3A_19 : i32
    "tpu.region"() ({
      %run_scoped3A = tpu.sem_alloc : memref<!tpu.dma_semaphore, #tpu.memory_space<semaphore_mem>>
      %dma_start3A = arith.constant 0 : i32
      %dma_start3A_56 = tpu.memref_slice %arg9[%add3A_20, %dma_start3A] : memref<10240x128xf32, #tpu.memory_space<vmem_shared>> -> memref<128x128xf32, #tpu.memory_space<vmem_shared>>
      %dma_start3A_57 = arith.constant 0 : i32
      %dma_start3A_58 = tpu.memref_slice %arg9[%add3A_20, %dma_start3A_57] : memref<10240x128xf32, #tpu.memory_space<vmem_shared>> -> memref<128x128xf32, #tpu.memory_space<vmem_shared>>
      tpu.enqueue_dma source(%arg8 : memref<128x128xf32, #tpu.memory_space<vmem>>) target(%dma_start3A_58 : memref<128x128xf32, #tpu.memory_space<vmem_shared>>) target_semaphore(%run_scoped3A : memref<!tpu.dma_semaphore, #tpu.memory_space<semaphore_mem>>)
      %dma_wait3A = arith.constant 0 : i32
      %dma_wait3A_59 = tpu.memref_slice %arg9[%add3A_20, %dma_wait3A] : memref<10240x128xf32, #tpu.memory_space<vmem_shared>> -> memref<128x128xf32, #tpu.memory_space<vmem_shared>>
      %dma_wait3A_60 = arith.constant 0 : i32
      %dma_wait3A_61 = tpu.memref_slice %arg9[%add3A_20, %dma_wait3A_60] : memref<10240x128xf32, #tpu.memory_space<vmem_shared>> -> memref<128x128xf32, #tpu.memory_space<vmem_shared>>
      tpu.wait_dma2 semaphore(%run_scoped3A : memref<!tpu.dma_semaphore, #tpu.memory_space<semaphore_mem>>) src(%arg8 : memref<128x128xf32, #tpu.memory_space<vmem>>) dst(%dma_wait3A_61 : memref<128x128xf32, #tpu.memory_space<vmem_shared>>)
      tpu.yield
    }) : () -> ()
    %mul3A_21 = arith.constant 640 : i32
    %mul3A_22 = arith.muli %arg1, %mul3A_21 : i32
    %add3A_23 = arith.constant 384 : i32
    %add3A_24 = arith.addi %mul3A_22, %add3A_23 : i32
    "tpu.region"() ({
      %run_scoped3A = tpu.sem_alloc : memref<!tpu.dma_semaphore, #tpu.memory_space<semaphore_mem>>
      %dma_start3A = arith.constant 0 : i32
      %dma_start3A_56 = tpu.memref_slice %arg9[%add3A_24, %dma_start3A] : memref<10240x128xf32, #tpu.memory_space<vmem_shared>> -> memref<128x128xf32, #tpu.memory_space<vmem_shared>>
      %dma_start3A_57 = arith.constant 0 : i32
      %dma_start3A_58 = tpu.memref_slice %arg9[%add3A_24, %dma_start3A_57] : memref<10240x128xf32, #tpu.memory_space<vmem_shared>> -> memref<128x128xf32, #tpu.memory_space<vmem_shared>>
      tpu.enqueue_dma source(%arg8 : memref<128x128xf32, #tpu.memory_space<vmem>>) target(%dma_start3A_58 : memref<128x128xf32, #tpu.memory_space<vmem_shared>>) target_semaphore(%run_scoped3A : memref<!tpu.dma_semaphore, #tpu.memory_space<semaphore_mem>>)
      %dma_wait3A = arith.constant 0 : i32
      %dma_wait3A_59 = tpu.memref_slice %arg9[%add3A_24, %dma_wait3A] : memref<10240x128xf32, #tpu.memory_space<vmem_shared>> -> memref<128x128xf32, #tpu.memory_space<vmem_shared>>
      %dma_wait3A_60 = arith.constant 0 : i32
      %dma_wait3A_61 = tpu.memref_slice %arg9[%add3A_24, %dma_wait3A_60] : memref<10240x128xf32, #tpu.memory_space<vmem_shared>> -> memref<128x128xf32, #tpu.memory_space<vmem_shared>>
      tpu.wait_dma2 semaphore(%run_scoped3A : memref<!tpu.dma_semaphore, #tpu.memory_space<semaphore_mem>>) src(%arg8 : memref<128x128xf32, #tpu.memory_space<vmem>>) dst(%dma_wait3A_61 : memref<128x128xf32, #tpu.memory_space<vmem_shared>>)
      tpu.yield
    }) : () -> ()
    %mul3A_25 = arith.constant 640 : i32
    %mul3A_26 = arith.muli %arg1, %mul3A_25 : i32
    %add3A_27 = arith.constant 512 : i32
    %add3A_28 = arith.addi %mul3A_26, %add3A_27 : i32
    "tpu.region"() ({
      %run_scoped3A = tpu.sem_alloc : memref<!tpu.dma_semaphore, #tpu.memory_space<semaphore_mem>>
      %dma_start3A = arith.constant 0 : i32
      %dma_start3A_56 = tpu.memref_slice %arg9[%add3A_28, %dma_start3A] : memref<10240x128xf32, #tpu.memory_space<vmem_shared>> -> memref<128x128xf32, #tpu.memory_space<vmem_shared>>
      %dma_start3A_57 = arith.constant 0 : i32
      %dma_start3A_58 = tpu.memref_slice %arg9[%add3A_28, %dma_start3A_57] : memref<10240x128xf32, #tpu.memory_space<vmem_shared>> -> memref<128x128xf32, #tpu.memory_space<vmem_shared>>
      tpu.enqueue_dma source(%arg8 : memref<128x128xf32, #tpu.memory_space<vmem>>) target(%dma_start3A_58 : memref<128x128xf32, #tpu.memory_space<vmem_shared>>) target_semaphore(%run_scoped3A : memref<!tpu.dma_semaphore, #tpu.memory_space<semaphore_mem>>)
      %dma_wait3A = arith.constant 0 : i32
      %dma_wait3A_59 = tpu.memref_slice %arg9[%add3A_28, %dma_wait3A] : memref<10240x128xf32, #tpu.memory_space<vmem_shared>> -> memref<128x128xf32, #tpu.memory_space<vmem_shared>>
      %dma_wait3A_60 = arith.constant 0 : i32
      %dma_wait3A_61 = tpu.memref_slice %arg9[%add3A_28, %dma_wait3A_60] : memref<10240x128xf32, #tpu.memory_space<vmem_shared>> -> memref<128x128xf32, #tpu.memory_space<vmem_shared>>
      tpu.wait_dma2 semaphore(%run_scoped3A : memref<!tpu.dma_semaphore, #tpu.memory_space<semaphore_mem>>) src(%arg8 : memref<128x128xf32, #tpu.memory_space<vmem>>) dst(%dma_wait3A_61 : memref<128x128xf32, #tpu.memory_space<vmem_shared>>)
      tpu.yield
    }) : () -> ()
    %barrier3A = arith.constant 0 : index
    tpu.barrier barrier_id(%barrier3A)
    %scan3A_29 = arith.constant 0 : i32
    %scan3A_30 = arith.constant 0 : i32
    %scan3A_31 = arith.constant 79 : i32
    %scan3A_32 = arith.addi %scan3A_30, %scan3A_31 : i32
    %scan3A_33 = arith.constant 1 : i32
    scf.for %scan3A_56 = %scan3A_30 to %scan3A_32 step %scan3A_33  : i32 {
      %mul3A_57 = arith.constant 128 : i32
      %mul3A_58 = arith.muli %scan3A_56, %mul3A_57 : i32
      %add3A_59 = arith.addi %mul3A_2, %mul3A_58 : i32
      "tpu.region"() ({
        %run_scoped3A_82 = tpu.sem_alloc : memref<!tpu.dma_semaphore, #tpu.memory_space<semaphore_mem>>
        %dma_start3A_83 = arith.constant 0 : i32
        %dma_start3A_84 = arith.constant 0 : i32
        %dma_start3A_85 = tpu.memref_slice %arg4[%add3A, %scan3A_56, %dma_start3A_83, %dma_start3A_84] : memref<32x79x2x128xi32, #tpu.memory_space<hbm>> -> memref<1x1x2x128xi32, #tpu.memory_space<hbm>>
        %dma_start3A_86 = tpu.memref_squeeze %dma_start3A_85 : memref<1x1x2x128xi32, #tpu.memory_space<hbm>> -> memref<2x128xi32, #tpu.memory_space<hbm>>
        %dma_start3A_87 = arith.constant 0 : i32
        %dma_start3A_88 = arith.constant 0 : i32
        %dma_start3A_89 = tpu.memref_slice %arg4[%add3A, %scan3A_56, %dma_start3A_87, %dma_start3A_88] : memref<32x79x2x128xi32, #tpu.memory_space<hbm>> -> memref<1x1x2x128xi32, #tpu.memory_space<hbm>>
        %dma_start3A_90 = tpu.memref_squeeze %dma_start3A_89 : memref<1x1x2x128xi32, #tpu.memory_space<hbm>> -> memref<2x128xi32, #tpu.memory_space<hbm>>
        tpu.enqueue_dma source(%dma_start3A_90 : memref<2x128xi32, #tpu.memory_space<hbm>>) target(%arg6 : memref<2x128xi32, #tpu.memory_space<vmem>>) target_semaphore(%run_scoped3A_82 : memref<!tpu.dma_semaphore, #tpu.memory_space<semaphore_mem>>)
        %dma_wait3A_91 = arith.constant 0 : i32
        %dma_wait3A_92 = arith.constant 0 : i32
        %dma_wait3A_93 = tpu.memref_slice %arg4[%add3A, %scan3A_56, %dma_wait3A_91, %dma_wait3A_92] : memref<32x79x2x128xi32, #tpu.memory_space<hbm>> -> memref<1x1x2x128xi32, #tpu.memory_space<hbm>>
        %dma_wait3A_94 = tpu.memref_squeeze %dma_wait3A_93 : memref<1x1x2x128xi32, #tpu.memory_space<hbm>> -> memref<2x128xi32, #tpu.memory_space<hbm>>
        %dma_wait3A_95 = arith.constant 0 : i32
        %dma_wait3A_96 = arith.constant 0 : i32
        %dma_wait3A_97 = tpu.memref_slice %arg4[%add3A, %scan3A_56, %dma_wait3A_95, %dma_wait3A_96] : memref<32x79x2x128xi32, #tpu.memory_space<hbm>> -> memref<1x1x2x128xi32, #tpu.memory_space<hbm>>
        %dma_wait3A_98 = tpu.memref_squeeze %dma_wait3A_97 : memref<1x1x2x128xi32, #tpu.memory_space<hbm>> -> memref<2x128xi32, #tpu.memory_space<hbm>>
        tpu.wait_dma2 semaphore(%run_scoped3A_82 : memref<!tpu.dma_semaphore, #tpu.memory_space<semaphore_mem>>) src(%dma_wait3A_98 : memref<2x128xi32, #tpu.memory_space<hbm>>) dst(%arg6 : memref<2x128xi32, #tpu.memory_space<vmem>>)
        tpu.yield
      }) : () -> ()
      %dma_start3A = arith.constant 0 : i32
      %dma_start3A_60 = arith.constant 0 : i32
      %dma_start3A_61 = tpu.memref_slice %arg6[%dma_start3A, %dma_start3A_60] : memref<2x128xi32, #tpu.memory_space<vmem>> -> memref<1x128xi32, #tpu.memory_space<vmem>>
      %dma_start3A_62 = tpu.memref_squeeze %dma_start3A_61 : memref<1x128xi32, #tpu.memory_space<vmem>> -> memref<128xi32, #tpu.memory_space<vmem>>
      %dma_start3A_63 = arith.constant 0 : i32
      %dma_start3A_64 = arith.constant 0 : i32
      %dma_start3A_65 = tpu.memref_slice %arg2[%dma_start3A_63, %dma_start3A_64] : memref<10000x128xf32, #tpu.memory_space<hbm>> -> memref<10000x128xf32, #tpu.memory_space<hbm>>
      tpu.enqueue_indirect_dma source(%dma_start3A_65 : memref<10000x128xf32, #tpu.memory_space<hbm>>) target(%arg8 : memref<128x128xf32, #tpu.memory_space<vmem>>) offsets(%dma_start3A_62 : memref<128xi32, #tpu.memory_space<vmem>>) semaphore(%arg10 : memref<!tpu.dma_semaphore, #tpu.memory_space<semaphore_mem>>)
      %dma_start3A_66 = arith.constant 0 : i32
      %dma_start3A_67 = tpu.memref_slice %arg3[%add3A_59, %dma_start3A_66] : memref<323584x128xf32, #tpu.memory_space<hbm>> -> memref<128x128xf32, #tpu.memory_space<hbm>>
      %dma_start3A_68 = arith.constant 0 : i32
      %dma_start3A_69 = tpu.memref_slice %arg3[%add3A_59, %dma_start3A_68] : memref<323584x128xf32, #tpu.memory_space<hbm>> -> memref<128x128xf32, #tpu.memory_space<hbm>>
      tpu.enqueue_dma source(%dma_start3A_69 : memref<128x128xf32, #tpu.memory_space<hbm>>) target(%arg7 : memref<128x128xf32, #tpu.memory_space<vmem>>) target_semaphore(%arg11 : memref<!tpu.dma_semaphore, #tpu.memory_space<semaphore_mem>>)
      %dma_wait3A = arith.constant 0 : i32
      %dma_wait3A_70 = arith.constant 0 : i32
      %dma_wait3A_71 = tpu.memref_slice %arg6[%dma_wait3A, %dma_wait3A_70] : memref<2x128xi32, #tpu.memory_space<vmem>> -> memref<1x128xi32, #tpu.memory_space<vmem>>
      %dma_wait3A_72 = tpu.memref_squeeze %dma_wait3A_71 : memref<1x128xi32, #tpu.memory_space<vmem>> -> memref<128xi32, #tpu.memory_space<vmem>>
      %dma_wait3A_73 = arith.constant 0 : i32
      %dma_wait3A_74 = arith.constant 0 : i32
      %dma_wait3A_75 = tpu.memref_slice %arg2[%dma_wait3A_73, %dma_wait3A_74] : memref<10000x128xf32, #tpu.memory_space<hbm>> -> memref<10000x128xf32, #tpu.memory_space<hbm>>
      tpu.wait_indirect_dma semaphore(%arg10 : memref<!tpu.dma_semaphore, #tpu.memory_space<semaphore_mem>>) src(%dma_wait3A_75 : memref<10000x128xf32, #tpu.memory_space<hbm>>) dst(%arg8 : memref<128x128xf32, #tpu.memory_space<vmem>>)
      %dma_wait3A_76 = arith.constant 0 : i32
      %dma_wait3A_77 = tpu.memref_slice %arg3[%add3A_59, %dma_wait3A_76] : memref<323584x128xf32, #tpu.memory_space<hbm>> -> memref<128x128xf32, #tpu.memory_space<hbm>>
      %dma_wait3A_78 = arith.constant 0 : i32
      %dma_wait3A_79 = tpu.memref_slice %arg3[%add3A_59, %dma_wait3A_78] : memref<323584x128xf32, #tpu.memory_space<hbm>> -> memref<128x128xf32, #tpu.memory_space<hbm>>
      tpu.wait_dma2 semaphore(%arg11 : memref<!tpu.dma_semaphore, #tpu.memory_space<semaphore_mem>>) src(%dma_wait3A_79 : memref<128x128xf32, #tpu.memory_space<hbm>>) dst(%arg7 : memref<128x128xf32, #tpu.memory_space<vmem>>)
      %parallel_loop3A = arith.constant 0 : i32
      %parallel_loop3A_80 = arith.constant 128 : i32
      %parallel_loop3A_81 = arith.constant 1 : i32
      scf.for %parallel_loop3A_82 = %parallel_loop3A to %parallel_loop3A_80 step %parallel_loop3A_81  : i32 {
        %parallel_loop3A_83 = arith.index_cast %parallel_loop3A_82 : i32 to index
        %parallel_loop3A_84 = arith.constant 0 : index
        %parallel_loop3A_85 = tpu.vector_load %arg8[%parallel_loop3A_83, %parallel_loop3A_84] {strides = array<i32>} : memref<128x128xf32, #tpu.memory_space<vmem>>, vector<1x16xf32>,
        %parallel_loop3A_86 = vector.shape_cast %parallel_loop3A_85 : vector<1x16xf32> to vector<16xf32>
        %parallel_loop3A_87 = arith.index_cast %parallel_loop3A_82 : i32 to index
        %parallel_loop3A_88 = arith.constant 0 : index
        %parallel_loop3A_89 = tpu.vector_load %arg7[%parallel_loop3A_87, %parallel_loop3A_88] {strides = array<i32>} : memref<128x128xf32, #tpu.memory_space<vmem>>, vector<1x16xf32>,
        %parallel_loop3A_90 = vector.shape_cast %parallel_loop3A_89 : vector<1x16xf32> to vector<16xf32>
        %parallel_loop3A_91 = arith.addf %parallel_loop3A_86, %parallel_loop3A_90 : vector<16xf32>
        %parallel_loop3A_92 = arith.constant 0.000000e+00 : f32
        %parallel_loop3A_93 = vector.broadcast %parallel_loop3A_92 : f32 to vector<16xf32>
        %parallel_loop3A_94 = arith.maximumf %parallel_loop3A_91, %parallel_loop3A_93 : vector<16xf32>
        %parallel_loop3A_95 = arith.index_cast %parallel_loop3A_82 : i32 to index
        %parallel_loop3A_96 = arith.constant 0 : index
        %parallel_loop3A_97 = tpu.vector_load %arg7[%parallel_loop3A_95, %parallel_loop3A_96] {strides = array<i32>} : memref<128x128xf32, #tpu.memory_space<vmem>>, vector<1x16xf32>,
        %parallel_loop3A_98 = vector.shape_cast %parallel_loop3A_97 : vector<1x16xf32> to vector<16xf32>
        %parallel_loop3A_99 = vector.shape_cast %parallel_loop3A_94 : vector<16xf32> to vector<1x16xf32>
        tpu.vector_store %arg7[%parallel_loop3A_95, %parallel_loop3A_96], %parallel_loop3A_99 {strides = array<i32>} : memref<128x128xf32, #tpu.memory_space<vmem>>, vector<1x16xf32>,
        %parallel_loop3A_100 = arith.index_cast %parallel_loop3A_82 : i32 to index
        %parallel_loop3A_101 = arith.constant 16 : index
        %parallel_loop3A_102 = tpu.vector_load %arg8[%parallel_loop3A_100, %parallel_loop3A_101] {strides = array<i32>} : memref<128x128xf32, #tpu.memory_space<vmem>>, vector<1x16xf32>,
        %parallel_loop3A_103 = vector.shape_cast %parallel_loop3A_102 : vector<1x16xf32> to vector<16xf32>
        %parallel_loop3A_104 = arith.index_cast %parallel_loop3A_82 : i32 to index
        %parallel_loop3A_105 = arith.constant 16 : index
        %parallel_loop3A_106 = tpu.vector_load %arg7[%parallel_loop3A_104, %parallel_loop3A_105] {strides = array<i32>} : memref<128x128xf32, #tpu.memory_space<vmem>>, vector<1x16xf32>,
        %parallel_loop3A_107 = vector.shape_cast %parallel_loop3A_106 : vector<1x16xf32> to vector<16xf32>
        %parallel_loop3A_108 = arith.addf %parallel_loop3A_103, %parallel_loop3A_107 : vector<16xf32>
        %parallel_loop3A_109 = arith.constant 0.000000e+00 : f32
        %parallel_loop3A_110 = vector.broadcast %parallel_loop3A_109 : f32 to vector<16xf32>
        %parallel_loop3A_111 = arith.maximumf %parallel_loop3A_108, %parallel_loop3A_110 : vector<16xf32>
        %parallel_loop3A_112 = arith.index_cast %parallel_loop3A_82 : i32 to index
        %parallel_loop3A_113 = arith.constant 16 : index
        %parallel_loop3A_114 = tpu.vector_load %arg7[%parallel_loop3A_112, %parallel_loop3A_113] {strides = array<i32>} : memref<128x128xf32, #tpu.memory_space<vmem>>, vector<1x16xf32>,
        %parallel_loop3A_115 = vector.shape_cast %parallel_loop3A_114 : vector<1x16xf32> to vector<16xf32>
        %parallel_loop3A_116 = vector.shape_cast %parallel_loop3A_111 : vector<16xf32> to vector<1x16xf32>
        tpu.vector_store %arg7[%parallel_loop3A_112, %parallel_loop3A_113], %parallel_loop3A_116 {strides = array<i32>} : memref<128x128xf32, #tpu.memory_space<vmem>>, vector<1x16xf32>,
        %parallel_loop3A_117 = arith.index_cast %parallel_loop3A_82 : i32 to index
        %parallel_loop3A_118 = arith.constant 32 : index
        %parallel_loop3A_119 = tpu.vector_load %arg8[%parallel_loop3A_117, %parallel_loop3A_118] {strides = array<i32>} : memref<128x128xf32, #tpu.memory_space<vmem>>, vector<1x16xf32>,
        %parallel_loop3A_120 = vector.shape_cast %parallel_loop3A_119 : vector<1x16xf32> to vector<16xf32>
        %parallel_loop3A_121 = arith.index_cast %parallel_loop3A_82 : i32 to index
        %parallel_loop3A_122 = arith.constant 32 : index
        %parallel_loop3A_123 = tpu.vector_load %arg7[%parallel_loop3A_121, %parallel_loop3A_122] {strides = array<i32>} : memref<128x128xf32, #tpu.memory_space<vmem>>, vector<1x16xf32>,
        %parallel_loop3A_124 = vector.shape_cast %parallel_loop3A_123 : vector<1x16xf32> to vector<16xf32>
        %parallel_loop3A_125 = arith.addf %parallel_loop3A_120, %parallel_loop3A_124 : vector<16xf32>
        %parallel_loop3A_126 = arith.constant 0.000000e+00 : f32
        %parallel_loop3A_127 = vector.broadcast %parallel_loop3A_126 : f32 to vector<16xf32>
        %parallel_loop3A_128 = arith.maximumf %parallel_loop3A_125, %parallel_loop3A_127 : vector<16xf32>
        %parallel_loop3A_129 = arith.index_cast %parallel_loop3A_82 : i32 to index
        %parallel_loop3A_130 = arith.constant 32 : index
        %parallel_loop3A_131 = tpu.vector_load %arg7[%parallel_loop3A_129, %parallel_loop3A_130] {strides = array<i32>} : memref<128x128xf32, #tpu.memory_space<vmem>>, vector<1x16xf32>,
        %parallel_loop3A_132 = vector.shape_cast %parallel_loop3A_131 : vector<1x16xf32> to vector<16xf32>
        %parallel_loop3A_133 = vector.shape_cast %parallel_loop3A_128 : vector<16xf32> to vector<1x16xf32>
        tpu.vector_store %arg7[%parallel_loop3A_129, %parallel_loop3A_130], %parallel_loop3A_133 {strides = array<i32>} : memref<128x128xf32, #tpu.memory_space<vmem>>, vector<1x16xf32>,
        %parallel_loop3A_134 = arith.index_cast %parallel_loop3A_82 : i32 to index
        %parallel_loop3A_135 = arith.constant 48 : index
        %parallel_loop3A_136 = tpu.vector_load %arg8[%parallel_loop3A_134, %parallel_loop3A_135] {strides = array<i32>} : memref<128x128xf32, #tpu.memory_space<vmem>>, vector<1x16xf32>,
        %parallel_loop3A_137 = vector.shape_cast %parallel_loop3A_136 : vector<1x16xf32> to vector<16xf32>
        %parallel_loop3A_138 = arith.index_cast %parallel_loop3A_82 : i32 to index
        %parallel_loop3A_139 = arith.constant 48 : index
        %parallel_loop3A_140 = tpu.vector_load %arg7[%parallel_loop3A_138, %parallel_loop3A_139] {strides = array<i32>} : memref<128x128xf32, #tpu.memory_space<vmem>>, vector<1x16xf32>,
        %parallel_loop3A_141 = vector.shape_cast %parallel_loop3A_140 : vector<1x16xf32> to vector<16xf32>
        %parallel_loop3A_142 = arith.addf %parallel_loop3A_137, %parallel_loop3A_141 : vector<16xf32>
        %parallel_loop3A_143 = arith.constant 0.000000e+00 : f32
        %parallel_loop3A_144 = vector.broadcast %parallel_loop3A_143 : f32 to vector<16xf32>
        %parallel_loop3A_145 = arith.maximumf %parallel_loop3A_142, %parallel_loop3A_144 : vector<16xf32>
        %parallel_loop3A_146 = arith.index_cast %parallel_loop3A_82 : i32 to index
        %parallel_loop3A_147 = arith.constant 48 : index
        %parallel_loop3A_148 = tpu.vector_load %arg7[%parallel_loop3A_146, %parallel_loop3A_147] {strides = array<i32>} : memref<128x128xf32, #tpu.memory_space<vmem>>, vector<1x16xf32>,
        %parallel_loop3A_149 = vector.shape_cast %parallel_loop3A_148 : vector<1x16xf32> to vector<16xf32>
        %parallel_loop3A_150 = vector.shape_cast %parallel_loop3A_145 : vector<16xf32> to vector<1x16xf32>
        tpu.vector_store %arg7[%parallel_loop3A_146, %parallel_loop3A_147], %parallel_loop3A_150 {strides = array<i32>} : memref<128x128xf32, #tpu.memory_space<vmem>>, vector<1x16xf32>,
        %parallel_loop3A_151 = arith.index_cast %parallel_loop3A_82 : i32 to index
        %parallel_loop3A_152 = arith.constant 64 : index
        %parallel_loop3A_153 = tpu.vector_load %arg8[%parallel_loop3A_151, %parallel_loop3A_152] {strides = array<i32>} : memref<128x128xf32, #tpu.memory_space<vmem>>, vector<1x16xf32>,
        %parallel_loop3A_154 = vector.shape_cast %parallel_loop3A_153 : vector<1x16xf32> to vector<16xf32>
        %parallel_loop3A_155 = arith.index_cast %parallel_loop3A_82 : i32 to index
        %parallel_loop3A_156 = arith.constant 64 : index
        %parallel_loop3A_157 = tpu.vector_load %arg7[%parallel_loop3A_155, %parallel_loop3A_156] {strides = array<i32>} : memref<128x128xf32, #tpu.memory_space<vmem>>, vector<1x16xf32>,
        %parallel_loop3A_158 = vector.shape_cast %parallel_loop3A_157 : vector<1x16xf32> to vector<16xf32>
        %parallel_loop3A_159 = arith.addf %parallel_loop3A_154, %parallel_loop3A_158 : vector<16xf32>
        %parallel_loop3A_160 = arith.constant 0.000000e+00 : f32
        %parallel_loop3A_161 = vector.broadcast %parallel_loop3A_160 : f32 to vector<16xf32>
        %parallel_loop3A_162 = arith.maximumf %parallel_loop3A_159, %parallel_loop3A_161 : vector<16xf32>
        %parallel_loop3A_163 = arith.index_cast %parallel_loop3A_82 : i32 to index
        %parallel_loop3A_164 = arith.constant 64 : index
        %parallel_loop3A_165 = tpu.vector_load %arg7[%parallel_loop3A_163, %parallel_loop3A_164] {strides = array<i32>} : memref<128x128xf32, #tpu.memory_space<vmem>>, vector<1x16xf32>,
        %parallel_loop3A_166 = vector.shape_cast %parallel_loop3A_165 : vector<1x16xf32> to vector<16xf32>
        %parallel_loop3A_167 = vector.shape_cast %parallel_loop3A_162 : vector<16xf32> to vector<1x16xf32>
        tpu.vector_store %arg7[%parallel_loop3A_163, %parallel_loop3A_164], %parallel_loop3A_167 {strides = array<i32>} : memref<128x128xf32, #tpu.memory_space<vmem>>, vector<1x16xf32>,
        %parallel_loop3A_168 = arith.index_cast %parallel_loop3A_82 : i32 to index
        %parallel_loop3A_169 = arith.constant 80 : index
        %parallel_loop3A_170 = tpu.vector_load %arg8[%parallel_loop3A_168, %parallel_loop3A_169] {strides = array<i32>} : memref<128x128xf32, #tpu.memory_space<vmem>>, vector<1x16xf32>,
        %parallel_loop3A_171 = vector.shape_cast %parallel_loop3A_170 : vector<1x16xf32> to vector<16xf32>
        %parallel_loop3A_172 = arith.index_cast %parallel_loop3A_82 : i32 to index
        %parallel_loop3A_173 = arith.constant 80 : index
        %parallel_loop3A_174 = tpu.vector_load %arg7[%parallel_loop3A_172, %parallel_loop3A_173] {strides = array<i32>} : memref<128x128xf32, #tpu.memory_space<vmem>>, vector<1x16xf32>,
        %parallel_loop3A_175 = vector.shape_cast %parallel_loop3A_174 : vector<1x16xf32> to vector<16xf32>
        %parallel_loop3A_176 = arith.addf %parallel_loop3A_171, %parallel_loop3A_175 : vector<16xf32>
        %parallel_loop3A_177 = arith.constant 0.000000e+00 : f32
        %parallel_loop3A_178 = vector.broadcast %parallel_loop3A_177 : f32 to vector<16xf32>
        %parallel_loop3A_179 = arith.maximumf %parallel_loop3A_176, %parallel_loop3A_178 : vector<16xf32>
        %parallel_loop3A_180 = arith.index_cast %parallel_loop3A_82 : i32 to index
        %parallel_loop3A_181 = arith.constant 80 : index
        %parallel_loop3A_182 = tpu.vector_load %arg7[%parallel_loop3A_180, %parallel_loop3A_181] {strides = array<i32>} : memref<128x128xf32, #tpu.memory_space<vmem>>, vector<1x16xf32>,
        %parallel_loop3A_183 = vector.shape_cast %parallel_loop3A_182 : vector<1x16xf32> to vector<16xf32>
        %parallel_loop3A_184 = vector.shape_cast %parallel_loop3A_179 : vector<16xf32> to vector<1x16xf32>
        tpu.vector_store %arg7[%parallel_loop3A_180, %parallel_loop3A_181], %parallel_loop3A_184 {strides = array<i32>} : memref<128x128xf32, #tpu.memory_space<vmem>>, vector<1x16xf32>,
        %parallel_loop3A_185 = arith.index_cast %parallel_loop3A_82 : i32 to index
        %parallel_loop3A_186 = arith.constant 96 : index
        %parallel_loop3A_187 = tpu.vector_load %arg8[%parallel_loop3A_185, %parallel_loop3A_186] {strides = array<i32>} : memref<128x128xf32, #tpu.memory_space<vmem>>, vector<1x16xf32>,
        %parallel_loop3A_188 = vector.shape_cast %parallel_loop3A_187 : vector<1x16xf32> to vector<16xf32>
        %parallel_loop3A_189 = arith.index_cast %parallel_loop3A_82 : i32 to index
        %parallel_loop3A_190 = arith.constant 96 : index
        %parallel_loop3A_191 = tpu.vector_load %arg7[%parallel_loop3A_189, %parallel_loop3A_190] {strides = array<i32>} : memref<128x128xf32, #tpu.memory_space<vmem>>, vector<1x16xf32>,
        %parallel_loop3A_192 = vector.shape_cast %parallel_loop3A_191 : vector<1x16xf32> to vector<16xf32>
        %parallel_loop3A_193 = arith.addf %parallel_loop3A_188, %parallel_loop3A_192 : vector<16xf32>
        %parallel_loop3A_194 = arith.constant 0.000000e+00 : f32
        %parallel_loop3A_195 = vector.broadcast %parallel_loop3A_194 : f32 to vector<16xf32>
        %parallel_loop3A_196 = arith.maximumf %parallel_loop3A_193, %parallel_loop3A_195 : vector<16xf32>
        %parallel_loop3A_197 = arith.index_cast %parallel_loop3A_82 : i32 to index
        %parallel_loop3A_198 = arith.constant 96 : index
        %parallel_loop3A_199 = tpu.vector_load %arg7[%parallel_loop3A_197, %parallel_loop3A_198] {strides = array<i32>} : memref<128x128xf32, #tpu.memory_space<vmem>>, vector<1x16xf32>,
        %parallel_loop3A_200 = vector.shape_cast %parallel_loop3A_199 : vector<1x16xf32> to vector<16xf32>
        %parallel_loop3A_201 = vector.shape_cast %parallel_loop3A_196 : vector<16xf32> to vector<1x16xf32>
        tpu.vector_store %arg7[%parallel_loop3A_197, %parallel_loop3A_198], %parallel_loop3A_201 {strides = array<i32>} : memref<128x128xf32, #tpu.memory_space<vmem>>, vector<1x16xf32>,
        %parallel_loop3A_202 = arith.index_cast %parallel_loop3A_82 : i32 to index
        %parallel_loop3A_203 = arith.constant 112 : index
        %parallel_loop3A_204 = tpu.vector_load %arg8[%parallel_loop3A_202, %parallel_loop3A_203] {strides = array<i32>} : memref<128x128xf32, #tpu.memory_space<vmem>>, vector<1x16xf32>,
        %parallel_loop3A_205 = vector.shape_cast %parallel_loop3A_204 : vector<1x16xf32> to vector<16xf32>
        %parallel_loop3A_206 = arith.index_cast %parallel_loop3A_82 : i32 to index
        %parallel_loop3A_207 = arith.constant 112 : index
        %parallel_loop3A_208 = tpu.vector_load %arg7[%parallel_loop3A_206, %parallel_loop3A_207] {strides = array<i32>} : memref<128x128xf32, #tpu.memory_space<vmem>>, vector<1x16xf32>,
        %parallel_loop3A_209 = vector.shape_cast %parallel_loop3A_208 : vector<1x16xf32> to vector<16xf32>
        %parallel_loop3A_210 = arith.addf %parallel_loop3A_205, %parallel_loop3A_209 : vector<16xf32>
        %parallel_loop3A_211 = arith.constant 0.000000e+00 : f32
        %parallel_loop3A_212 = vector.broadcast %parallel_loop3A_211 : f32 to vector<16xf32>
        %parallel_loop3A_213 = arith.maximumf %parallel_loop3A_210, %parallel_loop3A_212 : vector<16xf32>
        %parallel_loop3A_214 = arith.index_cast %parallel_loop3A_82 : i32 to index
        %parallel_loop3A_215 = arith.constant 112 : index
        %parallel_loop3A_216 = tpu.vector_load %arg7[%parallel_loop3A_214, %parallel_loop3A_215] {strides = array<i32>} : memref<128x128xf32, #tpu.memory_space<vmem>>, vector<1x16xf32>,
        %parallel_loop3A_217 = vector.shape_cast %parallel_loop3A_216 : vector<1x16xf32> to vector<16xf32>
        %parallel_loop3A_218 = vector.shape_cast %parallel_loop3A_213 : vector<16xf32> to vector<1x16xf32>
        tpu.vector_store %arg7[%parallel_loop3A_214, %parallel_loop3A_215], %parallel_loop3A_218 {strides = array<i32>} : memref<128x128xf32, #tpu.memory_space<vmem>>, vector<1x16xf32>,
      } {sc.loop_unroll_factor = 2 : i64, sc.parallel_access}
      %run_scoped3A = arith.constant 1 : i32
      "tpu.region"() ({
        %run_scoped3A_82 = tpu.sem_alloc : memref<!tpu.dma_semaphore, #tpu.memory_space<semaphore_mem>>
        %dma_start3A_83 = arith.constant 0 : i32
        %dma_start3A_84 = tpu.memref_slice %arg6[%run_scoped3A, %dma_start3A_83] : memref<2x128xi32, #tpu.memory_space<vmem>> -> memref<1x128xi32, #tpu.memory_space<vmem>>
        %dma_start3A_85 = tpu.memref_squeeze %dma_start3A_84 : memref<1x128xi32, #tpu.memory_space<vmem>> -> memref<128xi32, #tpu.memory_space<vmem>>
        %dma_start3A_86 = arith.constant 0 : i32
        %dma_start3A_87 = arith.constant 0 : i32
        %dma_start3A_88 = tpu.memref_slice %arg9[%dma_start3A_86, %dma_start3A_87] : memref<10240x128xf32, #tpu.memory_space<vmem_shared>> -> memref<10240x128xf32, #tpu.memory_space<vmem_shared>>
        tpu.enqueue_indirect_dma source(%arg7 : memref<128x128xf32, #tpu.memory_space<vmem>>) target(%dma_start3A_88 : memref<10240x128xf32, #tpu.memory_space<vmem_shared>>) offsets(%dma_start3A_85 : memref<128xi32, #tpu.memory_space<vmem>>) semaphore(%run_scoped3A_82 : memref<!tpu.dma_semaphore, #tpu.memory_space<semaphore_mem>>) {add = true}
        %dma_wait3A_89 = arith.constant 0 : i32
        %dma_wait3A_90 = tpu.memref_slice %arg6[%run_scoped3A, %dma_wait3A_89] : memref<2x128xi32, #tpu.memory_space<vmem>> -> memref<1x128xi32, #tpu.memory_space<vmem>>
        %dma_wait3A_91 = tpu.memref_squeeze %dma_wait3A_90 : memref<1x128xi32, #tpu.memory_space<vmem>> -> memref<128xi32, #tpu.memory_space<vmem>>
        %dma_wait3A_92 = arith.constant 0 : i32
        %dma_wait3A_93 = arith.constant 0 : i32
        %dma_wait3A_94 = tpu.memref_slice %arg9[%dma_wait3A_92, %dma_wait3A_93] : memref<10240x128xf32, #tpu.memory_space<vmem_shared>> -> memref<10240x128xf32, #tpu.memory_space<vmem_shared>>
        tpu.wait_indirect_dma semaphore(%run_scoped3A_82 : memref<!tpu.dma_semaphore, #tpu.memory_space<semaphore_mem>>) src(%arg7 : memref<128x128xf32, #tpu.memory_space<vmem>>) dst(%dma_wait3A_94 : memref<10240x128xf32, #tpu.memory_space<vmem_shared>>)
        tpu.yield
      }) : () -> ()
    }
    %scan3A_34 = arith.constant 79 : i32
    %barrier3A_35 = arith.constant 0 : index
    tpu.barrier barrier_id(%barrier3A_35)
    %mul3A_36 = arith.constant 640 : i32
    %mul3A_37 = arith.muli %arg1, %mul3A_36 : i32
    %add3A_38 = arith.constant 0 : i32
    %add3A_39 = arith.addi %mul3A_37, %add3A_38 : i32
    "tpu.region"() ({
      %run_scoped3A = tpu.sem_alloc : memref<!tpu.dma_semaphore, #tpu.memory_space<semaphore_mem>>
      %dma_start3A = arith.constant 0 : i32
      %dma_start3A_56 = tpu.memref_slice %arg5[%arg0, %add3A_39, %dma_start3A] : memref<2x10240x128xf32, #tpu.memory_space<hbm>> -> memref<1x128x128xf32, #tpu.memory_space<hbm>>
      %dma_start3A_57 = tpu.memref_squeeze %dma_start3A_56 : memref<1x128x128xf32, #tpu.memory_space<hbm>> -> memref<128x128xf32, #tpu.memory_space<hbm>>
      %dma_start3A_58 = arith.constant 0 : i32
      %dma_start3A_59 = tpu.memref_slice %arg9[%add3A_39, %dma_start3A_58] : memref<10240x128xf32, #tpu.memory_space<vmem_shared>> -> memref<128x128xf32, #tpu.memory_space<vmem_shared>>
      tpu.enqueue_dma source(%dma_start3A_59 : memref<128x128xf32, #tpu.memory_space<vmem_shared>>) target(%dma_start3A_57 : memref<128x128xf32, #tpu.memory_space<hbm>>) target_semaphore(%run_scoped3A : memref<!tpu.dma_semaphore, #tpu.memory_space<semaphore_mem>>)
      %dma_wait3A = arith.constant 0 : i32
      %dma_wait3A_60 = tpu.memref_slice %arg5[%arg0, %add3A_39, %dma_wait3A] : memref<2x10240x128xf32, #tpu.memory_space<hbm>> -> memref<1x128x128xf32, #tpu.memory_space<hbm>>
      %dma_wait3A_61 = tpu.memref_squeeze %dma_wait3A_60 : memref<1x128x128xf32, #tpu.memory_space<hbm>> -> memref<128x128xf32, #tpu.memory_space<hbm>>
      %dma_wait3A_62 = arith.constant 0 : i32
      %dma_wait3A_63 = tpu.memref_slice %arg9[%add3A_39, %dma_wait3A_62] : memref<10240x128xf32, #tpu.memory_space<vmem_shared>> -> memref<128x128xf32, #tpu.memory_space<vmem_shared>>
      tpu.wait_dma2 semaphore(%run_scoped3A : memref<!tpu.dma_semaphore, #tpu.memory_space<semaphore_mem>>) src(%dma_wait3A_63 : memref<128x128xf32, #tpu.memory_space<vmem_shared>>) dst(%dma_wait3A_61 : memref<128x128xf32, #tpu.memory_space<hbm>>)
      tpu.yield
    }) : () -> ()
    %mul3A_40 = arith.constant 640 : i32
    %mul3A_41 = arith.muli %arg1, %mul3A_40 : i32
    %add3A_42 = arith.constant 128 : i32
    %add3A_43 = arith.addi %mul3A_41, %add3A_42 : i32
    "tpu.region"() ({
      %run_scoped3A = tpu.sem_alloc : memref<!tpu.dma_semaphore, #tpu.memory_space<semaphore_mem>>
      %dma_start3A = arith.constant 0 : i32
      %dma_start3A_56 = tpu.memref_slice %arg5[%arg0, %add3A_43, %dma_start3A] : memref<2x10240x128xf32, #tpu.memory_space<hbm>> -> memref<1x128x128xf32, #tpu.memory_space<hbm>>
      %dma_start3A_57 = tpu.memref_squeeze %dma_start3A_56 : memref<1x128x128xf32, #tpu.memory_space<hbm>> -> memref<128x128xf32, #tpu.memory_space<hbm>>
      %dma_start3A_58 = arith.constant 0 : i32
      %dma_start3A_59 = tpu.memref_slice %arg9[%add3A_43, %dma_start3A_58] : memref<10240x128xf32, #tpu.memory_space<vmem_shared>> -> memref<128x128xf32, #tpu.memory_space<vmem_shared>>
      tpu.enqueue_dma source(%dma_start3A_59 : memref<128x128xf32, #tpu.memory_space<vmem_shared>>) target(%dma_start3A_57 : memref<128x128xf32, #tpu.memory_space<hbm>>) target_semaphore(%run_scoped3A : memref<!tpu.dma_semaphore, #tpu.memory_space<semaphore_mem>>)
      %dma_wait3A = arith.constant 0 : i32
      %dma_wait3A_60 = tpu.memref_slice %arg5[%arg0, %add3A_43, %dma_wait3A] : memref<2x10240x128xf32, #tpu.memory_space<hbm>> -> memref<1x128x128xf32, #tpu.memory_space<hbm>>
      %dma_wait3A_61 = tpu.memref_squeeze %dma_wait3A_60 : memref<1x128x128xf32, #tpu.memory_space<hbm>> -> memref<128x128xf32, #tpu.memory_space<hbm>>
      %dma_wait3A_62 = arith.constant 0 : i32
      %dma_wait3A_63 = tpu.memref_slice %arg9[%add3A_43, %dma_wait3A_62] : memref<10240x128xf32, #tpu.memory_space<vmem_shared>> -> memref<128x128xf32, #tpu.memory_space<vmem_shared>>
      tpu.wait_dma2 semaphore(%run_scoped3A : memref<!tpu.dma_semaphore, #tpu.memory_space<semaphore_mem>>) src(%dma_wait3A_63 : memref<128x128xf32, #tpu.memory_space<vmem_shared>>) dst(%dma_wait3A_61 : memref<128x128xf32, #tpu.memory_space<hbm>>)
      tpu.yield
    }) : () -> ()
    %mul3A_44 = arith.constant 640 : i32
    %mul3A_45 = arith.muli %arg1, %mul3A_44 : i32
    %add3A_46 = arith.constant 256 : i32
    %add3A_47 = arith.addi %mul3A_45, %add3A_46 : i32
    "tpu.region"() ({
      %run_scoped3A = tpu.sem_alloc : memref<!tpu.dma_semaphore, #tpu.memory_space<semaphore_mem>>
      %dma_start3A = arith.constant 0 : i32
      %dma_start3A_56 = tpu.memref_slice %arg5[%arg0, %add3A_47, %dma_start3A] : memref<2x10240x128xf32, #tpu.memory_space<hbm>> -> memref<1x128x128xf32, #tpu.memory_space<hbm>>
      %dma_start3A_57 = tpu.memref_squeeze %dma_start3A_56 : memref<1x128x128xf32, #tpu.memory_space<hbm>> -> memref<128x128xf32, #tpu.memory_space<hbm>>
      %dma_start3A_58 = arith.constant 0 : i32
      %dma_start3A_59 = tpu.memref_slice %arg9[%add3A_47, %dma_start3A_58] : memref<10240x128xf32, #tpu.memory_space<vmem_shared>> -> memref<128x128xf32, #tpu.memory_space<vmem_shared>>
      tpu.enqueue_dma source(%dma_start3A_59 : memref<128x128xf32, #tpu.memory_space<vmem_shared>>) target(%dma_start3A_57 : memref<128x128xf32, #tpu.memory_space<hbm>>) target_semaphore(%run_scoped3A : memref<!tpu.dma_semaphore, #tpu.memory_space<semaphore_mem>>)
      %dma_wait3A = arith.constant 0 : i32
      %dma_wait3A_60 = tpu.memref_slice %arg5[%arg0, %add3A_47, %dma_wait3A] : memref<2x10240x128xf32, #tpu.memory_space<hbm>> -> memref<1x128x128xf32, #tpu.memory_space<hbm>>
      %dma_wait3A_61 = tpu.memref_squeeze %dma_wait3A_60 : memref<1x128x128xf32, #tpu.memory_space<hbm>> -> memref<128x128xf32, #tpu.memory_space<hbm>>
      %dma_wait3A_62 = arith.constant 0 : i32
      %dma_wait3A_63 = tpu.memref_slice %arg9[%add3A_47, %dma_wait3A_62] : memref<10240x128xf32, #tpu.memory_space<vmem_shared>> -> memref<128x128xf32, #tpu.memory_space<vmem_shared>>
      tpu.wait_dma2 semaphore(%run_scoped3A : memref<!tpu.dma_semaphore, #tpu.memory_space<semaphore_mem>>) src(%dma_wait3A_63 : memref<128x128xf32, #tpu.memory_space<vmem_shared>>) dst(%dma_wait3A_61 : memref<128x128xf32, #tpu.memory_space<hbm>>)
      tpu.yield
    }) : () -> ()
    %mul3A_48 = arith.constant 640 : i32
    %mul3A_49 = arith.muli %arg1, %mul3A_48 : i32
    %add3A_50 = arith.constant 384 : i32
    %add3A_51 = arith.addi %mul3A_49, %add3A_50 : i32
    "tpu.region"() ({
      %run_scoped3A = tpu.sem_alloc : memref<!tpu.dma_semaphore, #tpu.memory_space<semaphore_mem>>
      %dma_start3A = arith.constant 0 : i32
      %dma_start3A_56 = tpu.memref_slice %arg5[%arg0, %add3A_51, %dma_start3A] : memref<2x10240x128xf32, #tpu.memory_space<hbm>> -> memref<1x128x128xf32, #tpu.memory_space<hbm>>
      %dma_start3A_57 = tpu.memref_squeeze %dma_start3A_56 : memref<1x128x128xf32, #tpu.memory_space<hbm>> -> memref<128x128xf32, #tpu.memory_space<hbm>>
      %dma_start3A_58 = arith.constant 0 : i32
      %dma_start3A_59 = tpu.memref_slice %arg9[%add3A_51, %dma_start3A_58] : memref<10240x128xf32, #tpu.memory_space<vmem_shared>> -> memref<128x128xf32, #tpu.memory_space<vmem_shared>>
      tpu.enqueue_dma source(%dma_start3A_59 : memref<128x128xf32, #tpu.memory_space<vmem_shared>>) target(%dma_start3A_57 : memref<128x128xf32, #tpu.memory_space<hbm>>) target_semaphore(%run_scoped3A : memref<!tpu.dma_semaphore, #tpu.memory_space<semaphore_mem>>)
      %dma_wait3A = arith.constant 0 : i32
      %dma_wait3A_60 = tpu.memref_slice %arg5[%arg0, %add3A_51, %dma_wait3A] : memref<2x10240x128xf32, #tpu.memory_space<hbm>> -> memref<1x128x128xf32, #tpu.memory_space<hbm>>
      %dma_wait3A_61 = tpu.memref_squeeze %dma_wait3A_60 : memref<1x128x128xf32, #tpu.memory_space<hbm>> -> memref<128x128xf32, #tpu.memory_space<hbm>>
      %dma_wait3A_62 = arith.constant 0 : i32
      %dma_wait3A_63 = tpu.memref_slice %arg9[%add3A_51, %dma_wait3A_62] : memref<10240x128xf32, #tpu.memory_space<vmem_shared>> -> memref<128x128xf32, #tpu.memory_space<vmem_shared>>
      tpu.wait_dma2 semaphore(%run_scoped3A : memref<!tpu.dma_semaphore, #tpu.memory_space<semaphore_mem>>) src(%dma_wait3A_63 : memref<128x128xf32, #tpu.memory_space<vmem_shared>>) dst(%dma_wait3A_61 : memref<128x128xf32, #tpu.memory_space<hbm>>)
      tpu.yield
    }) : () -> ()
    %mul3A_52 = arith.constant 640 : i32
    %mul3A_53 = arith.muli %arg1, %mul3A_52 : i32
    %add3A_54 = arith.constant 512 : i32
    %add3A_55 = arith.addi %mul3A_53, %add3A_54 : i32
    "tpu.region"() ({
      %run_scoped3A = tpu.sem_alloc : memref<!tpu.dma_semaphore, #tpu.memory_space<semaphore_mem>>
      %dma_start3A = arith.constant 0 : i32
      %dma_start3A_56 = tpu.memref_slice %arg5[%arg0, %add3A_55, %dma_start3A] : memref<2x10240x128xf32, #tpu.memory_space<hbm>> -> memref<1x128x128xf32, #tpu.memory_space<hbm>>
      %dma_start3A_57 = tpu.memref_squeeze %dma_start3A_56 : memref<1x128x128xf32, #tpu.memory_space<hbm>> -> memref<128x128xf32, #tpu.memory_space<hbm>>
      %dma_start3A_58 = arith.constant 0 : i32
      %dma_start3A_59 = tpu.memref_slice %arg9[%add3A_55, %dma_start3A_58] : memref<10240x128xf32, #tpu.memory_space<vmem_shared>> -> memref<128x128xf32, #tpu.memory_space<vmem_shared>>
      tpu.enqueue_dma source(%dma_start3A_59 : memref<128x128xf32, #tpu.memory_space<vmem_shared>>) target(%dma_start3A_57 : memref<128x128xf32, #tpu.memory_space<hbm>>) target_semaphore(%run_scoped3A : memref<!tpu.dma_semaphore, #tpu.memory_space<semaphore_mem>>)
      %dma_wait3A = arith.constant 0 : i32
      %dma_wait3A_60 = tpu.memref_slice %arg5[%arg0, %add3A_55, %dma_wait3A] : memref<2x10240x128xf32, #tpu.memory_space<hbm>> -> memref<1x128x128xf32, #tpu.memory_space<hbm>>
      %dma_wait3A_61 = tpu.memref_squeeze %dma_wait3A_60 : memref<1x128x128xf32, #tpu.memory_space<hbm>> -> memref<128x128xf32, #tpu.memory_space<hbm>>
      %dma_wait3A_62 = arith.constant 0 : i32
      %dma_wait3A_63 = tpu.memref_slice %arg9[%add3A_55, %dma_wait3A_62] : memref<10240x128xf32, #tpu.memory_space<vmem_shared>> -> memref<128x128xf32, #tpu.memory_space<vmem_shared>>
      tpu.wait_dma2 semaphore(%run_scoped3A : memref<!tpu.dma_semaphore, #tpu.memory_space<semaphore_mem>>) src(%dma_wait3A_63 : memref<128x128xf32, #tpu.memory_space<vmem_shared>>) dst(%dma_wait3A_61 : memref<128x128xf32, #tpu.memory_space<hbm>>)
      tpu.yield
    }) : () -> ()
    return
  }
}

#map = affine_map<(d0, d1) -> (0, 0)>
#map1 = affine_map<(d0, d1) -> (0, 0, 0, 0)>
#map2 = affine_map<(d0, d1) -> (0, 0, 0)>
module attributes {stable_mosaic.version = 14 : i64} {
  func.func @_sc_body(%arg0: i32, %arg1: i32, %arg2: memref<10000x128xf32, #tpu.memory_space<hbm>>, %arg3: memref<323584x128xf32, #tpu.memory_space<hbm>>, %arg4: memref<32x79x2x128xi32, #tpu.memory_space<hbm>>, %arg5: memref<2x10240x128xf32, #tpu.memory_space<hbm>>, %arg6: memref<2x128xi32, #tpu.memory_space<vmem>>, %arg7: memref<128x128xf32, #tpu.memory_space<vmem>>, %arg8: memref<128x128xf32, #tpu.memory_space<vmem>>, %arg9: memref<10240x128xf32, #tpu.memory_space<vmem_shared>>, %arg10: memref<!tpu.dma_semaphore, #tpu.memory_space<semaphore_mem>>, %arg11: memref<!tpu.dma_semaphore, #tpu.memory_space<semaphore_mem>>) attributes {dimension_semantics = [#tpu.dimension_semantics<core_parallel>, #tpu.dimension_semantics<subcore_parallel>], iteration_bounds = array<i64: 2, 16>, scalar_prefetch = 0 : i64, scratch_operands = 6 : i64, tpu.core_type = #tpu.core_type<sc_vector_subcore>, window_params = [{transform_indices = #map}, {transform_indices = #map}, {transform_indices = #map1}, {transform_indices = #map2}]} {
    %mul3A = arith.constant 16 : i32
    %mul3A_0 = arith.muli %arg0, %mul3A : i32
    %add3A = arith.addi %mul3A_0, %arg1 : i32
    %mul3A_1 = arith.constant 10112 : i32
    %mul3A_2 = arith.muli %add3A, %mul3A_1 : i32
    %broadcast_in_dim3A = arith.constant 0.000000e+00 : f32
    %broadcast_in_dim3A_3 = vector.broadcast %broadcast_in_dim3A : f32 to vector<16xf32>
    %scan3A = arith.constant 0 : i32
    %scan3A_4 = arith.constant 0 : i32
    %scan3A_5 = arith.constant 128 : i32
    %scan3A_6 = arith.addi %scan3A_4, %scan3A_5 : i32
    %scan3A_7 = arith.constant 1 : i32
    scf.for %scan3A_56 = %scan3A_4 to %scan3A_6 step %scan3A_7  : i32 {
      %swap3A = arith.index_cast %scan3A_56 : i32 to index
      %swap3A_57 = arith.constant 0 : index
      %swap3A_58 = tpu.vector_load %arg8[%swap3A, %swap3A_57] {strides = array<i32>} : memref<128x128xf32, #tpu.memory_space<vmem>>, vector<1x16xf32>,
      %swap3A_59 = vector.shape_cast %swap3A_58 : vector<1x16xf32> to vector<16xf32>
      %swap3A_60 = vector.shape_cast %broadcast_in_dim3A_3 : vector<16xf32> to vector<1x16xf32>
      tpu.vector_store %arg8[%swap3A, %swap3A_57], %swap3A_60 {strides = array<i32>} : memref<128x128xf32, #tpu.memory_space<vmem>>, vector<1x16xf32>,
      %swap3A_61 = arith.index_cast %scan3A_56 : i32 to index
      %swap3A_62 = arith.constant 16 : index
      %swap3A_63 = tpu.vector_load %arg8[%swap3A_61, %swap3A_62] {strides = array<i32>} : memref<128x128xf32, #tpu.memory_space<vmem>>, vector<1x16xf32>,
      %swap3A_64 = vector.shape_cast %swap3A_63 : vector<1x16xf32> to vector<16xf32>
      %swap3A_65 = vector.shape_cast %broadcast_in_dim3A_3 : vector<16xf32> to vector<1x16xf32>
      tpu.vector_store %arg8[%swap3A_61, %swap3A_62], %swap3A_65 {strides = array<i32>} : memref<128x128xf32, #tpu.memory_space<vmem>>, vector<1x16xf32>,
      %swap3A_66 = arith.index_cast %scan3A_56 : i32 to index
      %swap3A_67 = arith.constant 32 : index
      %swap3A_68 = tpu.vector_load %arg8[%swap3A_66, %swap3A_67] {strides = array<i32>} : memref<128x128xf32, #tpu.memory_space<vmem>>, vector<1x16xf32>,
      %swap3A_69 = vector.shape_cast %swap3A_68 : vector<1x16xf32> to vector<16xf32>
      %swap3A_70 = vector.shape_cast %broadcast_in_dim3A_3 : vector<16xf32> to vector<1x16xf32>
      tpu.vector_store %arg8[%swap3A_66, %swap3A_67], %swap3A_70 {strides = array<i32>} : memref<128x128xf32, #tpu.memory_space<vmem>>, vector<1x16xf32>,
      %swap3A_71 = arith.index_cast %scan3A_56 : i32 to index
      %swap3A_72 = arith.constant 48 : index
      %swap3A_73 = tpu.vector_load %arg8[%swap3A_71, %swap3A_72] {strides = array<i32>} : memref<128x128xf32, #tpu.memory_space<vmem>>, vector<1x16xf32>,
      %swap3A_74 = vector.shape_cast %swap3A_73 : vector<1x16xf32> to vector<16xf32>
      %swap3A_75 = vector.shape_cast %broadcast_in_dim3A_3 : vector<16xf32> to vector<1x16xf32>
      tpu.vector_store %arg8[%swap3A_71, %swap3A_72], %swap3A_75 {strides = array<i32>} : memref<128x128xf32, #tpu.memory_space<vmem>>, vector<1x16xf32>,
      %swap3A_76 = arith.index_cast %scan3A_56 : i32 to index
      %swap3A_77 = arith.constant 64 : index
      %swap3A_78 = tpu.vector_load %arg8[%swap3A_76, %swap3A_77] {strides = array<i32>} : memref<128x128xf32, #tpu.memory_space<vmem>>, vector<1x16xf32>,
      %swap3A_79 = vector.shape_cast %swap3A_78 : vector<1x16xf32> to vector<16xf32>
      %swap3A_80 = vector.shape_cast %broadcast_in_dim3A_3 : vector<16xf32> to vector<1x16xf32>
      tpu.vector_store %arg8[%swap3A_76, %swap3A_77], %swap3A_80 {strides = array<i32>} : memref<128x128xf32, #tpu.memory_space<vmem>>, vector<1x16xf32>,
      %swap3A_81 = arith.index_cast %scan3A_56 : i32 to index
      %swap3A_82 = arith.constant 80 : index
      %swap3A_83 = tpu.vector_load %arg8[%swap3A_81, %swap3A_82] {strides = array<i32>} : memref<128x128xf32, #tpu.memory_space<vmem>>, vector<1x16xf32>,
      %swap3A_84 = vector.shape_cast %swap3A_83 : vector<1x16xf32> to vector<16xf32>
      %swap3A_85 = vector.shape_cast %broadcast_in_dim3A_3 : vector<16xf32> to vector<1x16xf32>
      tpu.vector_store %arg8[%swap3A_81, %swap3A_82], %swap3A_85 {strides = array<i32>} : memref<128x128xf32, #tpu.memory_space<vmem>>, vector<1x16xf32>,
      %swap3A_86 = arith.index_cast %scan3A_56 : i32 to index
      %swap3A_87 = arith.constant 96 : index
      %swap3A_88 = tpu.vector_load %arg8[%swap3A_86, %swap3A_87] {strides = array<i32>} : memref<128x128xf32, #tpu.memory_space<vmem>>, vector<1x16xf32>,
      %swap3A_89 = vector.shape_cast %swap3A_88 : vector<1x16xf32> to vector<16xf32>
      %swap3A_90 = vector.shape_cast %broadcast_in_dim3A_3 : vector<16xf32> to vector<1x16xf32>
      tpu.vector_store %arg8[%swap3A_86, %swap3A_87], %swap3A_90 {strides = array<i32>} : memref<128x128xf32, #tpu.memory_space<vmem>>, vector<1x16xf32>,
      %swap3A_91 = arith.index_cast %scan3A_56 : i32 to index
      %swap3A_92 = arith.constant 112 : index
      %swap3A_93 = tpu.vector_load %arg8[%swap3A_91, %swap3A_92] {strides = array<i32>} : memref<128x128xf32, #tpu.memory_space<vmem>>, vector<1x16xf32>,
      %swap3A_94 = vector.shape_cast %swap3A_93 : vector<1x16xf32> to vector<16xf32>
      %swap3A_95 = vector.shape_cast %broadcast_in_dim3A_3 : vector<16xf32> to vector<1x16xf32>
      tpu.vector_store %arg8[%swap3A_91, %swap3A_92], %swap3A_95 {strides = array<i32>} : memref<128x128xf32, #tpu.memory_space<vmem>>, vector<1x16xf32>,
    }
    %scan3A_8 = arith.constant 128 : i32
    %mul3A_9 = arith.constant 640 : i32
    %mul3A_10 = arith.muli %arg1, %mul3A_9 : i32
    %add3A_11 = arith.constant 0 : i32
    %add3A_12 = arith.addi %mul3A_10, %add3A_11 : i32
    "tpu.region"() ({
      %run_scoped3A = tpu.sem_alloc : memref<!tpu.dma_semaphore, #tpu.memory_space<semaphore_mem>>
      %dma_start3A = arith.constant 0 : i32
      %dma_start3A_56 = tpu.memref_slice %arg9[%add3A_12, %dma_start3A] : memref<10240x128xf32, #tpu.memory_space<vmem_shared>> -> memref<128x128xf32, #tpu.memory_space<vmem_shared>>
      %dma_start3A_57 = arith.constant 0 : i32
      %dma_start3A_58 = tpu.memref_slice %arg9[%add3A_12, %dma_start3A_57] : memref<10240x128xf32, #tpu.memory_space<vmem_shared>> -> memref<128x128xf32, #tpu.memory_space<vmem_shared>>
      tpu.enqueue_dma source(%arg8 : memref<128x128xf32, #tpu.memory_space<vmem>>) target(%dma_start3A_58 : memref<128x128xf32, #tpu.memory_space<vmem_shared>>) target_semaphore(%run_scoped3A : memref<!tpu.dma_semaphore, #tpu.memory_space<semaphore_mem>>)
      %dma_wait3A = arith.constant 0 : i32
      %dma_wait3A_59 = tpu.memref_slice %arg9[%add3A_12, %dma_wait3A] : memref<10240x128xf32, #tpu.memory_space<vmem_shared>> -> memref<128x128xf32, #tpu.memory_space<vmem_shared>>
      %dma_wait3A_60 = arith.constant 0 : i32
      %dma_wait3A_61 = tpu.memref_slice %arg9[%add3A_12, %dma_wait3A_60] : memref<10240x128xf32, #tpu.memory_space<vmem_shared>> -> memref<128x128xf32, #tpu.memory_space<vmem_shared>>
      tpu.wait_dma2 semaphore(%run_scoped3A : memref<!tpu.dma_semaphore, #tpu.memory_space<semaphore_mem>>) src(%arg8 : memref<128x128xf32, #tpu.memory_space<vmem>>) dst(%dma_wait3A_61 : memref<128x128xf32, #tpu.memory_space<vmem_shared>>)
      tpu.yield
    }) : () -> ()
    %mul3A_13 = arith.constant 640 : i32
    %mul3A_14 = arith.muli %arg1, %mul3A_13 : i32
    %add3A_15 = arith.constant 128 : i32
    %add3A_16 = arith.addi %mul3A_14, %add3A_15 : i32
    "tpu.region"() ({
      %run_scoped3A = tpu.sem_alloc : memref<!tpu.dma_semaphore, #tpu.memory_space<semaphore_mem>>
      %dma_start3A = arith.constant 0 : i32
      %dma_start3A_56 = tpu.memref_slice %arg9[%add3A_16, %dma_start3A] : memref<10240x128xf32, #tpu.memory_space<vmem_shared>> -> memref<128x128xf32, #tpu.memory_space<vmem_shared>>
      %dma_start3A_57 = arith.constant 0 : i32
      %dma_start3A_58 = tpu.memref_slice %arg9[%add3A_16, %dma_start3A_57] : memref<10240x128xf32, #tpu.memory_space<vmem_shared>> -> memref<128x128xf32, #tpu.memory_space<vmem_shared>>
      tpu.enqueue_dma source(%arg8 : memref<128x128xf32, #tpu.memory_space<vmem>>) target(%dma_start3A_58 : memref<128x128xf32, #tpu.memory_space<vmem_shared>>) target_semaphore(%run_scoped3A : memref<!tpu.dma_semaphore, #tpu.memory_space<semaphore_mem>>)
      %dma_wait3A = arith.constant 0 : i32
      %dma_wait3A_59 = tpu.memref_slice %arg9[%add3A_16, %dma_wait3A] : memref<10240x128xf32, #tpu.memory_space<vmem_shared>> -> memref<128x128xf32, #tpu.memory_space<vmem_shared>>
      %dma_wait3A_60 = arith.constant 0 : i32
      %dma_wait3A_61 = tpu.memref_slice %arg9[%add3A_16, %dma_wait3A_60] : memref<10240x128xf32, #tpu.memory_space<vmem_shared>> -> memref<128x128xf32, #tpu.memory_space<vmem_shared>>
      tpu.wait_dma2 semaphore(%run_scoped3A : memref<!tpu.dma_semaphore, #tpu.memory_space<semaphore_mem>>) src(%arg8 : memref<128x128xf32, #tpu.memory_space<vmem>>) dst(%dma_wait3A_61 : memref<128x128xf32, #tpu.memory_space<vmem_shared>>)
      tpu.yield
    }) : () -> ()
    %mul3A_17 = arith.constant 640 : i32
    %mul3A_18 = arith.muli %arg1, %mul3A_17 : i32
    %add3A_19 = arith.constant 256 : i32
    %add3A_20 = arith.addi %mul3A_18, %add3A_19 : i32
    "tpu.region"() ({
      %run_scoped3A = tpu.sem_alloc : memref<!tpu.dma_semaphore, #tpu.memory_space<semaphore_mem>>
      %dma_start3A = arith.constant 0 : i32
      %dma_start3A_56 = tpu.memref_slice %arg9[%add3A_20, %dma_start3A] : memref<10240x128xf32, #tpu.memory_space<vmem_shared>> -> memref<128x128xf32, #tpu.memory_space<vmem_shared>>
      %dma_start3A_57 = arith.constant 0 : i32
      %dma_start3A_58 = tpu.memref_slice %arg9[%add3A_20, %dma_start3A_57] : memref<10240x128xf32, #tpu.memory_space<vmem_shared>> -> memref<128x128xf32, #tpu.memory_space<vmem_shared>>
      tpu.enqueue_dma source(%arg8 : memref<128x128xf32, #tpu.memory_space<vmem>>) target(%dma_start3A_58 : memref<128x128xf32, #tpu.memory_space<vmem_shared>>) target_semaphore(%run_scoped3A : memref<!tpu.dma_semaphore, #tpu.memory_space<semaphore_mem>>)
      %dma_wait3A = arith.constant 0 : i32
      %dma_wait3A_59 = tpu.memref_slice %arg9[%add3A_20, %dma_wait3A] : memref<10240x128xf32, #tpu.memory_space<vmem_shared>> -> memref<128x128xf32, #tpu.memory_space<vmem_shared>>
      %dma_wait3A_60 = arith.constant 0 : i32
      %dma_wait3A_61 = tpu.memref_slice %arg9[%add3A_20, %dma_wait3A_60] : memref<10240x128xf32, #tpu.memory_space<vmem_shared>> -> memref<128x128xf32, #tpu.memory_space<vmem_shared>>
      tpu.wait_dma2 semaphore(%run_scoped3A : memref<!tpu.dma_semaphore, #tpu.memory_space<semaphore_mem>>) src(%arg8 : memref<128x128xf32, #tpu.memory_space<vmem>>) dst(%dma_wait3A_61 : memref<128x128xf32, #tpu.memory_space<vmem_shared>>)
      tpu.yield
    }) : () -> ()
    %mul3A_21 = arith.constant 640 : i32
    %mul3A_22 = arith.muli %arg1, %mul3A_21 : i32
    %add3A_23 = arith.constant 384 : i32
    %add3A_24 = arith.addi %mul3A_22, %add3A_23 : i32
    "tpu.region"() ({
      %run_scoped3A = tpu.sem_alloc : memref<!tpu.dma_semaphore, #tpu.memory_space<semaphore_mem>>
      %dma_start3A = arith.constant 0 : i32
      %dma_start3A_56 = tpu.memref_slice %arg9[%add3A_24, %dma_start3A] : memref<10240x128xf32, #tpu.memory_space<vmem_shared>> -> memref<128x128xf32, #tpu.memory_space<vmem_shared>>
      %dma_start3A_57 = arith.constant 0 : i32
      %dma_start3A_58 = tpu.memref_slice %arg9[%add3A_24, %dma_start3A_57] : memref<10240x128xf32, #tpu.memory_space<vmem_shared>> -> memref<128x128xf32, #tpu.memory_space<vmem_shared>>
      tpu.enqueue_dma source(%arg8 : memref<128x128xf32, #tpu.memory_space<vmem>>) target(%dma_start3A_58 : memref<128x128xf32, #tpu.memory_space<vmem_shared>>) target_semaphore(%run_scoped3A : memref<!tpu.dma_semaphore, #tpu.memory_space<semaphore_mem>>)
      %dma_wait3A = arith.constant 0 : i32
      %dma_wait3A_59 = tpu.memref_slice %arg9[%add3A_24, %dma_wait3A] : memref<10240x128xf32, #tpu.memory_space<vmem_shared>> -> memref<128x128xf32, #tpu.memory_space<vmem_shared>>
      %dma_wait3A_60 = arith.constant 0 : i32
      %dma_wait3A_61 = tpu.memref_slice %arg9[%add3A_24, %dma_wait3A_60] : memref<10240x128xf32, #tpu.memory_space<vmem_shared>> -> memref<128x128xf32, #tpu.memory_space<vmem_shared>>
      tpu.wait_dma2 semaphore(%run_scoped3A : memref<!tpu.dma_semaphore, #tpu.memory_space<semaphore_mem>>) src(%arg8 : memref<128x128xf32, #tpu.memory_space<vmem>>) dst(%dma_wait3A_61 : memref<128x128xf32, #tpu.memory_space<vmem_shared>>)
      tpu.yield
    }) : () -> ()
    %mul3A_25 = arith.constant 640 : i32
    %mul3A_26 = arith.muli %arg1, %mul3A_25 : i32
    %add3A_27 = arith.constant 512 : i32
    %add3A_28 = arith.addi %mul3A_26, %add3A_27 : i32
    "tpu.region"() ({
      %run_scoped3A = tpu.sem_alloc : memref<!tpu.dma_semaphore, #tpu.memory_space<semaphore_mem>>
      %dma_start3A = arith.constant 0 : i32
      %dma_start3A_56 = tpu.memref_slice %arg9[%add3A_28, %dma_start3A] : memref<10240x128xf32, #tpu.memory_space<vmem_shared>> -> memref<128x128xf32, #tpu.memory_space<vmem_shared>>
      %dma_start3A_57 = arith.constant 0 : i32
      %dma_start3A_58 = tpu.memref_slice %arg9[%add3A_28, %dma_start3A_57] : memref<10240x128xf32, #tpu.memory_space<vmem_shared>> -> memref<128x128xf32, #tpu.memory_space<vmem_shared>>
      tpu.enqueue_dma source(%arg8 : memref<128x128xf32, #tpu.memory_space<vmem>>) target(%dma_start3A_58 : memref<128x128xf32, #tpu.memory_space<vmem_shared>>) target_semaphore(%run_scoped3A : memref<!tpu.dma_semaphore, #tpu.memory_space<semaphore_mem>>)
      %dma_wait3A = arith.constant 0 : i32
      %dma_wait3A_59 = tpu.memref_slice %arg9[%add3A_28, %dma_wait3A] : memref<10240x128xf32, #tpu.memory_space<vmem_shared>> -> memref<128x128xf32, #tpu.memory_space<vmem_shared>>
      %dma_wait3A_60 = arith.constant 0 : i32
      %dma_wait3A_61 = tpu.memref_slice %arg9[%add3A_28, %dma_wait3A_60] : memref<10240x128xf32, #tpu.memory_space<vmem_shared>> -> memref<128x128xf32, #tpu.memory_space<vmem_shared>>
      tpu.wait_dma2 semaphore(%run_scoped3A : memref<!tpu.dma_semaphore, #tpu.memory_space<semaphore_mem>>) src(%arg8 : memref<128x128xf32, #tpu.memory_space<vmem>>) dst(%dma_wait3A_61 : memref<128x128xf32, #tpu.memory_space<vmem_shared>>)
      tpu.yield
    }) : () -> ()
    %barrier3A = arith.constant 0 : index
    tpu.barrier barrier_id(%barrier3A)
    %scan3A_29 = arith.constant 0 : i32
    %scan3A_30 = arith.constant 0 : i32
    %scan3A_31 = arith.constant 79 : i32
    %scan3A_32 = arith.addi %scan3A_30, %scan3A_31 : i32
    %scan3A_33 = arith.constant 1 : i32
    scf.for %scan3A_56 = %scan3A_30 to %scan3A_32 step %scan3A_33  : i32 {
      %mul3A_57 = arith.constant 128 : i32
      %mul3A_58 = arith.muli %scan3A_56, %mul3A_57 : i32
      %add3A_59 = arith.addi %mul3A_2, %mul3A_58 : i32
      "tpu.region"() ({
        %run_scoped3A_82 = tpu.sem_alloc : memref<!tpu.dma_semaphore, #tpu.memory_space<semaphore_mem>>
        %dma_start3A_83 = arith.constant 0 : i32
        %dma_start3A_84 = arith.constant 0 : i32
        %dma_start3A_85 = tpu.memref_slice %arg4[%add3A, %scan3A_56, %dma_start3A_83, %dma_start3A_84] : memref<32x79x2x128xi32, #tpu.memory_space<hbm>> -> memref<1x1x2x128xi32, #tpu.memory_space<hbm>>
        %dma_start3A_86 = tpu.memref_squeeze %dma_start3A_85 : memref<1x1x2x128xi32, #tpu.memory_space<hbm>> -> memref<2x128xi32, #tpu.memory_space<hbm>>
        %dma_start3A_87 = arith.constant 0 : i32
        %dma_start3A_88 = arith.constant 0 : i32
        %dma_start3A_89 = tpu.memref_slice %arg4[%add3A, %scan3A_56, %dma_start3A_87, %dma_start3A_88] : memref<32x79x2x128xi32, #tpu.memory_space<hbm>> -> memref<1x1x2x128xi32, #tpu.memory_space<hbm>>
        %dma_start3A_90 = tpu.memref_squeeze %dma_start3A_89 : memref<1x1x2x128xi32, #tpu.memory_space<hbm>> -> memref<2x128xi32, #tpu.memory_space<hbm>>
        tpu.enqueue_dma source(%dma_start3A_90 : memref<2x128xi32, #tpu.memory_space<hbm>>) target(%arg6 : memref<2x128xi32, #tpu.memory_space<vmem>>) target_semaphore(%run_scoped3A_82 : memref<!tpu.dma_semaphore, #tpu.memory_space<semaphore_mem>>)
        %dma_wait3A_91 = arith.constant 0 : i32
        %dma_wait3A_92 = arith.constant 0 : i32
        %dma_wait3A_93 = tpu.memref_slice %arg4[%add3A, %scan3A_56, %dma_wait3A_91, %dma_wait3A_92] : memref<32x79x2x128xi32, #tpu.memory_space<hbm>> -> memref<1x1x2x128xi32, #tpu.memory_space<hbm>>
        %dma_wait3A_94 = tpu.memref_squeeze %dma_wait3A_93 : memref<1x1x2x128xi32, #tpu.memory_space<hbm>> -> memref<2x128xi32, #tpu.memory_space<hbm>>
        %dma_wait3A_95 = arith.constant 0 : i32
        %dma_wait3A_96 = arith.constant 0 : i32
        %dma_wait3A_97 = tpu.memref_slice %arg4[%add3A, %scan3A_56, %dma_wait3A_95, %dma_wait3A_96] : memref<32x79x2x128xi32, #tpu.memory_space<hbm>> -> memref<1x1x2x128xi32, #tpu.memory_space<hbm>>
        %dma_wait3A_98 = tpu.memref_squeeze %dma_wait3A_97 : memref<1x1x2x128xi32, #tpu.memory_space<hbm>> -> memref<2x128xi32, #tpu.memory_space<hbm>>
        tpu.wait_dma2 semaphore(%run_scoped3A_82 : memref<!tpu.dma_semaphore, #tpu.memory_space<semaphore_mem>>) src(%dma_wait3A_98 : memref<2x128xi32, #tpu.memory_space<hbm>>) dst(%arg6 : memref<2x128xi32, #tpu.memory_space<vmem>>)
        tpu.yield
      }) : () -> ()
      %dma_start3A = arith.constant 0 : i32
      %dma_start3A_60 = arith.constant 0 : i32
      %dma_start3A_61 = tpu.memref_slice %arg6[%dma_start3A, %dma_start3A_60] : memref<2x128xi32, #tpu.memory_space<vmem>> -> memref<1x128xi32, #tpu.memory_space<vmem>>
      %dma_start3A_62 = tpu.memref_squeeze %dma_start3A_61 : memref<1x128xi32, #tpu.memory_space<vmem>> -> memref<128xi32, #tpu.memory_space<vmem>>
      %dma_start3A_63 = arith.constant 0 : i32
      %dma_start3A_64 = arith.constant 0 : i32
      %dma_start3A_65 = tpu.memref_slice %arg2[%dma_start3A_63, %dma_start3A_64] : memref<10000x128xf32, #tpu.memory_space<hbm>> -> memref<10000x128xf32, #tpu.memory_space<hbm>>
      tpu.enqueue_indirect_dma source(%dma_start3A_65 : memref<10000x128xf32, #tpu.memory_space<hbm>>) target(%arg8 : memref<128x128xf32, #tpu.memory_space<vmem>>) offsets(%dma_start3A_62 : memref<128xi32, #tpu.memory_space<vmem>>) semaphore(%arg10 : memref<!tpu.dma_semaphore, #tpu.memory_space<semaphore_mem>>)
      %dma_start3A_66 = arith.constant 0 : i32
      %dma_start3A_67 = tpu.memref_slice %arg3[%add3A_59, %dma_start3A_66] : memref<323584x128xf32, #tpu.memory_space<hbm>> -> memref<128x128xf32, #tpu.memory_space<hbm>>
      %dma_start3A_68 = arith.constant 0 : i32
      %dma_start3A_69 = tpu.memref_slice %arg3[%add3A_59, %dma_start3A_68] : memref<323584x128xf32, #tpu.memory_space<hbm>> -> memref<128x128xf32, #tpu.memory_space<hbm>>
      tpu.enqueue_dma source(%dma_start3A_69 : memref<128x128xf32, #tpu.memory_space<hbm>>) target(%arg7 : memref<128x128xf32, #tpu.memory_space<vmem>>) target_semaphore(%arg11 : memref<!tpu.dma_semaphore, #tpu.memory_space<semaphore_mem>>)
      %dma_wait3A = arith.constant 0 : i32
      %dma_wait3A_70 = arith.constant 0 : i32
      %dma_wait3A_71 = tpu.memref_slice %arg6[%dma_wait3A, %dma_wait3A_70] : memref<2x128xi32, #tpu.memory_space<vmem>> -> memref<1x128xi32, #tpu.memory_space<vmem>>
      %dma_wait3A_72 = tpu.memref_squeeze %dma_wait3A_71 : memref<1x128xi32, #tpu.memory_space<vmem>> -> memref<128xi32, #tpu.memory_space<vmem>>
      %dma_wait3A_73 = arith.constant 0 : i32
      %dma_wait3A_74 = arith.constant 0 : i32
      %dma_wait3A_75 = tpu.memref_slice %arg2[%dma_wait3A_73, %dma_wait3A_74] : memref<10000x128xf32, #tpu.memory_space<hbm>> -> memref<10000x128xf32, #tpu.memory_space<hbm>>
      tpu.wait_indirect_dma semaphore(%arg10 : memref<!tpu.dma_semaphore, #tpu.memory_space<semaphore_mem>>) src(%dma_wait3A_75 : memref<10000x128xf32, #tpu.memory_space<hbm>>) dst(%arg8 : memref<128x128xf32, #tpu.memory_space<vmem>>)
      %dma_wait3A_76 = arith.constant 0 : i32
      %dma_wait3A_77 = tpu.memref_slice %arg3[%add3A_59, %dma_wait3A_76] : memref<323584x128xf32, #tpu.memory_space<hbm>> -> memref<128x128xf32, #tpu.memory_space<hbm>>
      %dma_wait3A_78 = arith.constant 0 : i32
      %dma_wait3A_79 = tpu.memref_slice %arg3[%add3A_59, %dma_wait3A_78] : memref<323584x128xf32, #tpu.memory_space<hbm>> -> memref<128x128xf32, #tpu.memory_space<hbm>>
      tpu.wait_dma2 semaphore(%arg11 : memref<!tpu.dma_semaphore, #tpu.memory_space<semaphore_mem>>) src(%dma_wait3A_79 : memref<128x128xf32, #tpu.memory_space<hbm>>) dst(%arg7 : memref<128x128xf32, #tpu.memory_space<vmem>>)
      %parallel_loop3A = arith.constant 0 : i32
      %parallel_loop3A_80 = arith.constant 128 : i32
      %parallel_loop3A_81 = arith.constant 1 : i32
      scf.for %parallel_loop3A_82 = %parallel_loop3A to %parallel_loop3A_80 step %parallel_loop3A_81  : i32 {
        %parallel_loop3A_83 = arith.index_cast %parallel_loop3A_82 : i32 to index
        %parallel_loop3A_84 = arith.constant 0 : index
        %parallel_loop3A_85 = tpu.vector_load %arg8[%parallel_loop3A_83, %parallel_loop3A_84] {strides = array<i32>} : memref<128x128xf32, #tpu.memory_space<vmem>>, vector<1x16xf32>,
        %parallel_loop3A_86 = vector.shape_cast %parallel_loop3A_85 : vector<1x16xf32> to vector<16xf32>
        %parallel_loop3A_87 = arith.index_cast %parallel_loop3A_82 : i32 to index
        %parallel_loop3A_88 = arith.constant 0 : index
        %parallel_loop3A_89 = tpu.vector_load %arg7[%parallel_loop3A_87, %parallel_loop3A_88] {strides = array<i32>} : memref<128x128xf32, #tpu.memory_space<vmem>>, vector<1x16xf32>,
        %parallel_loop3A_90 = vector.shape_cast %parallel_loop3A_89 : vector<1x16xf32> to vector<16xf32>
        %parallel_loop3A_91 = arith.addf %parallel_loop3A_86, %parallel_loop3A_90 : vector<16xf32>
        %parallel_loop3A_92 = arith.constant 0.000000e+00 : f32
        %parallel_loop3A_93 = vector.broadcast %parallel_loop3A_92 : f32 to vector<16xf32>
        %parallel_loop3A_94 = arith.maximumf %parallel_loop3A_91, %parallel_loop3A_93 : vector<16xf32>
        %parallel_loop3A_95 = arith.index_cast %parallel_loop3A_82 : i32 to index
        %parallel_loop3A_96 = arith.constant 0 : index
        %parallel_loop3A_97 = tpu.vector_load %arg7[%parallel_loop3A_95, %parallel_loop3A_96] {strides = array<i32>} : memref<128x128xf32, #tpu.memory_space<vmem>>, vector<1x16xf32>,
        %parallel_loop3A_98 = vector.shape_cast %parallel_loop3A_97 : vector<1x16xf32> to vector<16xf32>
        %parallel_loop3A_99 = vector.shape_cast %parallel_loop3A_94 : vector<16xf32> to vector<1x16xf32>
        tpu.vector_store %arg7[%parallel_loop3A_95, %parallel_loop3A_96], %parallel_loop3A_99 {strides = array<i32>} : memref<128x128xf32, #tpu.memory_space<vmem>>, vector<1x16xf32>,
        %parallel_loop3A_100 = arith.index_cast %parallel_loop3A_82 : i32 to index
        %parallel_loop3A_101 = arith.constant 16 : index
        %parallel_loop3A_102 = tpu.vector_load %arg8[%parallel_loop3A_100, %parallel_loop3A_101] {strides = array<i32>} : memref<128x128xf32, #tpu.memory_space<vmem>>, vector<1x16xf32>,
        %parallel_loop3A_103 = vector.shape_cast %parallel_loop3A_102 : vector<1x16xf32> to vector<16xf32>
        %parallel_loop3A_104 = arith.index_cast %parallel_loop3A_82 : i32 to index
        %parallel_loop3A_105 = arith.constant 16 : index
        %parallel_loop3A_106 = tpu.vector_load %arg7[%parallel_loop3A_104, %parallel_loop3A_105] {strides = array<i32>} : memref<128x128xf32, #tpu.memory_space<vmem>>, vector<1x16xf32>,
        %parallel_loop3A_107 = vector.shape_cast %parallel_loop3A_106 : vector<1x16xf32> to vector<16xf32>
        %parallel_loop3A_108 = arith.addf %parallel_loop3A_103, %parallel_loop3A_107 : vector<16xf32>
        %parallel_loop3A_109 = arith.constant 0.000000e+00 : f32
        %parallel_loop3A_110 = vector.broadcast %parallel_loop3A_109 : f32 to vector<16xf32>
        %parallel_loop3A_111 = arith.maximumf %parallel_loop3A_108, %parallel_loop3A_110 : vector<16xf32>
        %parallel_loop3A_112 = arith.index_cast %parallel_loop3A_82 : i32 to index
        %parallel_loop3A_113 = arith.constant 16 : index
        %parallel_loop3A_114 = tpu.vector_load %arg7[%parallel_loop3A_112, %parallel_loop3A_113] {strides = array<i32>} : memref<128x128xf32, #tpu.memory_space<vmem>>, vector<1x16xf32>,
        %parallel_loop3A_115 = vector.shape_cast %parallel_loop3A_114 : vector<1x16xf32> to vector<16xf32>
        %parallel_loop3A_116 = vector.shape_cast %parallel_loop3A_111 : vector<16xf32> to vector<1x16xf32>
        tpu.vector_store %arg7[%parallel_loop3A_112, %parallel_loop3A_113], %parallel_loop3A_116 {strides = array<i32>} : memref<128x128xf32, #tpu.memory_space<vmem>>, vector<1x16xf32>,
        %parallel_loop3A_117 = arith.index_cast %parallel_loop3A_82 : i32 to index
        %parallel_loop3A_118 = arith.constant 32 : index
        %parallel_loop3A_119 = tpu.vector_load %arg8[%parallel_loop3A_117, %parallel_loop3A_118] {strides = array<i32>} : memref<128x128xf32, #tpu.memory_space<vmem>>, vector<1x16xf32>,
        %parallel_loop3A_120 = vector.shape_cast %parallel_loop3A_119 : vector<1x16xf32> to vector<16xf32>
        %parallel_loop3A_121 = arith.index_cast %parallel_loop3A_82 : i32 to index
        %parallel_loop3A_122 = arith.constant 32 : index
        %parallel_loop3A_123 = tpu.vector_load %arg7[%parallel_loop3A_121, %parallel_loop3A_122] {strides = array<i32>} : memref<128x128xf32, #tpu.memory_space<vmem>>, vector<1x16xf32>,
        %parallel_loop3A_124 = vector.shape_cast %parallel_loop3A_123 : vector<1x16xf32> to vector<16xf32>
        %parallel_loop3A_125 = arith.addf %parallel_loop3A_120, %parallel_loop3A_124 : vector<16xf32>
        %parallel_loop3A_126 = arith.constant 0.000000e+00 : f32
        %parallel_loop3A_127 = vector.broadcast %parallel_loop3A_126 : f32 to vector<16xf32>
        %parallel_loop3A_128 = arith.maximumf %parallel_loop3A_125, %parallel_loop3A_127 : vector<16xf32>
        %parallel_loop3A_129 = arith.index_cast %parallel_loop3A_82 : i32 to index
        %parallel_loop3A_130 = arith.constant 32 : index
        %parallel_loop3A_131 = tpu.vector_load %arg7[%parallel_loop3A_129, %parallel_loop3A_130] {strides = array<i32>} : memref<128x128xf32, #tpu.memory_space<vmem>>, vector<1x16xf32>,
        %parallel_loop3A_132 = vector.shape_cast %parallel_loop3A_131 : vector<1x16xf32> to vector<16xf32>
        %parallel_loop3A_133 = vector.shape_cast %parallel_loop3A_128 : vector<16xf32> to vector<1x16xf32>
        tpu.vector_store %arg7[%parallel_loop3A_129, %parallel_loop3A_130], %parallel_loop3A_133 {strides = array<i32>} : memref<128x128xf32, #tpu.memory_space<vmem>>, vector<1x16xf32>,
        %parallel_loop3A_134 = arith.index_cast %parallel_loop3A_82 : i32 to index
        %parallel_loop3A_135 = arith.constant 48 : index
        %parallel_loop3A_136 = tpu.vector_load %arg8[%parallel_loop3A_134, %parallel_loop3A_135] {strides = array<i32>} : memref<128x128xf32, #tpu.memory_space<vmem>>, vector<1x16xf32>,
        %parallel_loop3A_137 = vector.shape_cast %parallel_loop3A_136 : vector<1x16xf32> to vector<16xf32>
        %parallel_loop3A_138 = arith.index_cast %parallel_loop3A_82 : i32 to index
        %parallel_loop3A_139 = arith.constant 48 : index
        %parallel_loop3A_140 = tpu.vector_load %arg7[%parallel_loop3A_138, %parallel_loop3A_139] {strides = array<i32>} : memref<128x128xf32, #tpu.memory_space<vmem>>, vector<1x16xf32>,
        %parallel_loop3A_141 = vector.shape_cast %parallel_loop3A_140 : vector<1x16xf32> to vector<16xf32>
        %parallel_loop3A_142 = arith.addf %parallel_loop3A_137, %parallel_loop3A_141 : vector<16xf32>
        %parallel_loop3A_143 = arith.constant 0.000000e+00 : f32
        %parallel_loop3A_144 = vector.broadcast %parallel_loop3A_143 : f32 to vector<16xf32>
        %parallel_loop3A_145 = arith.maximumf %parallel_loop3A_142, %parallel_loop3A_144 : vector<16xf32>
        %parallel_loop3A_146 = arith.index_cast %parallel_loop3A_82 : i32 to index
        %parallel_loop3A_147 = arith.constant 48 : index
        %parallel_loop3A_148 = tpu.vector_load %arg7[%parallel_loop3A_146, %parallel_loop3A_147] {strides = array<i32>} : memref<128x128xf32, #tpu.memory_space<vmem>>, vector<1x16xf32>,
        %parallel_loop3A_149 = vector.shape_cast %parallel_loop3A_148 : vector<1x16xf32> to vector<16xf32>
        %parallel_loop3A_150 = vector.shape_cast %parallel_loop3A_145 : vector<16xf32> to vector<1x16xf32>
        tpu.vector_store %arg7[%parallel_loop3A_146, %parallel_loop3A_147], %parallel_loop3A_150 {strides = array<i32>} : memref<128x128xf32, #tpu.memory_space<vmem>>, vector<1x16xf32>,
        %parallel_loop3A_151 = arith.index_cast %parallel_loop3A_82 : i32 to index
        %parallel_loop3A_152 = arith.constant 64 : index
        %parallel_loop3A_153 = tpu.vector_load %arg8[%parallel_loop3A_151, %parallel_loop3A_152] {strides = array<i32>} : memref<128x128xf32, #tpu.memory_space<vmem>>, vector<1x16xf32>,
        %parallel_loop3A_154 = vector.shape_cast %parallel_loop3A_153 : vector<1x16xf32> to vector<16xf32>
        %parallel_loop3A_155 = arith.index_cast %parallel_loop3A_82 : i32 to index
        %parallel_loop3A_156 = arith.constant 64 : index
        %parallel_loop3A_157 = tpu.vector_load %arg7[%parallel_loop3A_155, %parallel_loop3A_156] {strides = array<i32>} : memref<128x128xf32, #tpu.memory_space<vmem>>, vector<1x16xf32>,
        %parallel_loop3A_158 = vector.shape_cast %parallel_loop3A_157 : vector<1x16xf32> to vector<16xf32>
        %parallel_loop3A_159 = arith.addf %parallel_loop3A_154, %parallel_loop3A_158 : vector<16xf32>
        %parallel_loop3A_160 = arith.constant 0.000000e+00 : f32
        %parallel_loop3A_161 = vector.broadcast %parallel_loop3A_160 : f32 to vector<16xf32>
        %parallel_loop3A_162 = arith.maximumf %parallel_loop3A_159, %parallel_loop3A_161 : vector<16xf32>
        %parallel_loop3A_163 = arith.index_cast %parallel_loop3A_82 : i32 to index
        %parallel_loop3A_164 = arith.constant 64 : index
        %parallel_loop3A_165 = tpu.vector_load %arg7[%parallel_loop3A_163, %parallel_loop3A_164] {strides = array<i32>} : memref<128x128xf32, #tpu.memory_space<vmem>>, vector<1x16xf32>,
        %parallel_loop3A_166 = vector.shape_cast %parallel_loop3A_165 : vector<1x16xf32> to vector<16xf32>
        %parallel_loop3A_167 = vector.shape_cast %parallel_loop3A_162 : vector<16xf32> to vector<1x16xf32>
        tpu.vector_store %arg7[%parallel_loop3A_163, %parallel_loop3A_164], %parallel_loop3A_167 {strides = array<i32>} : memref<128x128xf32, #tpu.memory_space<vmem>>, vector<1x16xf32>,
        %parallel_loop3A_168 = arith.index_cast %parallel_loop3A_82 : i32 to index
        %parallel_loop3A_169 = arith.constant 80 : index
        %parallel_loop3A_170 = tpu.vector_load %arg8[%parallel_loop3A_168, %parallel_loop3A_169] {strides = array<i32>} : memref<128x128xf32, #tpu.memory_space<vmem>>, vector<1x16xf32>,
        %parallel_loop3A_171 = vector.shape_cast %parallel_loop3A_170 : vector<1x16xf32> to vector<16xf32>
        %parallel_loop3A_172 = arith.index_cast %parallel_loop3A_82 : i32 to index
        %parallel_loop3A_173 = arith.constant 80 : index
        %parallel_loop3A_174 = tpu.vector_load %arg7[%parallel_loop3A_172, %parallel_loop3A_173] {strides = array<i32>} : memref<128x128xf32, #tpu.memory_space<vmem>>, vector<1x16xf32>,
        %parallel_loop3A_175 = vector.shape_cast %parallel_loop3A_174 : vector<1x16xf32> to vector<16xf32>
        %parallel_loop3A_176 = arith.addf %parallel_loop3A_171, %parallel_loop3A_175 : vector<16xf32>
        %parallel_loop3A_177 = arith.constant 0.000000e+00 : f32
        %parallel_loop3A_178 = vector.broadcast %parallel_loop3A_177 : f32 to vector<16xf32>
        %parallel_loop3A_179 = arith.maximumf %parallel_loop3A_176, %parallel_loop3A_178 : vector<16xf32>
        %parallel_loop3A_180 = arith.index_cast %parallel_loop3A_82 : i32 to index
        %parallel_loop3A_181 = arith.constant 80 : index
        %parallel_loop3A_182 = tpu.vector_load %arg7[%parallel_loop3A_180, %parallel_loop3A_181] {strides = array<i32>} : memref<128x128xf32, #tpu.memory_space<vmem>>, vector<1x16xf32>,
        %parallel_loop3A_183 = vector.shape_cast %parallel_loop3A_182 : vector<1x16xf32> to vector<16xf32>
        %parallel_loop3A_184 = vector.shape_cast %parallel_loop3A_179 : vector<16xf32> to vector<1x16xf32>
        tpu.vector_store %arg7[%parallel_loop3A_180, %parallel_loop3A_181], %parallel_loop3A_184 {strides = array<i32>} : memref<128x128xf32, #tpu.memory_space<vmem>>, vector<1x16xf32>,
        %parallel_loop3A_185 = arith.index_cast %parallel_loop3A_82 : i32 to index
        %parallel_loop3A_186 = arith.constant 96 : index
        %parallel_loop3A_187 = tpu.vector_load %arg8[%parallel_loop3A_185, %parallel_loop3A_186] {strides = array<i32>} : memref<128x128xf32, #tpu.memory_space<vmem>>, vector<1x16xf32>,
        %parallel_loop3A_188 = vector.shape_cast %parallel_loop3A_187 : vector<1x16xf32> to vector<16xf32>
        %parallel_loop3A_189 = arith.index_cast %parallel_loop3A_82 : i32 to index
        %parallel_loop3A_190 = arith.constant 96 : index
        %parallel_loop3A_191 = tpu.vector_load %arg7[%parallel_loop3A_189, %parallel_loop3A_190] {strides = array<i32>} : memref<128x128xf32, #tpu.memory_space<vmem>>, vector<1x16xf32>,
        %parallel_loop3A_192 = vector.shape_cast %parallel_loop3A_191 : vector<1x16xf32> to vector<16xf32>
        %parallel_loop3A_193 = arith.addf %parallel_loop3A_188, %parallel_loop3A_192 : vector<16xf32>
        %parallel_loop3A_194 = arith.constant 0.000000e+00 : f32
        %parallel_loop3A_195 = vector.broadcast %parallel_loop3A_194 : f32 to vector<16xf32>
        %parallel_loop3A_196 = arith.maximumf %parallel_loop3A_193, %parallel_loop3A_195 : vector<16xf32>
        %parallel_loop3A_197 = arith.index_cast %parallel_loop3A_82 : i32 to index
        %parallel_loop3A_198 = arith.constant 96 : index
        %parallel_loop3A_199 = tpu.vector_load %arg7[%parallel_loop3A_197, %parallel_loop3A_198] {strides = array<i32>} : memref<128x128xf32, #tpu.memory_space<vmem>>, vector<1x16xf32>,
        %parallel_loop3A_200 = vector.shape_cast %parallel_loop3A_199 : vector<1x16xf32> to vector<16xf32>
        %parallel_loop3A_201 = vector.shape_cast %parallel_loop3A_196 : vector<16xf32> to vector<1x16xf32>
        tpu.vector_store %arg7[%parallel_loop3A_197, %parallel_loop3A_198], %parallel_loop3A_201 {strides = array<i32>} : memref<128x128xf32, #tpu.memory_space<vmem>>, vector<1x16xf32>,
        %parallel_loop3A_202 = arith.index_cast %parallel_loop3A_82 : i32 to index
        %parallel_loop3A_203 = arith.constant 112 : index
        %parallel_loop3A_204 = tpu.vector_load %arg8[%parallel_loop3A_202, %parallel_loop3A_203] {strides = array<i32>} : memref<128x128xf32, #tpu.memory_space<vmem>>, vector<1x16xf32>,
        %parallel_loop3A_205 = vector.shape_cast %parallel_loop3A_204 : vector<1x16xf32> to vector<16xf32>
        %parallel_loop3A_206 = arith.index_cast %parallel_loop3A_82 : i32 to index
        %parallel_loop3A_207 = arith.constant 112 : index
        %parallel_loop3A_208 = tpu.vector_load %arg7[%parallel_loop3A_206, %parallel_loop3A_207] {strides = array<i32>} : memref<128x128xf32, #tpu.memory_space<vmem>>, vector<1x16xf32>,
        %parallel_loop3A_209 = vector.shape_cast %parallel_loop3A_208 : vector<1x16xf32> to vector<16xf32>
        %parallel_loop3A_210 = arith.addf %parallel_loop3A_205, %parallel_loop3A_209 : vector<16xf32>
        %parallel_loop3A_211 = arith.constant 0.000000e+00 : f32
        %parallel_loop3A_212 = vector.broadcast %parallel_loop3A_211 : f32 to vector<16xf32>
        %parallel_loop3A_213 = arith.maximumf %parallel_loop3A_210, %parallel_loop3A_212 : vector<16xf32>
        %parallel_loop3A_214 = arith.index_cast %parallel_loop3A_82 : i32 to index
        %parallel_loop3A_215 = arith.constant 112 : index
        %parallel_loop3A_216 = tpu.vector_load %arg7[%parallel_loop3A_214, %parallel_loop3A_215] {strides = array<i32>} : memref<128x128xf32, #tpu.memory_space<vmem>>, vector<1x16xf32>,
        %parallel_loop3A_217 = vector.shape_cast %parallel_loop3A_216 : vector<1x16xf32> to vector<16xf32>
        %parallel_loop3A_218 = vector.shape_cast %parallel_loop3A_213 : vector<16xf32> to vector<1x16xf32>
        tpu.vector_store %arg7[%parallel_loop3A_214, %parallel_loop3A_215], %parallel_loop3A_218 {strides = array<i32>} : memref<128x128xf32, #tpu.memory_space<vmem>>, vector<1x16xf32>,
      } {sc.loop_unroll_factor = 2 : i64, sc.parallel_access}
      %run_scoped3A = arith.constant 1 : i32
      "tpu.region"() ({
        %run_scoped3A_82 = tpu.sem_alloc : memref<!tpu.dma_semaphore, #tpu.memory_space<semaphore_mem>>
        %dma_start3A_83 = arith.constant 0 : i32
        %dma_start3A_84 = tpu.memref_slice %arg6[%run_scoped3A, %dma_start3A_83] : memref<2x128xi32, #tpu.memory_space<vmem>> -> memref<1x128xi32, #tpu.memory_space<vmem>>
        %dma_start3A_85 = tpu.memref_squeeze %dma_start3A_84 : memref<1x128xi32, #tpu.memory_space<vmem>> -> memref<128xi32, #tpu.memory_space<vmem>>
        %dma_start3A_86 = arith.constant 0 : i32
        %dma_start3A_87 = arith.constant 0 : i32
        %dma_start3A_88 = tpu.memref_slice %arg9[%dma_start3A_86, %dma_start3A_87] : memref<10240x128xf32, #tpu.memory_space<vmem_shared>> -> memref<10240x128xf32, #tpu.memory_space<vmem_shared>>
        tpu.enqueue_indirect_dma source(%arg7 : memref<128x128xf32, #tpu.memory_space<vmem>>) target(%dma_start3A_88 : memref<10240x128xf32, #tpu.memory_space<vmem_shared>>) offsets(%dma_start3A_85 : memref<128xi32, #tpu.memory_space<vmem>>) semaphore(%run_scoped3A_82 : memref<!tpu.dma_semaphore, #tpu.memory_space<semaphore_mem>>) {add = true}
        %dma_wait3A_89 = arith.constant 0 : i32
        %dma_wait3A_90 = tpu.memref_slice %arg6[%run_scoped3A, %dma_wait3A_89] : memref<2x128xi32, #tpu.memory_space<vmem>> -> memref<1x128xi32, #tpu.memory_space<vmem>>
        %dma_wait3A_91 = tpu.memref_squeeze %dma_wait3A_90 : memref<1x128xi32, #tpu.memory_space<vmem>> -> memref<128xi32, #tpu.memory_space<vmem>>
        %dma_wait3A_92 = arith.constant 0 : i32
        %dma_wait3A_93 = arith.constant 0 : i32
        %dma_wait3A_94 = tpu.memref_slice %arg9[%dma_wait3A_92, %dma_wait3A_93] : memref<10240x128xf32, #tpu.memory_space<vmem_shared>> -> memref<10240x128xf32, #tpu.memory_space<vmem_shared>>
        tpu.wait_indirect_dma semaphore(%run_scoped3A_82 : memref<!tpu.dma_semaphore, #tpu.memory_space<semaphore_mem>>) src(%arg7 : memref<128x128xf32, #tpu.memory_space<vmem>>) dst(%dma_wait3A_94 : memref<10240x128xf32, #tpu.memory_space<vmem_shared>>)
        tpu.yield
      }) : () -> ()
    }
    %scan3A_34 = arith.constant 79 : i32
    %barrier3A_35 = arith.constant 0 : index
    tpu.barrier barrier_id(%barrier3A_35)
    %mul3A_36 = arith.constant 640 : i32
    %mul3A_37 = arith.muli %arg1, %mul3A_36 : i32
    %add3A_38 = arith.constant 0 : i32
    %add3A_39 = arith.addi %mul3A_37, %add3A_38 : i32
    "tpu.region"() ({
      %run_scoped3A = tpu.sem_alloc : memref<!tpu.dma_semaphore, #tpu.memory_space<semaphore_mem>>
      %dma_start3A = arith.constant 0 : i32
      %dma_start3A_56 = tpu.memref_slice %arg5[%arg0, %add3A_39, %dma_start3A] : memref<2x10240x128xf32, #tpu.memory_space<hbm>> -> memref<1x128x128xf32, #tpu.memory_space<hbm>>
      %dma_start3A_57 = tpu.memref_squeeze %dma_start3A_56 : memref<1x128x128xf32, #tpu.memory_space<hbm>> -> memref<128x128xf32, #tpu.memory_space<hbm>>
      %dma_start3A_58 = arith.constant 0 : i32
      %dma_start3A_59 = tpu.memref_slice %arg9[%add3A_39, %dma_start3A_58] : memref<10240x128xf32, #tpu.memory_space<vmem_shared>> -> memref<128x128xf32, #tpu.memory_space<vmem_shared>>
      tpu.enqueue_dma source(%dma_start3A_59 : memref<128x128xf32, #tpu.memory_space<vmem_shared>>) target(%dma_start3A_57 : memref<128x128xf32, #tpu.memory_space<hbm>>) target_semaphore(%run_scoped3A : memref<!tpu.dma_semaphore, #tpu.memory_space<semaphore_mem>>)
      %dma_wait3A = arith.constant 0 : i32
      %dma_wait3A_60 = tpu.memref_slice %arg5[%arg0, %add3A_39, %dma_wait3A] : memref<2x10240x128xf32, #tpu.memory_space<hbm>> -> memref<1x128x128xf32, #tpu.memory_space<hbm>>
      %dma_wait3A_61 = tpu.memref_squeeze %dma_wait3A_60 : memref<1x128x128xf32, #tpu.memory_space<hbm>> -> memref<128x128xf32, #tpu.memory_space<hbm>>
      %dma_wait3A_62 = arith.constant 0 : i32
      %dma_wait3A_63 = tpu.memref_slice %arg9[%add3A_39, %dma_wait3A_62] : memref<10240x128xf32, #tpu.memory_space<vmem_shared>> -> memref<128x128xf32, #tpu.memory_space<vmem_shared>>
      tpu.wait_dma2 semaphore(%run_scoped3A : memref<!tpu.dma_semaphore, #tpu.memory_space<semaphore_mem>>) src(%dma_wait3A_63 : memref<128x128xf32, #tpu.memory_space<vmem_shared>>) dst(%dma_wait3A_61 : memref<128x128xf32, #tpu.memory_space<hbm>>)
      tpu.yield
    }) : () -> ()
    %mul3A_40 = arith.constant 640 : i32
    %mul3A_41 = arith.muli %arg1, %mul3A_40 : i32
    %add3A_42 = arith.constant 128 : i32
    %add3A_43 = arith.addi %mul3A_41, %add3A_42 : i32
    "tpu.region"() ({
      %run_scoped3A = tpu.sem_alloc : memref<!tpu.dma_semaphore, #tpu.memory_space<semaphore_mem>>
      %dma_start3A = arith.constant 0 : i32
      %dma_start3A_56 = tpu.memref_slice %arg5[%arg0, %add3A_43, %dma_start3A] : memref<2x10240x128xf32, #tpu.memory_space<hbm>> -> memref<1x128x128xf32, #tpu.memory_space<hbm>>
      %dma_start3A_57 = tpu.memref_squeeze %dma_start3A_56 : memref<1x128x128xf32, #tpu.memory_space<hbm>> -> memref<128x128xf32, #tpu.memory_space<hbm>>
      %dma_start3A_58 = arith.constant 0 : i32
      %dma_start3A_59 = tpu.memref_slice %arg9[%add3A_43, %dma_start3A_58] : memref<10240x128xf32, #tpu.memory_space<vmem_shared>> -> memref<128x128xf32, #tpu.memory_space<vmem_shared>>
      tpu.enqueue_dma source(%dma_start3A_59 : memref<128x128xf32, #tpu.memory_space<vmem_shared>>) target(%dma_start3A_57 : memref<128x128xf32, #tpu.memory_space<hbm>>) target_semaphore(%run_scoped3A : memref<!tpu.dma_semaphore, #tpu.memory_space<semaphore_mem>>)
      %dma_wait3A = arith.constant 0 : i32
      %dma_wait3A_60 = tpu.memref_slice %arg5[%arg0, %add3A_43, %dma_wait3A] : memref<2x10240x128xf32, #tpu.memory_space<hbm>> -> memref<1x128x128xf32, #tpu.memory_space<hbm>>
      %dma_wait3A_61 = tpu.memref_squeeze %dma_wait3A_60 : memref<1x128x128xf32, #tpu.memory_space<hbm>> -> memref<128x128xf32, #tpu.memory_space<hbm>>
      %dma_wait3A_62 = arith.constant 0 : i32
      %dma_wait3A_63 = tpu.memref_slice %arg9[%add3A_43, %dma_wait3A_62] : memref<10240x128xf32, #tpu.memory_space<vmem_shared>> -> memref<128x128xf32, #tpu.memory_space<vmem_shared>>
      tpu.wait_dma2 semaphore(%run_scoped3A : memref<!tpu.dma_semaphore, #tpu.memory_space<semaphore_mem>>) src(%dma_wait3A_63 : memref<128x128xf32, #tpu.memory_space<vmem_shared>>) dst(%dma_wait3A_61 : memref<128x128xf32, #tpu.memory_space<hbm>>)
      tpu.yield
    }) : () -> ()
    %mul3A_44 = arith.constant 640 : i32
    %mul3A_45 = arith.muli %arg1, %mul3A_44 : i32
    %add3A_46 = arith.constant 256 : i32
    %add3A_47 = arith.addi %mul3A_45, %add3A_46 : i32
    "tpu.region"() ({
      %run_scoped3A = tpu.sem_alloc : memref<!tpu.dma_semaphore, #tpu.memory_space<semaphore_mem>>
      %dma_start3A = arith.constant 0 : i32
      %dma_start3A_56 = tpu.memref_slice %arg5[%arg0, %add3A_47, %dma_start3A] : memref<2x10240x128xf32, #tpu.memory_space<hbm>> -> memref<1x128x128xf32, #tpu.memory_space<hbm>>
      %dma_start3A_57 = tpu.memref_squeeze %dma_start3A_56 : memref<1x128x128xf32, #tpu.memory_space<hbm>> -> memref<128x128xf32, #tpu.memory_space<hbm>>
      %dma_start3A_58 = arith.constant 0 : i32
      %dma_start3A_59 = tpu.memref_slice %arg9[%add3A_47, %dma_start3A_58] : memref<10240x128xf32, #tpu.memory_space<vmem_shared>> -> memref<128x128xf32, #tpu.memory_space<vmem_shared>>
      tpu.enqueue_dma source(%dma_start3A_59 : memref<128x128xf32, #tpu.memory_space<vmem_shared>>) target(%dma_start3A_57 : memref<128x128xf32, #tpu.memory_space<hbm>>) target_semaphore(%run_scoped3A : memref<!tpu.dma_semaphore, #tpu.memory_space<semaphore_mem>>)
      %dma_wait3A = arith.constant 0 : i32
      %dma_wait3A_60 = tpu.memref_slice %arg5[%arg0, %add3A_47, %dma_wait3A] : memref<2x10240x128xf32, #tpu.memory_space<hbm>> -> memref<1x128x128xf32, #tpu.memory_space<hbm>>
      %dma_wait3A_61 = tpu.memref_squeeze %dma_wait3A_60 : memref<1x128x128xf32, #tpu.memory_space<hbm>> -> memref<128x128xf32, #tpu.memory_space<hbm>>
      %dma_wait3A_62 = arith.constant 0 : i32
      %dma_wait3A_63 = tpu.memref_slice %arg9[%add3A_47, %dma_wait3A_62] : memref<10240x128xf32, #tpu.memory_space<vmem_shared>> -> memref<128x128xf32, #tpu.memory_space<vmem_shared>>
      tpu.wait_dma2 semaphore(%run_scoped3A : memref<!tpu.dma_semaphore, #tpu.memory_space<semaphore_mem>>) src(%dma_wait3A_63 : memref<128x128xf32, #tpu.memory_space<vmem_shared>>) dst(%dma_wait3A_61 : memref<128x128xf32, #tpu.memory_space<hbm>>)
      tpu.yield
    }) : () -> ()
    %mul3A_48 = arith.constant 640 : i32
    %mul3A_49 = arith.muli %arg1, %mul3A_48 : i32
    %add3A_50 = arith.constant 384 : i32
    %add3A_51 = arith.addi %mul3A_49, %add3A_50 : i32
    "tpu.region"() ({
      %run_scoped3A = tpu.sem_alloc : memref<!tpu.dma_semaphore, #tpu.memory_space<semaphore_mem>>
      %dma_start3A = arith.constant 0 : i32
      %dma_start3A_56 = tpu.memref_slice %arg5[%arg0, %add3A_51, %dma_start3A] : memref<2x10240x128xf32, #tpu.memory_space<hbm>> -> memref<1x128x128xf32, #tpu.memory_space<hbm>>
      %dma_start3A_57 = tpu.memref_squeeze %dma_start3A_56 : memref<1x128x128xf32, #tpu.memory_space<hbm>> -> memref<128x128xf32, #tpu.memory_space<hbm>>
      %dma_start3A_58 = arith.constant 0 : i32
      %dma_start3A_59 = tpu.memref_slice %arg9[%add3A_51, %dma_start3A_58] : memref<10240x128xf32, #tpu.memory_space<vmem_shared>> -> memref<128x128xf32, #tpu.memory_space<vmem_shared>>
      tpu.enqueue_dma source(%dma_start3A_59 : memref<128x128xf32, #tpu.memory_space<vmem_shared>>) target(%dma_start3A_57 : memref<128x128xf32, #tpu.memory_space<hbm>>) target_semaphore(%run_scoped3A : memref<!tpu.dma_semaphore, #tpu.memory_space<semaphore_mem>>)
      %dma_wait3A = arith.constant 0 : i32
      %dma_wait3A_60 = tpu.memref_slice %arg5[%arg0, %add3A_51, %dma_wait3A] : memref<2x10240x128xf32, #tpu.memory_space<hbm>> -> memref<1x128x128xf32, #tpu.memory_space<hbm>>
      %dma_wait3A_61 = tpu.memref_squeeze %dma_wait3A_60 : memref<1x128x128xf32, #tpu.memory_space<hbm>> -> memref<128x128xf32, #tpu.memory_space<hbm>>
      %dma_wait3A_62 = arith.constant 0 : i32
      %dma_wait3A_63 = tpu.memref_slice %arg9[%add3A_51, %dma_wait3A_62] : memref<10240x128xf32, #tpu.memory_space<vmem_shared>> -> memref<128x128xf32, #tpu.memory_space<vmem_shared>>
      tpu.wait_dma2 semaphore(%run_scoped3A : memref<!tpu.dma_semaphore, #tpu.memory_space<semaphore_mem>>) src(%dma_wait3A_63 : memref<128x128xf32, #tpu.memory_space<vmem_shared>>) dst(%dma_wait3A_61 : memref<128x128xf32, #tpu.memory_space<hbm>>)
      tpu.yield
    }) : () -> ()
    %mul3A_52 = arith.constant 640 : i32
    %mul3A_53 = arith.muli %arg1, %mul3A_52 : i32
    %add3A_54 = arith.constant 512 : i32
    %add3A_55 = arith.addi %mul3A_53, %add3A_54 : i32
    "tpu.region"() ({
      %run_scoped3A = tpu.sem_alloc : memref<!tpu.dma_semaphore, #tpu.memory_space<semaphore_mem>>
      %dma_start3A = arith.constant 0 : i32
      %dma_start3A_56 = tpu.memref_slice %arg5[%arg0, %add3A_55, %dma_start3A] : memref<2x10240x128xf32, #tpu.memory_space<hbm>> -> memref<1x128x128xf32, #tpu.memory_space<hbm>>
      %dma_start3A_57 = tpu.memref_squeeze %dma_start3A_56 : memref<1x128x128xf32, #tpu.memory_space<hbm>> -> memref<128x128xf32, #tpu.memory_space<hbm>>
      %dma_start3A_58 = arith.constant 0 : i32
      %dma_start3A_59 = tpu.memref_slice %arg9[%add3A_55, %dma_start3A_58] : memref<10240x128xf32, #tpu.memory_space<vmem_shared>> -> memref<128x128xf32, #tpu.memory_space<vmem_shared>>
      tpu.enqueue_dma source(%dma_start3A_59 : memref<128x128xf32, #tpu.memory_space<vmem_shared>>) target(%dma_start3A_57 : memref<128x128xf32, #tpu.memory_space<hbm>>) target_semaphore(%run_scoped3A : memref<!tpu.dma_semaphore, #tpu.memory_space<semaphore_mem>>)
      %dma_wait3A = arith.constant 0 : i32
      %dma_wait3A_60 = tpu.memref_slice %arg5[%arg0, %add3A_55, %dma_wait3A] : memref<2x10240x128xf32, #tpu.memory_space<hbm>> -> memref<1x128x128xf32, #tpu.memory_space<hbm>>
      %dma_wait3A_61 = tpu.memref_squeeze %dma_wait3A_60 : memref<1x128x128xf32, #tpu.memory_space<hbm>> -> memref<128x128xf32, #tpu.memory_space<hbm>>
      %dma_wait3A_62 = arith.constant 0 : i32
      %dma_wait3A_63 = tpu.memref_slice %arg9[%add3A_55, %dma_wait3A_62] : memref<10240x128xf32, #tpu.memory_space<vmem_shared>> -> memref<128x128xf32, #tpu.memory_space<vmem_shared>>
      tpu.wait_dma2 semaphore(%run_scoped3A : memref<!tpu.dma_semaphore, #tpu.memory_space<semaphore_mem>>) src(%dma_wait3A_63 : memref<128x128xf32, #tpu.memory_space<vmem_shared>>) dst(%dma_wait3A_61 : memref<128x128xf32, #tpu.memory_space<hbm>>)
      tpu.yield
    }) : () -> ()
    return
  }
}

#map = affine_map<(d0, d1) -> (0, 0)>
#map1 = affine_map<(d0, d1) -> (0, 0, 0, 0)>
#map2 = affine_map<(d0, d1) -> (0, 0, 0)>
module attributes {stable_mosaic.version = 14 : i64} {
  func.func @_sc_body(%arg0: i32, %arg1: i32, %arg2: memref<10000x128xf32, #tpu.memory_space<hbm>>, %arg3: memref<323584x128xf32, #tpu.memory_space<hbm>>, %arg4: memref<32x79x2x128xi32, #tpu.memory_space<hbm>>, %arg5: memref<2x10240x128xf32, #tpu.memory_space<hbm>>, %arg6: memref<2x128xi32, #tpu.memory_space<vmem>>, %arg7: memref<128x128xf32, #tpu.memory_space<vmem>>, %arg8: memref<128x128xf32, #tpu.memory_space<vmem>>, %arg9: memref<10240x128xf32, #tpu.memory_space<vmem_shared>>, %arg10: memref<!tpu.dma_semaphore, #tpu.memory_space<semaphore_mem>>, %arg11: memref<!tpu.dma_semaphore, #tpu.memory_space<semaphore_mem>>) attributes {dimension_semantics = [#tpu.dimension_semantics<core_parallel>, #tpu.dimension_semantics<subcore_parallel>], iteration_bounds = array<i64: 2, 16>, scalar_prefetch = 0 : i64, scratch_operands = 6 : i64, tpu.core_type = #tpu.core_type<sc_vector_subcore>, window_params = [{transform_indices = #map}, {transform_indices = #map}, {transform_indices = #map1}, {transform_indices = #map2}]} {
    %mul3A = arith.constant 16 : i32
    %mul3A_0 = arith.muli %arg0, %mul3A : i32
    %add3A = arith.addi %mul3A_0, %arg1 : i32
    %mul3A_1 = arith.constant 10112 : i32
    %mul3A_2 = arith.muli %add3A, %mul3A_1 : i32
    %broadcast_in_dim3A = arith.constant 0.000000e+00 : f32
    %broadcast_in_dim3A_3 = vector.broadcast %broadcast_in_dim3A : f32 to vector<16xf32>
    %scan3A = arith.constant 0 : i32
    %scan3A_4 = arith.constant 0 : i32
    %scan3A_5 = arith.constant 128 : i32
    %scan3A_6 = arith.addi %scan3A_4, %scan3A_5 : i32
    %scan3A_7 = arith.constant 1 : i32
    scf.for %scan3A_56 = %scan3A_4 to %scan3A_6 step %scan3A_7  : i32 {
      %swap3A = arith.index_cast %scan3A_56 : i32 to index
      %swap3A_57 = arith.constant 0 : index
      %swap3A_58 = tpu.vector_load %arg8[%swap3A, %swap3A_57] {strides = array<i32>} : memref<128x128xf32, #tpu.memory_space<vmem>>, vector<1x16xf32>,
      %swap3A_59 = vector.shape_cast %swap3A_58 : vector<1x16xf32> to vector<16xf32>
      %swap3A_60 = vector.shape_cast %broadcast_in_dim3A_3 : vector<16xf32> to vector<1x16xf32>
      tpu.vector_store %arg8[%swap3A, %swap3A_57], %swap3A_60 {strides = array<i32>} : memref<128x128xf32, #tpu.memory_space<vmem>>, vector<1x16xf32>,
      %swap3A_61 = arith.index_cast %scan3A_56 : i32 to index
      %swap3A_62 = arith.constant 16 : index
      %swap3A_63 = tpu.vector_load %arg8[%swap3A_61, %swap3A_62] {strides = array<i32>} : memref<128x128xf32, #tpu.memory_space<vmem>>, vector<1x16xf32>,
      %swap3A_64 = vector.shape_cast %swap3A_63 : vector<1x16xf32> to vector<16xf32>
      %swap3A_65 = vector.shape_cast %broadcast_in_dim3A_3 : vector<16xf32> to vector<1x16xf32>
      tpu.vector_store %arg8[%swap3A_61, %swap3A_62], %swap3A_65 {strides = array<i32>} : memref<128x128xf32, #tpu.memory_space<vmem>>, vector<1x16xf32>,
      %swap3A_66 = arith.index_cast %scan3A_56 : i32 to index
      %swap3A_67 = arith.constant 32 : index
      %swap3A_68 = tpu.vector_load %arg8[%swap3A_66, %swap3A_67] {strides = array<i32>} : memref<128x128xf32, #tpu.memory_space<vmem>>, vector<1x16xf32>,
      %swap3A_69 = vector.shape_cast %swap3A_68 : vector<1x16xf32> to vector<16xf32>
      %swap3A_70 = vector.shape_cast %broadcast_in_dim3A_3 : vector<16xf32> to vector<1x16xf32>
      tpu.vector_store %arg8[%swap3A_66, %swap3A_67], %swap3A_70 {strides = array<i32>} : memref<128x128xf32, #tpu.memory_space<vmem>>, vector<1x16xf32>,
      %swap3A_71 = arith.index_cast %scan3A_56 : i32 to index
      %swap3A_72 = arith.constant 48 : index
      %swap3A_73 = tpu.vector_load %arg8[%swap3A_71, %swap3A_72] {strides = array<i32>} : memref<128x128xf32, #tpu.memory_space<vmem>>, vector<1x16xf32>,
      %swap3A_74 = vector.shape_cast %swap3A_73 : vector<1x16xf32> to vector<16xf32>
      %swap3A_75 = vector.shape_cast %broadcast_in_dim3A_3 : vector<16xf32> to vector<1x16xf32>
      tpu.vector_store %arg8[%swap3A_71, %swap3A_72], %swap3A_75 {strides = array<i32>} : memref<128x128xf32, #tpu.memory_space<vmem>>, vector<1x16xf32>,
      %swap3A_76 = arith.index_cast %scan3A_56 : i32 to index
      %swap3A_77 = arith.constant 64 : index
      %swap3A_78 = tpu.vector_load %arg8[%swap3A_76, %swap3A_77] {strides = array<i32>} : memref<128x128xf32, #tpu.memory_space<vmem>>, vector<1x16xf32>,
      %swap3A_79 = vector.shape_cast %swap3A_78 : vector<1x16xf32> to vector<16xf32>
      %swap3A_80 = vector.shape_cast %broadcast_in_dim3A_3 : vector<16xf32> to vector<1x16xf32>
      tpu.vector_store %arg8[%swap3A_76, %swap3A_77], %swap3A_80 {strides = array<i32>} : memref<128x128xf32, #tpu.memory_space<vmem>>, vector<1x16xf32>,
      %swap3A_81 = arith.index_cast %scan3A_56 : i32 to index
      %swap3A_82 = arith.constant 80 : index
      %swap3A_83 = tpu.vector_load %arg8[%swap3A_81, %swap3A_82] {strides = array<i32>} : memref<128x128xf32, #tpu.memory_space<vmem>>, vector<1x16xf32>,
      %swap3A_84 = vector.shape_cast %swap3A_83 : vector<1x16xf32> to vector<16xf32>
      %swap3A_85 = vector.shape_cast %broadcast_in_dim3A_3 : vector<16xf32> to vector<1x16xf32>
      tpu.vector_store %arg8[%swap3A_81, %swap3A_82], %swap3A_85 {strides = array<i32>} : memref<128x128xf32, #tpu.memory_space<vmem>>, vector<1x16xf32>,
      %swap3A_86 = arith.index_cast %scan3A_56 : i32 to index
      %swap3A_87 = arith.constant 96 : index
      %swap3A_88 = tpu.vector_load %arg8[%swap3A_86, %swap3A_87] {strides = array<i32>} : memref<128x128xf32, #tpu.memory_space<vmem>>, vector<1x16xf32>,
      %swap3A_89 = vector.shape_cast %swap3A_88 : vector<1x16xf32> to vector<16xf32>
      %swap3A_90 = vector.shape_cast %broadcast_in_dim3A_3 : vector<16xf32> to vector<1x16xf32>
      tpu.vector_store %arg8[%swap3A_86, %swap3A_87], %swap3A_90 {strides = array<i32>} : memref<128x128xf32, #tpu.memory_space<vmem>>, vector<1x16xf32>,
      %swap3A_91 = arith.index_cast %scan3A_56 : i32 to index
      %swap3A_92 = arith.constant 112 : index
      %swap3A_93 = tpu.vector_load %arg8[%swap3A_91, %swap3A_92] {strides = array<i32>} : memref<128x128xf32, #tpu.memory_space<vmem>>, vector<1x16xf32>,
      %swap3A_94 = vector.shape_cast %swap3A_93 : vector<1x16xf32> to vector<16xf32>
      %swap3A_95 = vector.shape_cast %broadcast_in_dim3A_3 : vector<16xf32> to vector<1x16xf32>
      tpu.vector_store %arg8[%swap3A_91, %swap3A_92], %swap3A_95 {strides = array<i32>} : memref<128x128xf32, #tpu.memory_space<vmem>>, vector<1x16xf32>,
    }
    %scan3A_8 = arith.constant 128 : i32
    %mul3A_9 = arith.constant 640 : i32
    %mul3A_10 = arith.muli %arg1, %mul3A_9 : i32
    %add3A_11 = arith.constant 0 : i32
    %add3A_12 = arith.addi %mul3A_10, %add3A_11 : i32
    "tpu.region"() ({
      %run_scoped3A = tpu.sem_alloc : memref<!tpu.dma_semaphore, #tpu.memory_space<semaphore_mem>>
      %dma_start3A = arith.constant 0 : i32
      %dma_start3A_56 = tpu.memref_slice %arg9[%add3A_12, %dma_start3A] : memref<10240x128xf32, #tpu.memory_space<vmem_shared>> -> memref<128x128xf32, #tpu.memory_space<vmem_shared>>
      %dma_start3A_57 = arith.constant 0 : i32
      %dma_start3A_58 = tpu.memref_slice %arg9[%add3A_12, %dma_start3A_57] : memref<10240x128xf32, #tpu.memory_space<vmem_shared>> -> memref<128x128xf32, #tpu.memory_space<vmem_shared>>
      tpu.enqueue_dma source(%arg8 : memref<128x128xf32, #tpu.memory_space<vmem>>) target(%dma_start3A_58 : memref<128x128xf32, #tpu.memory_space<vmem_shared>>) target_semaphore(%run_scoped3A : memref<!tpu.dma_semaphore, #tpu.memory_space<semaphore_mem>>)
      %dma_wait3A = arith.constant 0 : i32
      %dma_wait3A_59 = tpu.memref_slice %arg9[%add3A_12, %dma_wait3A] : memref<10240x128xf32, #tpu.memory_space<vmem_shared>> -> memref<128x128xf32, #tpu.memory_space<vmem_shared>>
      %dma_wait3A_60 = arith.constant 0 : i32
      %dma_wait3A_61 = tpu.memref_slice %arg9[%add3A_12, %dma_wait3A_60] : memref<10240x128xf32, #tpu.memory_space<vmem_shared>> -> memref<128x128xf32, #tpu.memory_space<vmem_shared>>
      tpu.wait_dma2 semaphore(%run_scoped3A : memref<!tpu.dma_semaphore, #tpu.memory_space<semaphore_mem>>) src(%arg8 : memref<128x128xf32, #tpu.memory_space<vmem>>) dst(%dma_wait3A_61 : memref<128x128xf32, #tpu.memory_space<vmem_shared>>)
      tpu.yield
    }) : () -> ()
    %mul3A_13 = arith.constant 640 : i32
    %mul3A_14 = arith.muli %arg1, %mul3A_13 : i32
    %add3A_15 = arith.constant 128 : i32
    %add3A_16 = arith.addi %mul3A_14, %add3A_15 : i32
    "tpu.region"() ({
      %run_scoped3A = tpu.sem_alloc : memref<!tpu.dma_semaphore, #tpu.memory_space<semaphore_mem>>
      %dma_start3A = arith.constant 0 : i32
      %dma_start3A_56 = tpu.memref_slice %arg9[%add3A_16, %dma_start3A] : memref<10240x128xf32, #tpu.memory_space<vmem_shared>> -> memref<128x128xf32, #tpu.memory_space<vmem_shared>>
      %dma_start3A_57 = arith.constant 0 : i32
      %dma_start3A_58 = tpu.memref_slice %arg9[%add3A_16, %dma_start3A_57] : memref<10240x128xf32, #tpu.memory_space<vmem_shared>> -> memref<128x128xf32, #tpu.memory_space<vmem_shared>>
      tpu.enqueue_dma source(%arg8 : memref<128x128xf32, #tpu.memory_space<vmem>>) target(%dma_start3A_58 : memref<128x128xf32, #tpu.memory_space<vmem_shared>>) target_semaphore(%run_scoped3A : memref<!tpu.dma_semaphore, #tpu.memory_space<semaphore_mem>>)
      %dma_wait3A = arith.constant 0 : i32
      %dma_wait3A_59 = tpu.memref_slice %arg9[%add3A_16, %dma_wait3A] : memref<10240x128xf32, #tpu.memory_space<vmem_shared>> -> memref<128x128xf32, #tpu.memory_space<vmem_shared>>
      %dma_wait3A_60 = arith.constant 0 : i32
      %dma_wait3A_61 = tpu.memref_slice %arg9[%add3A_16, %dma_wait3A_60] : memref<10240x128xf32, #tpu.memory_space<vmem_shared>> -> memref<128x128xf32, #tpu.memory_space<vmem_shared>>
      tpu.wait_dma2 semaphore(%run_scoped3A : memref<!tpu.dma_semaphore, #tpu.memory_space<semaphore_mem>>) src(%arg8 : memref<128x128xf32, #tpu.memory_space<vmem>>) dst(%dma_wait3A_61 : memref<128x128xf32, #tpu.memory_space<vmem_shared>>)
      tpu.yield
    }) : () -> ()
    %mul3A_17 = arith.constant 640 : i32
    %mul3A_18 = arith.muli %arg1, %mul3A_17 : i32
    %add3A_19 = arith.constant 256 : i32
    %add3A_20 = arith.addi %mul3A_18, %add3A_19 : i32
    "tpu.region"() ({
      %run_scoped3A = tpu.sem_alloc : memref<!tpu.dma_semaphore, #tpu.memory_space<semaphore_mem>>
      %dma_start3A = arith.constant 0 : i32
      %dma_start3A_56 = tpu.memref_slice %arg9[%add3A_20, %dma_start3A] : memref<10240x128xf32, #tpu.memory_space<vmem_shared>> -> memref<128x128xf32, #tpu.memory_space<vmem_shared>>
      %dma_start3A_57 = arith.constant 0 : i32
      %dma_start3A_58 = tpu.memref_slice %arg9[%add3A_20, %dma_start3A_57] : memref<10240x128xf32, #tpu.memory_space<vmem_shared>> -> memref<128x128xf32, #tpu.memory_space<vmem_shared>>
      tpu.enqueue_dma source(%arg8 : memref<128x128xf32, #tpu.memory_space<vmem>>) target(%dma_start3A_58 : memref<128x128xf32, #tpu.memory_space<vmem_shared>>) target_semaphore(%run_scoped3A : memref<!tpu.dma_semaphore, #tpu.memory_space<semaphore_mem>>)
      %dma_wait3A = arith.constant 0 : i32
      %dma_wait3A_59 = tpu.memref_slice %arg9[%add3A_20, %dma_wait3A] : memref<10240x128xf32, #tpu.memory_space<vmem_shared>> -> memref<128x128xf32, #tpu.memory_space<vmem_shared>>
      %dma_wait3A_60 = arith.constant 0 : i32
      %dma_wait3A_61 = tpu.memref_slice %arg9[%add3A_20, %dma_wait3A_60] : memref<10240x128xf32, #tpu.memory_space<vmem_shared>> -> memref<128x128xf32, #tpu.memory_space<vmem_shared>>
      tpu.wait_dma2 semaphore(%run_scoped3A : memref<!tpu.dma_semaphore, #tpu.memory_space<semaphore_mem>>) src(%arg8 : memref<128x128xf32, #tpu.memory_space<vmem>>) dst(%dma_wait3A_61 : memref<128x128xf32, #tpu.memory_space<vmem_shared>>)
      tpu.yield
    }) : () -> ()
    %mul3A_21 = arith.constant 640 : i32
    %mul3A_22 = arith.muli %arg1, %mul3A_21 : i32
    %add3A_23 = arith.constant 384 : i32
    %add3A_24 = arith.addi %mul3A_22, %add3A_23 : i32
    "tpu.region"() ({
      %run_scoped3A = tpu.sem_alloc : memref<!tpu.dma_semaphore, #tpu.memory_space<semaphore_mem>>
      %dma_start3A = arith.constant 0 : i32
      %dma_start3A_56 = tpu.memref_slice %arg9[%add3A_24, %dma_start3A] : memref<10240x128xf32, #tpu.memory_space<vmem_shared>> -> memref<128x128xf32, #tpu.memory_space<vmem_shared>>
      %dma_start3A_57 = arith.constant 0 : i32
      %dma_start3A_58 = tpu.memref_slice %arg9[%add3A_24, %dma_start3A_57] : memref<10240x128xf32, #tpu.memory_space<vmem_shared>> -> memref<128x128xf32, #tpu.memory_space<vmem_shared>>
      tpu.enqueue_dma source(%arg8 : memref<128x128xf32, #tpu.memory_space<vmem>>) target(%dma_start3A_58 : memref<128x128xf32, #tpu.memory_space<vmem_shared>>) target_semaphore(%run_scoped3A : memref<!tpu.dma_semaphore, #tpu.memory_space<semaphore_mem>>)
      %dma_wait3A = arith.constant 0 : i32
      %dma_wait3A_59 = tpu.memref_slice %arg9[%add3A_24, %dma_wait3A] : memref<10240x128xf32, #tpu.memory_space<vmem_shared>> -> memref<128x128xf32, #tpu.memory_space<vmem_shared>>
      %dma_wait3A_60 = arith.constant 0 : i32
      %dma_wait3A_61 = tpu.memref_slice %arg9[%add3A_24, %dma_wait3A_60] : memref<10240x128xf32, #tpu.memory_space<vmem_shared>> -> memref<128x128xf32, #tpu.memory_space<vmem_shared>>
      tpu.wait_dma2 semaphore(%run_scoped3A : memref<!tpu.dma_semaphore, #tpu.memory_space<semaphore_mem>>) src(%arg8 : memref<128x128xf32, #tpu.memory_space<vmem>>) dst(%dma_wait3A_61 : memref<128x128xf32, #tpu.memory_space<vmem_shared>>)
      tpu.yield
    }) : () -> ()
    %mul3A_25 = arith.constant 640 : i32
    %mul3A_26 = arith.muli %arg1, %mul3A_25 : i32
    %add3A_27 = arith.constant 512 : i32
    %add3A_28 = arith.addi %mul3A_26, %add3A_27 : i32
    "tpu.region"() ({
      %run_scoped3A = tpu.sem_alloc : memref<!tpu.dma_semaphore, #tpu.memory_space<semaphore_mem>>
      %dma_start3A = arith.constant 0 : i32
      %dma_start3A_56 = tpu.memref_slice %arg9[%add3A_28, %dma_start3A] : memref<10240x128xf32, #tpu.memory_space<vmem_shared>> -> memref<128x128xf32, #tpu.memory_space<vmem_shared>>
      %dma_start3A_57 = arith.constant 0 : i32
      %dma_start3A_58 = tpu.memref_slice %arg9[%add3A_28, %dma_start3A_57] : memref<10240x128xf32, #tpu.memory_space<vmem_shared>> -> memref<128x128xf32, #tpu.memory_space<vmem_shared>>
      tpu.enqueue_dma source(%arg8 : memref<128x128xf32, #tpu.memory_space<vmem>>) target(%dma_start3A_58 : memref<128x128xf32, #tpu.memory_space<vmem_shared>>) target_semaphore(%run_scoped3A : memref<!tpu.dma_semaphore, #tpu.memory_space<semaphore_mem>>)
      %dma_wait3A = arith.constant 0 : i32
      %dma_wait3A_59 = tpu.memref_slice %arg9[%add3A_28, %dma_wait3A] : memref<10240x128xf32, #tpu.memory_space<vmem_shared>> -> memref<128x128xf32, #tpu.memory_space<vmem_shared>>
      %dma_wait3A_60 = arith.constant 0 : i32
      %dma_wait3A_61 = tpu.memref_slice %arg9[%add3A_28, %dma_wait3A_60] : memref<10240x128xf32, #tpu.memory_space<vmem_shared>> -> memref<128x128xf32, #tpu.memory_space<vmem_shared>>
      tpu.wait_dma2 semaphore(%run_scoped3A : memref<!tpu.dma_semaphore, #tpu.memory_space<semaphore_mem>>) src(%arg8 : memref<128x128xf32, #tpu.memory_space<vmem>>) dst(%dma_wait3A_61 : memref<128x128xf32, #tpu.memory_space<vmem_shared>>)
      tpu.yield
    }) : () -> ()
    %barrier3A = arith.constant 0 : index
    tpu.barrier barrier_id(%barrier3A)
    %scan3A_29 = arith.constant 0 : i32
    %scan3A_30 = arith.constant 0 : i32
    %scan3A_31 = arith.constant 79 : i32
    %scan3A_32 = arith.addi %scan3A_30, %scan3A_31 : i32
    %scan3A_33 = arith.constant 1 : i32
    scf.for %scan3A_56 = %scan3A_30 to %scan3A_32 step %scan3A_33  : i32 {
      %mul3A_57 = arith.constant 128 : i32
      %mul3A_58 = arith.muli %scan3A_56, %mul3A_57 : i32
      %add3A_59 = arith.addi %mul3A_2, %mul3A_58 : i32
      "tpu.region"() ({
        %run_scoped3A_82 = tpu.sem_alloc : memref<!tpu.dma_semaphore, #tpu.memory_space<semaphore_mem>>
        %dma_start3A_83 = arith.constant 0 : i32
        %dma_start3A_84 = arith.constant 0 : i32
        %dma_start3A_85 = tpu.memref_slice %arg4[%add3A, %scan3A_56, %dma_start3A_83, %dma_start3A_84] : memref<32x79x2x128xi32, #tpu.memory_space<hbm>> -> memref<1x1x2x128xi32, #tpu.memory_space<hbm>>
        %dma_start3A_86 = tpu.memref_squeeze %dma_start3A_85 : memref<1x1x2x128xi32, #tpu.memory_space<hbm>> -> memref<2x128xi32, #tpu.memory_space<hbm>>
        %dma_start3A_87 = arith.constant 0 : i32
        %dma_start3A_88 = arith.constant 0 : i32
        %dma_start3A_89 = tpu.memref_slice %arg4[%add3A, %scan3A_56, %dma_start3A_87, %dma_start3A_88] : memref<32x79x2x128xi32, #tpu.memory_space<hbm>> -> memref<1x1x2x128xi32, #tpu.memory_space<hbm>>
        %dma_start3A_90 = tpu.memref_squeeze %dma_start3A_89 : memref<1x1x2x128xi32, #tpu.memory_space<hbm>> -> memref<2x128xi32, #tpu.memory_space<hbm>>
        tpu.enqueue_dma source(%dma_start3A_90 : memref<2x128xi32, #tpu.memory_space<hbm>>) target(%arg6 : memref<2x128xi32, #tpu.memory_space<vmem>>) target_semaphore(%run_scoped3A_82 : memref<!tpu.dma_semaphore, #tpu.memory_space<semaphore_mem>>)
        %dma_wait3A_91 = arith.constant 0 : i32
        %dma_wait3A_92 = arith.constant 0 : i32
        %dma_wait3A_93 = tpu.memref_slice %arg4[%add3A, %scan3A_56, %dma_wait3A_91, %dma_wait3A_92] : memref<32x79x2x128xi32, #tpu.memory_space<hbm>> -> memref<1x1x2x128xi32, #tpu.memory_space<hbm>>
        %dma_wait3A_94 = tpu.memref_squeeze %dma_wait3A_93 : memref<1x1x2x128xi32, #tpu.memory_space<hbm>> -> memref<2x128xi32, #tpu.memory_space<hbm>>
        %dma_wait3A_95 = arith.constant 0 : i32
        %dma_wait3A_96 = arith.constant 0 : i32
        %dma_wait3A_97 = tpu.memref_slice %arg4[%add3A, %scan3A_56, %dma_wait3A_95, %dma_wait3A_96] : memref<32x79x2x128xi32, #tpu.memory_space<hbm>> -> memref<1x1x2x128xi32, #tpu.memory_space<hbm>>
        %dma_wait3A_98 = tpu.memref_squeeze %dma_wait3A_97 : memref<1x1x2x128xi32, #tpu.memory_space<hbm>> -> memref<2x128xi32, #tpu.memory_space<hbm>>
        tpu.wait_dma2 semaphore(%run_scoped3A_82 : memref<!tpu.dma_semaphore, #tpu.memory_space<semaphore_mem>>) src(%dma_wait3A_98 : memref<2x128xi32, #tpu.memory_space<hbm>>) dst(%arg6 : memref<2x128xi32, #tpu.memory_space<vmem>>)
        tpu.yield
      }) : () -> ()
      %dma_start3A = arith.constant 0 : i32
      %dma_start3A_60 = arith.constant 0 : i32
      %dma_start3A_61 = tpu.memref_slice %arg6[%dma_start3A, %dma_start3A_60] : memref<2x128xi32, #tpu.memory_space<vmem>> -> memref<1x128xi32, #tpu.memory_space<vmem>>
      %dma_start3A_62 = tpu.memref_squeeze %dma_start3A_61 : memref<1x128xi32, #tpu.memory_space<vmem>> -> memref<128xi32, #tpu.memory_space<vmem>>
      %dma_start3A_63 = arith.constant 0 : i32
      %dma_start3A_64 = arith.constant 0 : i32
      %dma_start3A_65 = tpu.memref_slice %arg2[%dma_start3A_63, %dma_start3A_64] : memref<10000x128xf32, #tpu.memory_space<hbm>> -> memref<10000x128xf32, #tpu.memory_space<hbm>>
      tpu.enqueue_indirect_dma source(%dma_start3A_65 : memref<10000x128xf32, #tpu.memory_space<hbm>>) target(%arg8 : memref<128x128xf32, #tpu.memory_space<vmem>>) offsets(%dma_start3A_62 : memref<128xi32, #tpu.memory_space<vmem>>) semaphore(%arg10 : memref<!tpu.dma_semaphore, #tpu.memory_space<semaphore_mem>>)
      %dma_start3A_66 = arith.constant 0 : i32
      %dma_start3A_67 = tpu.memref_slice %arg3[%add3A_59, %dma_start3A_66] : memref<323584x128xf32, #tpu.memory_space<hbm>> -> memref<128x128xf32, #tpu.memory_space<hbm>>
      %dma_start3A_68 = arith.constant 0 : i32
      %dma_start3A_69 = tpu.memref_slice %arg3[%add3A_59, %dma_start3A_68] : memref<323584x128xf32, #tpu.memory_space<hbm>> -> memref<128x128xf32, #tpu.memory_space<hbm>>
      tpu.enqueue_dma source(%dma_start3A_69 : memref<128x128xf32, #tpu.memory_space<hbm>>) target(%arg7 : memref<128x128xf32, #tpu.memory_space<vmem>>) target_semaphore(%arg11 : memref<!tpu.dma_semaphore, #tpu.memory_space<semaphore_mem>>)
      %dma_wait3A = arith.constant 0 : i32
      %dma_wait3A_70 = arith.constant 0 : i32
      %dma_wait3A_71 = tpu.memref_slice %arg6[%dma_wait3A, %dma_wait3A_70] : memref<2x128xi32, #tpu.memory_space<vmem>> -> memref<1x128xi32, #tpu.memory_space<vmem>>
      %dma_wait3A_72 = tpu.memref_squeeze %dma_wait3A_71 : memref<1x128xi32, #tpu.memory_space<vmem>> -> memref<128xi32, #tpu.memory_space<vmem>>
      %dma_wait3A_73 = arith.constant 0 : i32
      %dma_wait3A_74 = arith.constant 0 : i32
      %dma_wait3A_75 = tpu.memref_slice %arg2[%dma_wait3A_73, %dma_wait3A_74] : memref<10000x128xf32, #tpu.memory_space<hbm>> -> memref<10000x128xf32, #tpu.memory_space<hbm>>
      tpu.wait_indirect_dma semaphore(%arg10 : memref<!tpu.dma_semaphore, #tpu.memory_space<semaphore_mem>>) src(%dma_wait3A_75 : memref<10000x128xf32, #tpu.memory_space<hbm>>) dst(%arg8 : memref<128x128xf32, #tpu.memory_space<vmem>>)
      %dma_wait3A_76 = arith.constant 0 : i32
      %dma_wait3A_77 = tpu.memref_slice %arg3[%add3A_59, %dma_wait3A_76] : memref<323584x128xf32, #tpu.memory_space<hbm>> -> memref<128x128xf32, #tpu.memory_space<hbm>>
      %dma_wait3A_78 = arith.constant 0 : i32
      %dma_wait3A_79 = tpu.memref_slice %arg3[%add3A_59, %dma_wait3A_78] : memref<323584x128xf32, #tpu.memory_space<hbm>> -> memref<128x128xf32, #tpu.memory_space<hbm>>
      tpu.wait_dma2 semaphore(%arg11 : memref<!tpu.dma_semaphore, #tpu.memory_space<semaphore_mem>>) src(%dma_wait3A_79 : memref<128x128xf32, #tpu.memory_space<hbm>>) dst(%arg7 : memref<128x128xf32, #tpu.memory_space<vmem>>)
      %parallel_loop3A = arith.constant 0 : i32
      %parallel_loop3A_80 = arith.constant 128 : i32
      %parallel_loop3A_81 = arith.constant 1 : i32
      scf.for %parallel_loop3A_82 = %parallel_loop3A to %parallel_loop3A_80 step %parallel_loop3A_81  : i32 {
        %parallel_loop3A_83 = arith.index_cast %parallel_loop3A_82 : i32 to index
        %parallel_loop3A_84 = arith.constant 0 : index
        %parallel_loop3A_85 = tpu.vector_load %arg8[%parallel_loop3A_83, %parallel_loop3A_84] {strides = array<i32>} : memref<128x128xf32, #tpu.memory_space<vmem>>, vector<1x16xf32>,
        %parallel_loop3A_86 = vector.shape_cast %parallel_loop3A_85 : vector<1x16xf32> to vector<16xf32>
        %parallel_loop3A_87 = arith.index_cast %parallel_loop3A_82 : i32 to index
        %parallel_loop3A_88 = arith.constant 0 : index
        %parallel_loop3A_89 = tpu.vector_load %arg7[%parallel_loop3A_87, %parallel_loop3A_88] {strides = array<i32>} : memref<128x128xf32, #tpu.memory_space<vmem>>, vector<1x16xf32>,
        %parallel_loop3A_90 = vector.shape_cast %parallel_loop3A_89 : vector<1x16xf32> to vector<16xf32>
        %parallel_loop3A_91 = arith.addf %parallel_loop3A_86, %parallel_loop3A_90 : vector<16xf32>
        %parallel_loop3A_92 = arith.constant 0.000000e+00 : f32
        %parallel_loop3A_93 = vector.broadcast %parallel_loop3A_92 : f32 to vector<16xf32>
        %parallel_loop3A_94 = arith.maximumf %parallel_loop3A_91, %parallel_loop3A_93 : vector<16xf32>
        %parallel_loop3A_95 = arith.index_cast %parallel_loop3A_82 : i32 to index
        %parallel_loop3A_96 = arith.constant 0 : index
        %parallel_loop3A_97 = tpu.vector_load %arg7[%parallel_loop3A_95, %parallel_loop3A_96] {strides = array<i32>} : memref<128x128xf32, #tpu.memory_space<vmem>>, vector<1x16xf32>,
        %parallel_loop3A_98 = vector.shape_cast %parallel_loop3A_97 : vector<1x16xf32> to vector<16xf32>
        %parallel_loop3A_99 = vector.shape_cast %parallel_loop3A_94 : vector<16xf32> to vector<1x16xf32>
        tpu.vector_store %arg7[%parallel_loop3A_95, %parallel_loop3A_96], %parallel_loop3A_99 {strides = array<i32>} : memref<128x128xf32, #tpu.memory_space<vmem>>, vector<1x16xf32>,
        %parallel_loop3A_100 = arith.index_cast %parallel_loop3A_82 : i32 to index
        %parallel_loop3A_101 = arith.constant 16 : index
        %parallel_loop3A_102 = tpu.vector_load %arg8[%parallel_loop3A_100, %parallel_loop3A_101] {strides = array<i32>} : memref<128x128xf32, #tpu.memory_space<vmem>>, vector<1x16xf32>,
        %parallel_loop3A_103 = vector.shape_cast %parallel_loop3A_102 : vector<1x16xf32> to vector<16xf32>
        %parallel_loop3A_104 = arith.index_cast %parallel_loop3A_82 : i32 to index
        %parallel_loop3A_105 = arith.constant 16 : index
        %parallel_loop3A_106 = tpu.vector_load %arg7[%parallel_loop3A_104, %parallel_loop3A_105] {strides = array<i32>} : memref<128x128xf32, #tpu.memory_space<vmem>>, vector<1x16xf32>,
        %parallel_loop3A_107 = vector.shape_cast %parallel_loop3A_106 : vector<1x16xf32> to vector<16xf32>
        %parallel_loop3A_108 = arith.addf %parallel_loop3A_103, %parallel_loop3A_107 : vector<16xf32>
        %parallel_loop3A_109 = arith.constant 0.000000e+00 : f32
        %parallel_loop3A_110 = vector.broadcast %parallel_loop3A_109 : f32 to vector<16xf32>
        %parallel_loop3A_111 = arith.maximumf %parallel_loop3A_108, %parallel_loop3A_110 : vector<16xf32>
        %parallel_loop3A_112 = arith.index_cast %parallel_loop3A_82 : i32 to index
        %parallel_loop3A_113 = arith.constant 16 : index
        %parallel_loop3A_114 = tpu.vector_load %arg7[%parallel_loop3A_112, %parallel_loop3A_113] {strides = array<i32>} : memref<128x128xf32, #tpu.memory_space<vmem>>, vector<1x16xf32>,
        %parallel_loop3A_115 = vector.shape_cast %parallel_loop3A_114 : vector<1x16xf32> to vector<16xf32>
        %parallel_loop3A_116 = vector.shape_cast %parallel_loop3A_111 : vector<16xf32> to vector<1x16xf32>
        tpu.vector_store %arg7[%parallel_loop3A_112, %parallel_loop3A_113], %parallel_loop3A_116 {strides = array<i32>} : memref<128x128xf32, #tpu.memory_space<vmem>>, vector<1x16xf32>,
        %parallel_loop3A_117 = arith.index_cast %parallel_loop3A_82 : i32 to index
        %parallel_loop3A_118 = arith.constant 32 : index
        %parallel_loop3A_119 = tpu.vector_load %arg8[%parallel_loop3A_117, %parallel_loop3A_118] {strides = array<i32>} : memref<128x128xf32, #tpu.memory_space<vmem>>, vector<1x16xf32>,
        %parallel_loop3A_120 = vector.shape_cast %parallel_loop3A_119 : vector<1x16xf32> to vector<16xf32>
        %parallel_loop3A_121 = arith.index_cast %parallel_loop3A_82 : i32 to index
        %parallel_loop3A_122 = arith.constant 32 : index
        %parallel_loop3A_123 = tpu.vector_load %arg7[%parallel_loop3A_121, %parallel_loop3A_122] {strides = array<i32>} : memref<128x128xf32, #tpu.memory_space<vmem>>, vector<1x16xf32>,
        %parallel_loop3A_124 = vector.shape_cast %parallel_loop3A_123 : vector<1x16xf32> to vector<16xf32>
        %parallel_loop3A_125 = arith.addf %parallel_loop3A_120, %parallel_loop3A_124 : vector<16xf32>
        %parallel_loop3A_126 = arith.constant 0.000000e+00 : f32
        %parallel_loop3A_127 = vector.broadcast %parallel_loop3A_126 : f32 to vector<16xf32>
        %parallel_loop3A_128 = arith.maximumf %parallel_loop3A_125, %parallel_loop3A_127 : vector<16xf32>
        %parallel_loop3A_129 = arith.index_cast %parallel_loop3A_82 : i32 to index
        %parallel_loop3A_130 = arith.constant 32 : index
        %parallel_loop3A_131 = tpu.vector_load %arg7[%parallel_loop3A_129, %parallel_loop3A_130] {strides = array<i32>} : memref<128x128xf32, #tpu.memory_space<vmem>>, vector<1x16xf32>,
        %parallel_loop3A_132 = vector.shape_cast %parallel_loop3A_131 : vector<1x16xf32> to vector<16xf32>
        %parallel_loop3A_133 = vector.shape_cast %parallel_loop3A_128 : vector<16xf32> to vector<1x16xf32>
        tpu.vector_store %arg7[%parallel_loop3A_129, %parallel_loop3A_130], %parallel_loop3A_133 {strides = array<i32>} : memref<128x128xf32, #tpu.memory_space<vmem>>, vector<1x16xf32>,
        %parallel_loop3A_134 = arith.index_cast %parallel_loop3A_82 : i32 to index
        %parallel_loop3A_135 = arith.constant 48 : index
        %parallel_loop3A_136 = tpu.vector_load %arg8[%parallel_loop3A_134, %parallel_loop3A_135] {strides = array<i32>} : memref<128x128xf32, #tpu.memory_space<vmem>>, vector<1x16xf32>,
        %parallel_loop3A_137 = vector.shape_cast %parallel_loop3A_136 : vector<1x16xf32> to vector<16xf32>
        %parallel_loop3A_138 = arith.index_cast %parallel_loop3A_82 : i32 to index
        %parallel_loop3A_139 = arith.constant 48 : index
        %parallel_loop3A_140 = tpu.vector_load %arg7[%parallel_loop3A_138, %parallel_loop3A_139] {strides = array<i32>} : memref<128x128xf32, #tpu.memory_space<vmem>>, vector<1x16xf32>,
        %parallel_loop3A_141 = vector.shape_cast %parallel_loop3A_140 : vector<1x16xf32> to vector<16xf32>
        %parallel_loop3A_142 = arith.addf %parallel_loop3A_137, %parallel_loop3A_141 : vector<16xf32>
        %parallel_loop3A_143 = arith.constant 0.000000e+00 : f32
        %parallel_loop3A_144 = vector.broadcast %parallel_loop3A_143 : f32 to vector<16xf32>
        %parallel_loop3A_145 = arith.maximumf %parallel_loop3A_142, %parallel_loop3A_144 : vector<16xf32>
        %parallel_loop3A_146 = arith.index_cast %parallel_loop3A_82 : i32 to index
        %parallel_loop3A_147 = arith.constant 48 : index
        %parallel_loop3A_148 = tpu.vector_load %arg7[%parallel_loop3A_146, %parallel_loop3A_147] {strides = array<i32>} : memref<128x128xf32, #tpu.memory_space<vmem>>, vector<1x16xf32>,
        %parallel_loop3A_149 = vector.shape_cast %parallel_loop3A_148 : vector<1x16xf32> to vector<16xf32>
        %parallel_loop3A_150 = vector.shape_cast %parallel_loop3A_145 : vector<16xf32> to vector<1x16xf32>
        tpu.vector_store %arg7[%parallel_loop3A_146, %parallel_loop3A_147], %parallel_loop3A_150 {strides = array<i32>} : memref<128x128xf32, #tpu.memory_space<vmem>>, vector<1x16xf32>,
        %parallel_loop3A_151 = arith.index_cast %parallel_loop3A_82 : i32 to index
        %parallel_loop3A_152 = arith.constant 64 : index
        %parallel_loop3A_153 = tpu.vector_load %arg8[%parallel_loop3A_151, %parallel_loop3A_152] {strides = array<i32>} : memref<128x128xf32, #tpu.memory_space<vmem>>, vector<1x16xf32>,
        %parallel_loop3A_154 = vector.shape_cast %parallel_loop3A_153 : vector<1x16xf32> to vector<16xf32>
        %parallel_loop3A_155 = arith.index_cast %parallel_loop3A_82 : i32 to index
        %parallel_loop3A_156 = arith.constant 64 : index
        %parallel_loop3A_157 = tpu.vector_load %arg7[%parallel_loop3A_155, %parallel_loop3A_156] {strides = array<i32>} : memref<128x128xf32, #tpu.memory_space<vmem>>, vector<1x16xf32>,
        %parallel_loop3A_158 = vector.shape_cast %parallel_loop3A_157 : vector<1x16xf32> to vector<16xf32>
        %parallel_loop3A_159 = arith.addf %parallel_loop3A_154, %parallel_loop3A_158 : vector<16xf32>
        %parallel_loop3A_160 = arith.constant 0.000000e+00 : f32
        %parallel_loop3A_161 = vector.broadcast %parallel_loop3A_160 : f32 to vector<16xf32>
        %parallel_loop3A_162 = arith.maximumf %parallel_loop3A_159, %parallel_loop3A_161 : vector<16xf32>
        %parallel_loop3A_163 = arith.index_cast %parallel_loop3A_82 : i32 to index
        %parallel_loop3A_164 = arith.constant 64 : index
        %parallel_loop3A_165 = tpu.vector_load %arg7[%parallel_loop3A_163, %parallel_loop3A_164] {strides = array<i32>} : memref<128x128xf32, #tpu.memory_space<vmem>>, vector<1x16xf32>,
        %parallel_loop3A_166 = vector.shape_cast %parallel_loop3A_165 : vector<1x16xf32> to vector<16xf32>
        %parallel_loop3A_167 = vector.shape_cast %parallel_loop3A_162 : vector<16xf32> to vector<1x16xf32>
        tpu.vector_store %arg7[%parallel_loop3A_163, %parallel_loop3A_164], %parallel_loop3A_167 {strides = array<i32>} : memref<128x128xf32, #tpu.memory_space<vmem>>, vector<1x16xf32>,
        %parallel_loop3A_168 = arith.index_cast %parallel_loop3A_82 : i32 to index
        %parallel_loop3A_169 = arith.constant 80 : index
        %parallel_loop3A_170 = tpu.vector_load %arg8[%parallel_loop3A_168, %parallel_loop3A_169] {strides = array<i32>} : memref<128x128xf32, #tpu.memory_space<vmem>>, vector<1x16xf32>,
        %parallel_loop3A_171 = vector.shape_cast %parallel_loop3A_170 : vector<1x16xf32> to vector<16xf32>
        %parallel_loop3A_172 = arith.index_cast %parallel_loop3A_82 : i32 to index
        %parallel_loop3A_173 = arith.constant 80 : index
        %parallel_loop3A_174 = tpu.vector_load %arg7[%parallel_loop3A_172, %parallel_loop3A_173] {strides = array<i32>} : memref<128x128xf32, #tpu.memory_space<vmem>>, vector<1x16xf32>,
        %parallel_loop3A_175 = vector.shape_cast %parallel_loop3A_174 : vector<1x16xf32> to vector<16xf32>
        %parallel_loop3A_176 = arith.addf %parallel_loop3A_171, %parallel_loop3A_175 : vector<16xf32>
        %parallel_loop3A_177 = arith.constant 0.000000e+00 : f32
        %parallel_loop3A_178 = vector.broadcast %parallel_loop3A_177 : f32 to vector<16xf32>
        %parallel_loop3A_179 = arith.maximumf %parallel_loop3A_176, %parallel_loop3A_178 : vector<16xf32>
        %parallel_loop3A_180 = arith.index_cast %parallel_loop3A_82 : i32 to index
        %parallel_loop3A_181 = arith.constant 80 : index
        %parallel_loop3A_182 = tpu.vector_load %arg7[%parallel_loop3A_180, %parallel_loop3A_181] {strides = array<i32>} : memref<128x128xf32, #tpu.memory_space<vmem>>, vector<1x16xf32>,
        %parallel_loop3A_183 = vector.shape_cast %parallel_loop3A_182 : vector<1x16xf32> to vector<16xf32>
        %parallel_loop3A_184 = vector.shape_cast %parallel_loop3A_179 : vector<16xf32> to vector<1x16xf32>
        tpu.vector_store %arg7[%parallel_loop3A_180, %parallel_loop3A_181], %parallel_loop3A_184 {strides = array<i32>} : memref<128x128xf32, #tpu.memory_space<vmem>>, vector<1x16xf32>,
        %parallel_loop3A_185 = arith.index_cast %parallel_loop3A_82 : i32 to index
        %parallel_loop3A_186 = arith.constant 96 : index
        %parallel_loop3A_187 = tpu.vector_load %arg8[%parallel_loop3A_185, %parallel_loop3A_186] {strides = array<i32>} : memref<128x128xf32, #tpu.memory_space<vmem>>, vector<1x16xf32>,
        %parallel_loop3A_188 = vector.shape_cast %parallel_loop3A_187 : vector<1x16xf32> to vector<16xf32>
        %parallel_loop3A_189 = arith.index_cast %parallel_loop3A_82 : i32 to index
        %parallel_loop3A_190 = arith.constant 96 : index
        %parallel_loop3A_191 = tpu.vector_load %arg7[%parallel_loop3A_189, %parallel_loop3A_190] {strides = array<i32>} : memref<128x128xf32, #tpu.memory_space<vmem>>, vector<1x16xf32>,
        %parallel_loop3A_192 = vector.shape_cast %parallel_loop3A_191 : vector<1x16xf32> to vector<16xf32>
        %parallel_loop3A_193 = arith.addf %parallel_loop3A_188, %parallel_loop3A_192 : vector<16xf32>
        %parallel_loop3A_194 = arith.constant 0.000000e+00 : f32
        %parallel_loop3A_195 = vector.broadcast %parallel_loop3A_194 : f32 to vector<16xf32>
        %parallel_loop3A_196 = arith.maximumf %parallel_loop3A_193, %parallel_loop3A_195 : vector<16xf32>
        %parallel_loop3A_197 = arith.index_cast %parallel_loop3A_82 : i32 to index
        %parallel_loop3A_198 = arith.constant 96 : index
        %parallel_loop3A_199 = tpu.vector_load %arg7[%parallel_loop3A_197, %parallel_loop3A_198] {strides = array<i32>} : memref<128x128xf32, #tpu.memory_space<vmem>>, vector<1x16xf32>,
        %parallel_loop3A_200 = vector.shape_cast %parallel_loop3A_199 : vector<1x16xf32> to vector<16xf32>
        %parallel_loop3A_201 = vector.shape_cast %parallel_loop3A_196 : vector<16xf32> to vector<1x16xf32>
        tpu.vector_store %arg7[%parallel_loop3A_197, %parallel_loop3A_198], %parallel_loop3A_201 {strides = array<i32>} : memref<128x128xf32, #tpu.memory_space<vmem>>, vector<1x16xf32>,
        %parallel_loop3A_202 = arith.index_cast %parallel_loop3A_82 : i32 to index
        %parallel_loop3A_203 = arith.constant 112 : index
        %parallel_loop3A_204 = tpu.vector_load %arg8[%parallel_loop3A_202, %parallel_loop3A_203] {strides = array<i32>} : memref<128x128xf32, #tpu.memory_space<vmem>>, vector<1x16xf32>,
        %parallel_loop3A_205 = vector.shape_cast %parallel_loop3A_204 : vector<1x16xf32> to vector<16xf32>
        %parallel_loop3A_206 = arith.index_cast %parallel_loop3A_82 : i32 to index
        %parallel_loop3A_207 = arith.constant 112 : index
        %parallel_loop3A_208 = tpu.vector_load %arg7[%parallel_loop3A_206, %parallel_loop3A_207] {strides = array<i32>} : memref<128x128xf32, #tpu.memory_space<vmem>>, vector<1x16xf32>,
        %parallel_loop3A_209 = vector.shape_cast %parallel_loop3A_208 : vector<1x16xf32> to vector<16xf32>
        %parallel_loop3A_210 = arith.addf %parallel_loop3A_205, %parallel_loop3A_209 : vector<16xf32>
        %parallel_loop3A_211 = arith.constant 0.000000e+00 : f32
        %parallel_loop3A_212 = vector.broadcast %parallel_loop3A_211 : f32 to vector<16xf32>
        %parallel_loop3A_213 = arith.maximumf %parallel_loop3A_210, %parallel_loop3A_212 : vector<16xf32>
        %parallel_loop3A_214 = arith.index_cast %parallel_loop3A_82 : i32 to index
        %parallel_loop3A_215 = arith.constant 112 : index
        %parallel_loop3A_216 = tpu.vector_load %arg7[%parallel_loop3A_214, %parallel_loop3A_215] {strides = array<i32>} : memref<128x128xf32, #tpu.memory_space<vmem>>, vector<1x16xf32>,
        %parallel_loop3A_217 = vector.shape_cast %parallel_loop3A_216 : vector<1x16xf32> to vector<16xf32>
        %parallel_loop3A_218 = vector.shape_cast %parallel_loop3A_213 : vector<16xf32> to vector<1x16xf32>
        tpu.vector_store %arg7[%parallel_loop3A_214, %parallel_loop3A_215], %parallel_loop3A_218 {strides = array<i32>} : memref<128x128xf32, #tpu.memory_space<vmem>>, vector<1x16xf32>,
      } {sc.loop_unroll_factor = 2 : i64, sc.parallel_access}
      %run_scoped3A = arith.constant 1 : i32
      "tpu.region"() ({
        %run_scoped3A_82 = tpu.sem_alloc : memref<!tpu.dma_semaphore, #tpu.memory_space<semaphore_mem>>
        %dma_start3A_83 = arith.constant 0 : i32
        %dma_start3A_84 = tpu.memref_slice %arg6[%run_scoped3A, %dma_start3A_83] : memref<2x128xi32, #tpu.memory_space<vmem>> -> memref<1x128xi32, #tpu.memory_space<vmem>>
        %dma_start3A_85 = tpu.memref_squeeze %dma_start3A_84 : memref<1x128xi32, #tpu.memory_space<vmem>> -> memref<128xi32, #tpu.memory_space<vmem>>
        %dma_start3A_86 = arith.constant 0 : i32
        %dma_start3A_87 = arith.constant 0 : i32
        %dma_start3A_88 = tpu.memref_slice %arg9[%dma_start3A_86, %dma_start3A_87] : memref<10240x128xf32, #tpu.memory_space<vmem_shared>> -> memref<10240x128xf32, #tpu.memory_space<vmem_shared>>
        tpu.enqueue_indirect_dma source(%arg7 : memref<128x128xf32, #tpu.memory_space<vmem>>) target(%dma_start3A_88 : memref<10240x128xf32, #tpu.memory_space<vmem_shared>>) offsets(%dma_start3A_85 : memref<128xi32, #tpu.memory_space<vmem>>) semaphore(%run_scoped3A_82 : memref<!tpu.dma_semaphore, #tpu.memory_space<semaphore_mem>>) {add = true}
        %dma_wait3A_89 = arith.constant 0 : i32
        %dma_wait3A_90 = tpu.memref_slice %arg6[%run_scoped3A, %dma_wait3A_89] : memref<2x128xi32, #tpu.memory_space<vmem>> -> memref<1x128xi32, #tpu.memory_space<vmem>>
        %dma_wait3A_91 = tpu.memref_squeeze %dma_wait3A_90 : memref<1x128xi32, #tpu.memory_space<vmem>> -> memref<128xi32, #tpu.memory_space<vmem>>
        %dma_wait3A_92 = arith.constant 0 : i32
        %dma_wait3A_93 = arith.constant 0 : i32
        %dma_wait3A_94 = tpu.memref_slice %arg9[%dma_wait3A_92, %dma_wait3A_93] : memref<10240x128xf32, #tpu.memory_space<vmem_shared>> -> memref<10240x128xf32, #tpu.memory_space<vmem_shared>>
        tpu.wait_indirect_dma semaphore(%run_scoped3A_82 : memref<!tpu.dma_semaphore, #tpu.memory_space<semaphore_mem>>) src(%arg7 : memref<128x128xf32, #tpu.memory_space<vmem>>) dst(%dma_wait3A_94 : memref<10240x128xf32, #tpu.memory_space<vmem_shared>>)
        tpu.yield
      }) : () -> ()
    }
    %scan3A_34 = arith.constant 79 : i32
    %barrier3A_35 = arith.constant 0 : index
    tpu.barrier barrier_id(%barrier3A_35)
    %mul3A_36 = arith.constant 640 : i32
    %mul3A_37 = arith.muli %arg1, %mul3A_36 : i32
    %add3A_38 = arith.constant 0 : i32
    %add3A_39 = arith.addi %mul3A_37, %add3A_38 : i32
    "tpu.region"() ({
      %run_scoped3A = tpu.sem_alloc : memref<!tpu.dma_semaphore, #tpu.memory_space<semaphore_mem>>
      %dma_start3A = arith.constant 0 : i32
      %dma_start3A_56 = tpu.memref_slice %arg5[%arg0, %add3A_39, %dma_start3A] : memref<2x10240x128xf32, #tpu.memory_space<hbm>> -> memref<1x128x128xf32, #tpu.memory_space<hbm>>
      %dma_start3A_57 = tpu.memref_squeeze %dma_start3A_56 : memref<1x128x128xf32, #tpu.memory_space<hbm>> -> memref<128x128xf32, #tpu.memory_space<hbm>>
      %dma_start3A_58 = arith.constant 0 : i32
      %dma_start3A_59 = tpu.memref_slice %arg9[%add3A_39, %dma_start3A_58] : memref<10240x128xf32, #tpu.memory_space<vmem_shared>> -> memref<128x128xf32, #tpu.memory_space<vmem_shared>>
      tpu.enqueue_dma source(%dma_start3A_59 : memref<128x128xf32, #tpu.memory_space<vmem_shared>>) target(%dma_start3A_57 : memref<128x128xf32, #tpu.memory_space<hbm>>) target_semaphore(%run_scoped3A : memref<!tpu.dma_semaphore, #tpu.memory_space<semaphore_mem>>)
      %dma_wait3A = arith.constant 0 : i32
      %dma_wait3A_60 = tpu.memref_slice %arg5[%arg0, %add3A_39, %dma_wait3A] : memref<2x10240x128xf32, #tpu.memory_space<hbm>> -> memref<1x128x128xf32, #tpu.memory_space<hbm>>
      %dma_wait3A_61 = tpu.memref_squeeze %dma_wait3A_60 : memref<1x128x128xf32, #tpu.memory_space<hbm>> -> memref<128x128xf32, #tpu.memory_space<hbm>>
      %dma_wait3A_62 = arith.constant 0 : i32
      %dma_wait3A_63 = tpu.memref_slice %arg9[%add3A_39, %dma_wait3A_62] : memref<10240x128xf32, #tpu.memory_space<vmem_shared>> -> memref<128x128xf32, #tpu.memory_space<vmem_shared>>
      tpu.wait_dma2 semaphore(%run_scoped3A : memref<!tpu.dma_semaphore, #tpu.memory_space<semaphore_mem>>) src(%dma_wait3A_63 : memref<128x128xf32, #tpu.memory_space<vmem_shared>>) dst(%dma_wait3A_61 : memref<128x128xf32, #tpu.memory_space<hbm>>)
      tpu.yield
    }) : () -> ()
    %mul3A_40 = arith.constant 640 : i32
    %mul3A_41 = arith.muli %arg1, %mul3A_40 : i32
    %add3A_42 = arith.constant 128 : i32
    %add3A_43 = arith.addi %mul3A_41, %add3A_42 : i32
    "tpu.region"() ({
      %run_scoped3A = tpu.sem_alloc : memref<!tpu.dma_semaphore, #tpu.memory_space<semaphore_mem>>
      %dma_start3A = arith.constant 0 : i32
      %dma_start3A_56 = tpu.memref_slice %arg5[%arg0, %add3A_43, %dma_start3A] : memref<2x10240x128xf32, #tpu.memory_space<hbm>> -> memref<1x128x128xf32, #tpu.memory_space<hbm>>
      %dma_start3A_57 = tpu.memref_squeeze %dma_start3A_56 : memref<1x128x128xf32, #tpu.memory_space<hbm>> -> memref<128x128xf32, #tpu.memory_space<hbm>>
      %dma_start3A_58 = arith.constant 0 : i32
      %dma_start3A_59 = tpu.memref_slice %arg9[%add3A_43, %dma_start3A_58] : memref<10240x128xf32, #tpu.memory_space<vmem_shared>> -> memref<128x128xf32, #tpu.memory_space<vmem_shared>>
      tpu.enqueue_dma source(%dma_start3A_59 : memref<128x128xf32, #tpu.memory_space<vmem_shared>>) target(%dma_start3A_57 : memref<128x128xf32, #tpu.memory_space<hbm>>) target_semaphore(%run_scoped3A : memref<!tpu.dma_semaphore, #tpu.memory_space<semaphore_mem>>)
      %dma_wait3A = arith.constant 0 : i32
      %dma_wait3A_60 = tpu.memref_slice %arg5[%arg0, %add3A_43, %dma_wait3A] : memref<2x10240x128xf32, #tpu.memory_space<hbm>> -> memref<1x128x128xf32, #tpu.memory_space<hbm>>
      %dma_wait3A_61 = tpu.memref_squeeze %dma_wait3A_60 : memref<1x128x128xf32, #tpu.memory_space<hbm>> -> memref<128x128xf32, #tpu.memory_space<hbm>>
      %dma_wait3A_62 = arith.constant 0 : i32
      %dma_wait3A_63 = tpu.memref_slice %arg9[%add3A_43, %dma_wait3A_62] : memref<10240x128xf32, #tpu.memory_space<vmem_shared>> -> memref<128x128xf32, #tpu.memory_space<vmem_shared>>
      tpu.wait_dma2 semaphore(%run_scoped3A : memref<!tpu.dma_semaphore, #tpu.memory_space<semaphore_mem>>) src(%dma_wait3A_63 : memref<128x128xf32, #tpu.memory_space<vmem_shared>>) dst(%dma_wait3A_61 : memref<128x128xf32, #tpu.memory_space<hbm>>)
      tpu.yield
    }) : () -> ()
    %mul3A_44 = arith.constant 640 : i32
    %mul3A_45 = arith.muli %arg1, %mul3A_44 : i32
    %add3A_46 = arith.constant 256 : i32
    %add3A_47 = arith.addi %mul3A_45, %add3A_46 : i32
    "tpu.region"() ({
      %run_scoped3A = tpu.sem_alloc : memref<!tpu.dma_semaphore, #tpu.memory_space<semaphore_mem>>
      %dma_start3A = arith.constant 0 : i32
      %dma_start3A_56 = tpu.memref_slice %arg5[%arg0, %add3A_47, %dma_start3A] : memref<2x10240x128xf32, #tpu.memory_space<hbm>> -> memref<1x128x128xf32, #tpu.memory_space<hbm>>
      %dma_start3A_57 = tpu.memref_squeeze %dma_start3A_56 : memref<1x128x128xf32, #tpu.memory_space<hbm>> -> memref<128x128xf32, #tpu.memory_space<hbm>>
      %dma_start3A_58 = arith.constant 0 : i32
      %dma_start3A_59 = tpu.memref_slice %arg9[%add3A_47, %dma_start3A_58] : memref<10240x128xf32, #tpu.memory_space<vmem_shared>> -> memref<128x128xf32, #tpu.memory_space<vmem_shared>>
      tpu.enqueue_dma source(%dma_start3A_59 : memref<128x128xf32, #tpu.memory_space<vmem_shared>>) target(%dma_start3A_57 : memref<128x128xf32, #tpu.memory_space<hbm>>) target_semaphore(%run_scoped3A : memref<!tpu.dma_semaphore, #tpu.memory_space<semaphore_mem>>)
      %dma_wait3A = arith.constant 0 : i32
      %dma_wait3A_60 = tpu.memref_slice %arg5[%arg0, %add3A_47, %dma_wait3A] : memref<2x10240x128xf32, #tpu.memory_space<hbm>> -> memref<1x128x128xf32, #tpu.memory_space<hbm>>
      %dma_wait3A_61 = tpu.memref_squeeze %dma_wait3A_60 : memref<1x128x128xf32, #tpu.memory_space<hbm>> -> memref<128x128xf32, #tpu.memory_space<hbm>>
      %dma_wait3A_62 = arith.constant 0 : i32
      %dma_wait3A_63 = tpu.memref_slice %arg9[%add3A_47, %dma_wait3A_62] : memref<10240x128xf32, #tpu.memory_space<vmem_shared>> -> memref<128x128xf32, #tpu.memory_space<vmem_shared>>
      tpu.wait_dma2 semaphore(%run_scoped3A : memref<!tpu.dma_semaphore, #tpu.memory_space<semaphore_mem>>) src(%dma_wait3A_63 : memref<128x128xf32, #tpu.memory_space<vmem_shared>>) dst(%dma_wait3A_61 : memref<128x128xf32, #tpu.memory_space<hbm>>)
      tpu.yield
    }) : () -> ()
    %mul3A_48 = arith.constant 640 : i32
    %mul3A_49 = arith.muli %arg1, %mul3A_48 : i32
    %add3A_50 = arith.constant 384 : i32
    %add3A_51 = arith.addi %mul3A_49, %add3A_50 : i32
    "tpu.region"() ({
      %run_scoped3A = tpu.sem_alloc : memref<!tpu.dma_semaphore, #tpu.memory_space<semaphore_mem>>
      %dma_start3A = arith.constant 0 : i32
      %dma_start3A_56 = tpu.memref_slice %arg5[%arg0, %add3A_51, %dma_start3A] : memref<2x10240x128xf32, #tpu.memory_space<hbm>> -> memref<1x128x128xf32, #tpu.memory_space<hbm>>
      %dma_start3A_57 = tpu.memref_squeeze %dma_start3A_56 : memref<1x128x128xf32, #tpu.memory_space<hbm>> -> memref<128x128xf32, #tpu.memory_space<hbm>>
      %dma_start3A_58 = arith.constant 0 : i32
      %dma_start3A_59 = tpu.memref_slice %arg9[%add3A_51, %dma_start3A_58] : memref<10240x128xf32, #tpu.memory_space<vmem_shared>> -> memref<128x128xf32, #tpu.memory_space<vmem_shared>>
      tpu.enqueue_dma source(%dma_start3A_59 : memref<128x128xf32, #tpu.memory_space<vmem_shared>>) target(%dma_start3A_57 : memref<128x128xf32, #tpu.memory_space<hbm>>) target_semaphore(%run_scoped3A : memref<!tpu.dma_semaphore, #tpu.memory_space<semaphore_mem>>)
      %dma_wait3A = arith.constant 0 : i32
      %dma_wait3A_60 = tpu.memref_slice %arg5[%arg0, %add3A_51, %dma_wait3A] : memref<2x10240x128xf32, #tpu.memory_space<hbm>> -> memref<1x128x128xf32, #tpu.memory_space<hbm>>
      %dma_wait3A_61 = tpu.memref_squeeze %dma_wait3A_60 : memref<1x128x128xf32, #tpu.memory_space<hbm>> -> memref<128x128xf32, #tpu.memory_space<hbm>>
      %dma_wait3A_62 = arith.constant 0 : i32
      %dma_wait3A_63 = tpu.memref_slice %arg9[%add3A_51, %dma_wait3A_62] : memref<10240x128xf32, #tpu.memory_space<vmem_shared>> -> memref<128x128xf32, #tpu.memory_space<vmem_shared>>
      tpu.wait_dma2 semaphore(%run_scoped3A : memref<!tpu.dma_semaphore, #tpu.memory_space<semaphore_mem>>) src(%dma_wait3A_63 : memref<128x128xf32, #tpu.memory_space<vmem_shared>>) dst(%dma_wait3A_61 : memref<128x128xf32, #tpu.memory_space<hbm>>)
      tpu.yield
    }) : () -> ()
    %mul3A_52 = arith.constant 640 : i32
    %mul3A_53 = arith.muli %arg1, %mul3A_52 : i32
    %add3A_54 = arith.constant 512 : i32
    %add3A_55 = arith.addi %mul3A_53, %add3A_54 : i32
    "tpu.region"() ({
      %run_scoped3A = tpu.sem_alloc : memref<!tpu.dma_semaphore, #tpu.memory_space<semaphore_mem>>
      %dma_start3A = arith.constant 0 : i32
      %dma_start3A_56 = tpu.memref_slice %arg5[%arg0, %add3A_55, %dma_start3A] : memref<2x10240x128xf32, #tpu.memory_space<hbm>> -> memref<1x128x128xf32, #tpu.memory_space<hbm>>
      %dma_start3A_57 = tpu.memref_squeeze %dma_start3A_56 : memref<1x128x128xf32, #tpu.memory_space<hbm>> -> memref<128x128xf32, #tpu.memory_space<hbm>>
      %dma_start3A_58 = arith.constant 0 : i32
      %dma_start3A_59 = tpu.memref_slice %arg9[%add3A_55, %dma_start3A_58] : memref<10240x128xf32, #tpu.memory_space<vmem_shared>> -> memref<128x128xf32, #tpu.memory_space<vmem_shared>>
      tpu.enqueue_dma source(%dma_start3A_59 : memref<128x128xf32, #tpu.memory_space<vmem_shared>>) target(%dma_start3A_57 : memref<128x128xf32, #tpu.memory_space<hbm>>) target_semaphore(%run_scoped3A : memref<!tpu.dma_semaphore, #tpu.memory_space<semaphore_mem>>)
      %dma_wait3A = arith.constant 0 : i32
      %dma_wait3A_60 = tpu.memref_slice %arg5[%arg0, %add3A_55, %dma_wait3A] : memref<2x10240x128xf32, #tpu.memory_space<hbm>> -> memref<1x128x128xf32, #tpu.memory_space<hbm>>
      %dma_wait3A_61 = tpu.memref_squeeze %dma_wait3A_60 : memref<1x128x128xf32, #tpu.memory_space<hbm>> -> memref<128x128xf32, #tpu.memory_space<hbm>>
      %dma_wait3A_62 = arith.constant 0 : i32
      %dma_wait3A_63 = tpu.memref_slice %arg9[%add3A_55, %dma_wait3A_62] : memref<10240x128xf32, #tpu.memory_space<vmem_shared>> -> memref<128x128xf32, #tpu.memory_space<vmem_shared>>
      tpu.wait_dma2 semaphore(%run_scoped3A : memref<!tpu.dma_semaphore, #tpu.memory_space<semaphore_mem>>) src(%dma_wait3A_63 : memref<128x128xf32, #tpu.memory_space<vmem_shared>>) dst(%dma_wait3A_61 : memref<128x128xf32, #tpu.memory_space<hbm>>)
      tpu.yield
    }) : () -> ()
    return
  }
}

module attributes {stable_mosaic.version = 14 : i64} {
  func.func @_edge_mlp_body(%arg0: i32, %arg1: memref<2048x16xf32, #tpu.memory_space<vmem>>, %arg2: memref<16x128xf32, #tpu.memory_space<vmem>>, %arg3: memref<1x128xf32, #tpu.memory_space<vmem>>, %arg4: memref<2048x128xf32, #tpu.memory_space<vmem>>) attributes {dimension_semantics = [#tpu.dimension_semantics<arbitrary>], iteration_bounds = array<i64: 158>, scalar_prefetch = 0 : i64, scratch_operands = 0 : i64, tpu.core_type = #tpu.core_type<tc>, window_params = [{transform_indices = @transform_0, window_bounds = array<i64: 2048, 16>}, {pipeline_mode = #tpu.pipeline_mode<synchronous>, transform_indices = @transform_1, window_bounds = array<i64: 16, 128>}, {pipeline_mode = #tpu.pipeline_mode<synchronous>, transform_indices = @transform_2, window_bounds = array<i64: 1, 128>}, {transform_indices = @transform_3, window_bounds = array<i64: 2048, 128>}]} {
    %get3A = arith.constant 0 : index
    %get3A_0 = arith.constant 0 : index
    %get3A_1 = vector.load %arg1[%get3A, %get3A_0] : memref<2048x16xf32, #tpu.memory_space<vmem>>, vector<2048x16xf32>
    %get3A_2 = arith.constant 0 : index
    %get3A_3 = arith.constant 0 : index
    %get3A_4 = vector.load %arg2[%get3A_2, %get3A_3] : memref<16x128xf32, #tpu.memory_space<vmem>>, vector<16x128xf32>
    %dot_general3A = arith.constant dense<0.000000e+00> : vector<2048x128xf32>
    %dot_general3A_5 = tpu.matmul %get3A_1, %get3A_4, %dot_general3A {dimension_numbers = #tpu.dot_dimension_numbers<[1], [0], [0], [1], [0, 0, 1, 1], [], []>, transpose_lhs_hint = false} : vector<2048x16xf32>, vector<16x128xf32>, vector<2048x128xf32> -> vector<2048x128xf32>
    %get3A_6 = arith.constant 0 : index
    %get3A_7 = arith.constant 0 : index
    %get3A_8 = vector.load %arg3[%get3A_6, %get3A_7] : memref<1x128xf32, #tpu.memory_space<vmem>>, vector<1x128xf32>
    %add3A = vector.broadcast %get3A_8 : vector<1x128xf32> to vector<2048x128xf32>
    %add3A_9 = arith.addf %dot_general3A_5, %add3A : vector<2048x128xf32>
    %swap3A = arith.constant 0 : index
    %swap3A_10 = arith.constant 0 : index
    %swap3A_11 = vector.load %arg4[%swap3A, %swap3A_10] : memref<2048x128xf32, #tpu.memory_space<vmem>>, vector<2048x128xf32>
    tpu.vector_store %arg4[%swap3A, %swap3A_10], %add3A_9 {strides = array<i32>} : memref<2048x128xf32, #tpu.memory_space<vmem>>, vector<2048x128xf32>,
    return
  }
  func.func @transform_0(%arg0: i32) -> (i32, i32) {
    %c0_i32 = arith.constant 0 : i32
    %c0_i32_0 = arith.constant 0 : i32
    return %arg0, %c0_i32 : i32, i32
  }
  func.func @transform_1(%arg0: i32) -> (i32, i32) {
    %c0_i32 = arith.constant 0 : i32
    %c0_i32_0 = arith.constant 0 : i32
    %c0_i32_1 = arith.constant 0 : i32
    return %c0_i32, %c0_i32_0 : i32, i32
  }
  func.func @transform_2(%arg0: i32) -> (i32, i32) {
    %c0_i32 = arith.constant 0 : i32
    %c0_i32_0 = arith.constant 0 : i32
    %c0_i32_1 = arith.constant 0 : i32
    return %c0_i32, %c0_i32_0 : i32, i32
  }
  func.func @transform_3(%arg0: i32) -> (i32, i32) {
    %c0_i32 = arith.constant 0 : i32
    %c0_i32_0 = arith.constant 0 : i32
    return %arg0, %c0_i32 : i32, i32
  }
}

module attributes {stable_mosaic.version = 14 : i64} {
  func.func @_node_mlp_body(%arg0: i32, %arg1: memref<1024x128xf32, #tpu.memory_space<vmem>>, %arg2: memref<2x1024x128xf32, #tpu.memory_space<vmem>>, %arg3: memref<128x128xf32, #tpu.memory_space<vmem>>, %arg4: memref<1x128xf32, #tpu.memory_space<vmem>>, %arg5: memref<128x128xf32, #tpu.memory_space<vmem>>, %arg6: memref<1x128xf32, #tpu.memory_space<vmem>>, %arg7: memref<1024x128xf32, #tpu.memory_space<vmem>>) attributes {dimension_semantics = [#tpu.dimension_semantics<arbitrary>], iteration_bounds = array<i64: 10>, scalar_prefetch = 0 : i64, scratch_operands = 0 : i64, tpu.core_type = #tpu.core_type<tc>, window_params = [{transform_indices = @transform_0, window_bounds = array<i64: 1024, 128>}, {transform_indices = @transform_1, window_bounds = array<i64: 2, 1024, 128>}, {pipeline_mode = #tpu.pipeline_mode<synchronous>, transform_indices = @transform_2, window_bounds = array<i64: 128, 128>}, {pipeline_mode = #tpu.pipeline_mode<synchronous>, transform_indices = @transform_3, window_bounds = array<i64: 1, 128>}, {pipeline_mode = #tpu.pipeline_mode<synchronous>, transform_indices = @transform_4, window_bounds = array<i64: 128, 128>}, {pipeline_mode = #tpu.pipeline_mode<synchronous>, transform_indices = @transform_5, window_bounds = array<i64: 1, 128>}, {transform_indices = @transform_6, window_bounds = array<i64: 1024, 128>}]} {
    %get3A = arith.constant 0 : index
    %get3A_0 = arith.constant 0 : index
    %get3A_1 = vector.load %arg1[%get3A, %get3A_0] : memref<1024x128xf32, #tpu.memory_space<vmem>>, vector<1024x128xf32>
    %get3A_2 = arith.constant 0 : index
    %get3A_3 = arith.constant 0 : index
    %get3A_4 = arith.constant 0 : index
    %get3A_5 = vector.load %arg2[%get3A_2, %get3A_3, %get3A_4] : memref<2x1024x128xf32, #tpu.memory_space<vmem>>, vector<1x1024x128xf32>
    %get3A_6 = vector.shape_cast %get3A_5 : vector<1x1024x128xf32> to vector<1024x128xf32>
    %add3A = arith.addf %get3A_1, %get3A_6 : vector<1024x128xf32>
    %get3A_7 = arith.constant 1 : index
    %get3A_8 = arith.constant 0 : index
    %get3A_9 = arith.constant 0 : index
    %get3A_10 = vector.load %arg2[%get3A_7, %get3A_8, %get3A_9] : memref<2x1024x128xf32, #tpu.memory_space<vmem>>, vector<1x1024x128xf32>
    %get3A_11 = vector.shape_cast %get3A_10 : vector<1x1024x128xf32> to vector<1024x128xf32>
    %add3A_12 = arith.addf %add3A, %get3A_11 : vector<1024x128xf32>
    %get3A_13 = arith.constant 0 : index
    %get3A_14 = arith.constant 0 : index
    %get3A_15 = vector.load %arg3[%get3A_13, %get3A_14] : memref<128x128xf32, #tpu.memory_space<vmem>>, vector<128x128xf32>
    %dot_general3A = arith.constant dense<0.000000e+00> : vector<1024x128xf32>
    %dot_general3A_16 = tpu.matmul %add3A_12, %get3A_15, %dot_general3A {dimension_numbers = #tpu.dot_dimension_numbers<[1], [0], [0], [1], [0, 0, 1, 1], [], []>, transpose_lhs_hint = false} : vector<1024x128xf32>, vector<128x128xf32>, vector<1024x128xf32> -> vector<1024x128xf32>
    %get3A_17 = arith.constant 0 : index
    %get3A_18 = arith.constant 0 : index
    %get3A_19 = vector.load %arg4[%get3A_17, %get3A_18] : memref<1x128xf32, #tpu.memory_space<vmem>>, vector<1x128xf32>
    %add3A_20 = vector.broadcast %get3A_19 : vector<1x128xf32> to vector<1024x128xf32>
    %add3A_21 = arith.addf %dot_general3A_16, %add3A_20 : vector<1024x128xf32>
    %max3A = arith.constant 0.000000e+00 : f32
    %max3A_22 = vector.broadcast %max3A : f32 to vector<1024x128xf32>
    %max3A_23 = arith.maximumf %add3A_21, %max3A_22 : vector<1024x128xf32>
    %get3A_24 = arith.constant 0 : index
    %get3A_25 = arith.constant 0 : index
    %get3A_26 = vector.load %arg5[%get3A_24, %get3A_25] : memref<128x128xf32, #tpu.memory_space<vmem>>, vector<128x128xf32>
    %dot_general3A_27 = arith.constant dense<0.000000e+00> : vector<1024x128xf32>
    %dot_general3A_28 = tpu.matmul %max3A_23, %get3A_26, %dot_general3A_27 {dimension_numbers = #tpu.dot_dimension_numbers<[1], [0], [0], [1], [0, 0, 1, 1], [], []>, transpose_lhs_hint = false} : vector<1024x128xf32>, vector<128x128xf32>, vector<1024x128xf32> -> vector<1024x128xf32>
    %get3A_29 = arith.constant 0 : index
    %get3A_30 = arith.constant 0 : index
    %get3A_31 = vector.load %arg6[%get3A_29, %get3A_30] : memref<1x128xf32, #tpu.memory_space<vmem>>, vector<1x128xf32>
    %add3A_32 = vector.broadcast %get3A_31 : vector<1x128xf32> to vector<1024x128xf32>
    %add3A_33 = arith.addf %dot_general3A_28, %add3A_32 : vector<1024x128xf32>
    %max3A_34 = arith.constant 0.000000e+00 : f32
    %max3A_35 = vector.broadcast %max3A_34 : f32 to vector<1024x128xf32>
    %max3A_36 = arith.maximumf %add3A_33, %max3A_35 : vector<1024x128xf32>
    %swap3A = arith.constant 0 : index
    %swap3A_37 = arith.constant 0 : index
    %swap3A_38 = vector.load %arg7[%swap3A, %swap3A_37] : memref<1024x128xf32, #tpu.memory_space<vmem>>, vector<1024x128xf32>
    tpu.vector_store %arg7[%swap3A, %swap3A_37], %max3A_36 {strides = array<i32>} : memref<1024x128xf32, #tpu.memory_space<vmem>>, vector<1024x128xf32>,
    return
  }
  func.func @transform_0(%arg0: i32) -> (i32, i32) {
    %c0_i32 = arith.constant 0 : i32
    %c0_i32_0 = arith.constant 0 : i32
    return %arg0, %c0_i32 : i32, i32
  }
  func.func @transform_1(%arg0: i32) -> (i32, i32, i32) {
    %c0_i32 = arith.constant 0 : i32
    %c0_i32_0 = arith.constant 0 : i32
    %c0_i32_1 = arith.constant 0 : i32
    return %c0_i32, %arg0, %c0_i32_0 : i32, i32, i32
  }
  func.func @transform_2(%arg0: i32) -> (i32, i32) {
    %c0_i32 = arith.constant 0 : i32
    %c0_i32_0 = arith.constant 0 : i32
    %c0_i32_1 = arith.constant 0 : i32
    return %c0_i32, %c0_i32_0 : i32, i32
  }
  func.func @transform_3(%arg0: i32) -> (i32, i32) {
    %c0_i32 = arith.constant 0 : i32
    %c0_i32_0 = arith.constant 0 : i32
    %c0_i32_1 = arith.constant 0 : i32
    return %c0_i32, %c0_i32_0 : i32, i32
  }
  func.func @transform_4(%arg0: i32) -> (i32, i32) {
    %c0_i32 = arith.constant 0 : i32
    %c0_i32_0 = arith.constant 0 : i32
    %c0_i32_1 = arith.constant 0 : i32
    return %c0_i32, %c0_i32_0 : i32, i32
  }
  func.func @transform_5(%arg0: i32) -> (i32, i32) {
    %c0_i32 = arith.constant 0 : i32
    %c0_i32_0 = arith.constant 0 : i32
    %c0_i32_1 = arith.constant 0 : i32
    return %c0_i32, %c0_i32_0 : i32, i32
  }
  func.func @transform_6(%arg0: i32) -> (i32, i32) {
    %c0_i32 = arith.constant 0 : i32
    %c0_i32_0 = arith.constant 0 : i32
    return %arg0, %c0_i32 : i32, i32
  }
}

module attributes {stable_mosaic.version = 14 : i64} {
  func.func @_final_body(%arg0: i32, %arg1: memref<1024x128xf32, #tpu.memory_space<vmem>>, %arg2: memref<1x128xf32, #tpu.memory_space<vmem>>, %arg3: memref<1x1xf32, #tpu.memory_space<vmem>>, %arg4: memref<1024x1xf32, #tpu.memory_space<vmem>>) attributes {dimension_semantics = [#tpu.dimension_semantics<arbitrary>], iteration_bounds = array<i64: 10>, scalar_prefetch = 0 : i64, scratch_operands = 0 : i64, tpu.core_type = #tpu.core_type<tc>, window_params = [{transform_indices = @transform_0, window_bounds = array<i64: 1024, 128>}, {pipeline_mode = #tpu.pipeline_mode<synchronous>, transform_indices = @transform_1, window_bounds = array<i64: 1, 128>}, {pipeline_mode = #tpu.pipeline_mode<synchronous>, transform_indices = @transform_2, window_bounds = array<i64: 1, 1>}, {transform_indices = @transform_3, window_bounds = array<i64: 1024, 1>}]} {
    %get3A = arith.constant 0 : index
    %get3A_0 = arith.constant 0 : index
    %get3A_1 = vector.load %arg1[%get3A, %get3A_0] : memref<1024x128xf32, #tpu.memory_space<vmem>>, vector<1024x128xf32>
    %get3A_2 = arith.constant 0 : index
    %get3A_3 = arith.constant 0 : index
    %get3A_4 = vector.load %arg2[%get3A_2, %get3A_3] : memref<1x128xf32, #tpu.memory_space<vmem>>, vector<1x128xf32>
    %mul3A = vector.broadcast %get3A_4 : vector<1x128xf32> to vector<1024x128xf32>
    %mul3A_5 = arith.mulf %get3A_1, %mul3A : vector<1024x128xf32>
    %reduce_sum3A = arith.constant dense<0.000000e+00> : vector<1024xf32>
    %reduce_sum3A_6 = vector.multi_reduction <add>, %mul3A_5, %reduce_sum3A [1] : vector<1024x128xf32> to vector<1024xf32>
    %broadcast_in_dim3A = vector.shape_cast %reduce_sum3A_6 : vector<1024xf32> to vector<1024x1xf32>
    %get3A_7 = arith.constant 0 : index
    %get3A_8 = arith.constant 0 : index
    %get3A_9 = vector.load %arg3[%get3A_7, %get3A_8] : memref<1x1xf32, #tpu.memory_space<vmem>>, vector<1x1xf32>
    %add3A = vector.broadcast %get3A_9 : vector<1x1xf32> to vector<1024x1xf32>
    %add3A_10 = arith.addf %broadcast_in_dim3A, %add3A : vector<1024x1xf32>
    %neg3A = arith.constant 0.000000e+00 : f32
    %neg3A_11 = vector.broadcast %neg3A : f32 to vector<1024x1xf32>
    %neg3A_12 = arith.subf %neg3A_11, %add3A_10 : vector<1024x1xf32>
    %exp3A = math.exp %neg3A_12 : vector<1024x1xf32>
    %add3A_13 = arith.constant 1.000000e+00 : f32
    %add3A_14 = vector.broadcast %add3A_13 : f32 to vector<1024x1xf32>
    %add3A_15 = arith.addf %add3A_14, %exp3A : vector<1024x1xf32>
    %div3A = arith.constant 1.000000e+00 : f32
    %div3A_16 = vector.broadcast %div3A : f32 to vector<1024x1xf32>
    %div3A_17 = arith.divf %div3A_16, %add3A_15 : vector<1024x1xf32>
    %swap3A = arith.constant 0 : index
    %swap3A_18 = arith.constant 0 : index
    %swap3A_19 = vector.load %arg4[%swap3A, %swap3A_18] : memref<1024x1xf32, #tpu.memory_space<vmem>>, vector<1024x1xf32>
    tpu.vector_store %arg4[%swap3A, %swap3A_18], %div3A_17 {strides = array<i32>} : memref<1024x1xf32, #tpu.memory_space<vmem>>, vector<1024x1xf32>,
    return
  }
  func.func @transform_0(%arg0: i32) -> (i32, i32) {
    %c0_i32 = arith.constant 0 : i32
    %c0_i32_0 = arith.constant 0 : i32
    return %arg0, %c0_i32 : i32, i32
  }
  func.func @transform_1(%arg0: i32) -> (i32, i32) {
    %c0_i32 = arith.constant 0 : i32
    %c0_i32_0 = arith.constant 0 : i32
    %c0_i32_1 = arith.constant 0 : i32
    return %c0_i32, %c0_i32_0 : i32, i32
  }
  func.func @transform_2(%arg0: i32) -> (i32, i32) {
    %c0_i32 = arith.constant 0 : i32
    %c0_i32_0 = arith.constant 0 : i32
    %c0_i32_1 = arith.constant 0 : i32
    return %c0_i32, %c0_i32_0 : i32, i32
  }
  func.func @transform_3(%arg0: i32) -> (i32, i32) {
    %c0_i32 = arith.constant 0 : i32
    %c0_i32_0 = arith.constant 0 : i32
    return %arg0, %c0_i32 : i32, i32
  }
}

</mosaic_0001>

<sc_bundles>
// kernel: kernel.12.cloned.1.call-start
scs
__scs_entry_jumppad:
0x0: {  	(pc) =	sbr.rel $0x88, $3  }
0x1: {  	(tag) =	ssettag $0x0;
	lr =	simm.s32 $0x1  }
0x2: {  	[smem:$0x3F8A] =	sst lr;
	_ =	strace $0xD0000000  }
0x3: {  	_ = 	snop  }
0x4: {  	_ = 	snop  }
0x5: {  	_ = 	snop  }
0x6: {  	_ = 	snop  }
0x7: {  	_ = 	snop  }
__scs_overlays_trampoline_lowered:
0x8: {  	[smem:$0x3F99] =	sst s0  }
0x9: {  	[smem:$0x3F9A] =	sst s1  }
0xa: {  	[smem:$0x3F9B] =	sst s2  }
0xb: {  	[smem:$0x3F9C] =	sst s3  }
0xc: {  	[smem:$0x3F9D] =	sst s4  }
0xd: {  	[smem:$0x3F9E] =	sst s5  }
0xe: {  	[smem:$0x3F9F] =	sst s6  }
0xf: {  	[smem:$0x3FA0] =	sst s7  }
0x10: {  	[smem:$0x3FA1] =	sst s8  }
0x11: {  	[smem:$0x3FA2] =	sst s9;
	s0 =	simm.s32 @!p0 $0x0  }
0x12: {  	s1 =	sld [smem:$0x3F88];
	s0 =	simm.s32 @p0 $0x1  }
0x13: {  	[smem:$0x3FA3] =	sst s0;
	s0 =	simm.s32 @!p1 $0x0  }
0x14: {  	s2 =	sld [smem:$0x3F87];
	s0 =	simm.s32 @p1 $0x1  }
0x15: {  	[smem:$0x3FA4] =	sst s0;
	s0 =	simm.s32 @!p2 $0x0  }
0x16: {  	s3 =	sld [smem:$0x3FDB];
	s0 =	simm.s32 @p2 $0x1  }
0x17: {  	s4 =	simm.s32 $0x1BF5;
	[smem:$0x3FA6] =	sst s0  }
0x18: {  	s0 =	sld [smem:$0x3F89];
	_ =	swait.ge [sflag:s4], $0x0  }
0x19: {  	s7 =	sld [smem:$0x3F8A]  }
0x1a: {  	s8 =	sadd.s32 $0xFFFFE003, lr  }
0x1b: {  	s9 =	sadd.s32 $0xFFFFFEF7, lr;
	s5 =	simm.s32 $0xFFFFFFFF;
	p2 =	slt.u32 s8, $0xFFFFF086  }
0x1c: {  	p1 =	slt.u32 s9, $0xF7A;
	s5 =	simm.s32 @!p2 $0x0  }
0x1d: {  	s5 =	simm.s32 @p1 $0x1;
	p0 =	seq.s32 s7, s2  }
0x1e: {  	s7 =	smul.u32 @!p0 $0xF7A, s2;
	p2 =	seq.s32 @!p0 s5, $0x0  }
0x1f: {  	s9 =	smul.u32 $0xF7A, s1;
	s8 =	simm.s32 @!p0 $0x1BF5;
	p2 =	por !p2, p0  }
0x20: {  	[sflag:s8] =	ssyncset.s32 @!p0 $0xFFFFF086;
	s6 =	sadd.s32 @!p0 s3, s7;
	s7 =	simm.s32 @!p0 $0x108  }
0x21: {  	s3 =	sadd.s32 s3, s9;
	s6 =	sadd.s32 @!p0 $0x88, s6;
	s7 =	simm.s32 @p2 $0x1082  }
0x22: {  	[simem:s7], [sflag:s8] =	dma.local @!p0 [hbm:s6], $0xF7A  }
0x23: {  	s9 =	sor.u32 $0xD0000000, s2;
	s6 =	simm.s32 $0x108;
	_ =	swait.ge @!p0 [sflag:s8], $0x0  }
0x24: {  	s3 =	sadd.s32 $0x88, s3;
	s6 =	simm.s32 @!p1 $0x1082;
	[sflag:s4] =	ssyncset.s32 $0xFFFFF086  }
0x25: {  	[simem:s6], [sflag:s4] =	dma.local [hbm:s3], $0xF7A  }
0x26: {  	[smem:$0x3F8A] =	sst s1;
	(tag) =	ssettag s2;
	_ =	strace s9  }
0x27: {  	s1 =	sld [smem:$0x3F9A]  }
0x28: {  	s2 =	sld [smem:$0x3F9B]  }
0x29: {  	s4 =	sld [smem:$0x3F9D]  }
0x2a: {  	p0 =	seq.s32 s5, $0x0;
	s5 =	sld [smem:$0x3F9E]  }
0x2b: {  	s6 =	sld [smem:$0x3F9F]  }
0x2c: {  	s7 =	sld [smem:$0x3FA0]  }
0x2d: {  	s3 =	simm.s32 $0x108;
	s8 =	sld [smem:$0x3FA1]  }
0x2e: {  	s3 =	simm.s32 @!p0 $0x1082;
	s9 =	sld [smem:$0x3FA2]  }
0x2f: {  	lr =	sadd.s32 s0, s3;
	s0 =	sld [smem:$0x3F99]  }
0x30: {  	s3 =	sld [smem:$0x3F9C]  }
0x31: {  	[smem:$0x3FA5] =	sst s10  }
0x32: {  	s10 =	sld [smem:$0x3FA3];
	_ =	sdelay $0x3  }
0x33: {  	p0 =	seq.s32 s10, $0x1;
	s10 =	sld [smem:$0x3FA5];
	_ =	sdelay $0x3  }
0x34: {  	[smem:$0x3FA5] =	sst s10  }
0x35: {  	s10 =	sld [smem:$0x3FA4];
	_ =	sdelay $0x3  }
0x36: {  	p1 =	seq.s32 s10, $0x1;
	s10 =	sld [smem:$0x3FA5];
	_ =	sdelay $0x3  }
0x37: {  	[smem:$0x3FA5] =	sst s10  }
0x38: {  	s10 =	sld [smem:$0x3FA6]  }
0x39: {  	_ = 	snop;
	(pc) =	sbr.ind lr, $3  }
0x3a: {  	_ = 	snop  }
0x3b: {  	_ = 	snop  }
0x3c: {  	p2 =	seq.s32 s10, $0x1;
	s10 =	sld [smem:$0x3FA5]  }
0x3d: {  	_ =	shalt  }
0x3e: {  	_ =	shalt  }
0x3f: {  	_ =	shalt  }
0x40: {  	_ =	shalt  }
0x41: {  	_ =	shalt  }
0x42: {  	_ =	shalt  }
0x43: {  	_ =	shalt  }
0x44: {  	_ =	shalt  }
0x45: {  	_ =	shalt  }
0x46: {  	_ =	shalt  }
0x47: {  	_ =	shalt  }
0x48: {  	_ =	shalt  }
0x49: {  	_ =	shalt  }
0x4a: {  	_ =	shalt  }
0x4b: {  	_ =	shalt  }
0x4c: {  	_ =	shalt  }
0x4d: {  	_ =	shalt  }
0x4e: {  	_ =	shalt  }
0x4f: {  	_ =	shalt  }
0x50: {  	_ =	shalt  }
0x51: {  	_ =	shalt  }
0x52: {  	_ =	shalt  }
0x53: {  	_ =	shalt  }
0x54: {  	_ =	shalt  }
0x55: {  	_ =	shalt  }
0x56: {  	_ =	shalt  }
0x57: {  	_ =	shalt  }
0x58: {  	_ =	shalt  }
0x59: {  	_ =	shalt  }
0x5a: {  	_ =	shalt  }
0x5b: {  	_ =	shalt  }
0x5c: {  	_ =	shalt  }
0x5d: {  	_ =	shalt  }
0x5e: {  	_ =	shalt  }
0x5f: {  	_ =	shalt  }
0x60: {  	_ =	shalt  }
0x61: {  	_ =	shalt  }
0x62: {  	_ =	shalt  }
0x63: {  	_ =	shalt  }
0x64: {  	_ =	shalt  }
0x65: {  	_ =	shalt  }
0x66: {  	_ =	shalt  }
0x67: {  	_ =	shalt  }
0x68: {  	_ =	shalt  }
0x69: {  	_ =	shalt  }
0x6a: {  	_ =	shalt  }
0x6b: {  	_ =	shalt  }
0x6c: {  	_ =	shalt  }
0x6d: {  	_ =	shalt  }
0x6e: {  	_ =	shalt  }
0x6f: {  	_ =	shalt  }
0x70: {  	_ =	shalt  }
0x71: {  	_ =	shalt  }
0x72: {  	_ =	shalt  }
0x73: {  	_ =	shalt  }
0x74: {  	_ =	shalt  }
0x75: {  	_ =	shalt  }
0x76: {  	_ =	shalt  }
0x77: {  	_ =	shalt  }
0x78: {  	_ =	shalt  }
0x79: {  	_ =	shalt  }
0x7a: {  	_ =	shalt  }
0x7b: {  	_ =	shalt  }
0x7c: {  	_ =	shalt  }
0x7d: {  	_ =	shalt  }
0x7e: {  	_ =	shalt  }
0x7f: {  	_ =	shalt  }
0x80: {  	_ =	shalt  }
0x81: {  	_ =	shalt  }
0x82: {  	_ =	shalt  }
0x83: {  	_ =	shalt  }
0x84: {  	_ =	shalt  }
0x85: {  	_ =	shalt  }
0x86: {  	_ =	shalt  }
0x87: {  	_ =	shalt  }
.Lfunc_end0:
.L_simem_size_0:
called_computation_lowered:
.L_overlay_start_0:
0x88: {  	s2 =	sld [smem:$0x3FD9]  }
0x89: {  	s3 =	sld [smem:$0x3FFE];
	_ =	sdelay $0x1  }
0x8a: {  	s1 =	srdreg.scid  }
0x8b: {  	s0 =	sand.u32 $0x1, s1  }
0x8c: {  	s17 =	sshll.u32 s0, $0xA;
	s2 =	sadd.s32 s3, s2  }
0x8d: {  	s2 =	sadd.s32 s2, s17  }
0x8e: {  	[smem:$0x3FB1] =	sst s2  }
0x8f: {  	_ = 	snop  }
0x90: {  	s2 =	sld [smem:$0x3FC9];
	(tm) =	ssettm $0x1  }
0x91: {  	s18 =	sld [smem:$0x3FFB];
	_ =	sdelay $0x3  }
0x92: {  	_ =	strace s18  }
0x93: {  	s3 =	sld [smem:$0x3FFC];
	_ =	sdelay $0x3  }
0x94: {  	_ =	strace s3  }
0x95: {  	s3 =	sld [smem:$0x3FFD];
	_ =	sdelay $0x3  }
0x96: {  	_ =	strace s3  }
0x97: {  	_ =	strace $0x8FFFFFFF  }
0x98: {  	s19 =	sld [smem:$0x3FDB];
	_ =	sdelay $0x1  }
0x99: {  	s4 =	simm.s32 $_scs_section_size  }
0x9a: {  	s5 =	simm.s32 $_size__tile_overlayer_lowered;
	s6 =	simm.s32 $_tile_overlayer_lowered  }
0x9b: {  	s22 =	simm.s32 $0x1BFF;
	s21 =	sshll.u32 s6, $0x1;
	s3 =	sadd.s32 s4, s19  }
0x9c: {  	s7 =	simm.s32 $0x0;
	s20 =	sshll.u32 s5, $0x1;
	s5 =	sadd.s32 s21, s3  }
0x9d: {  	[timem:s7], [sflag:s22] =	dma.local [hbm:s5], s20  }
0x9e: {  	_ =	swait.ge [sflag:s22], s20  }
0x9f: {  	s4 =	ssub.s32 $0x0, s20;
	[sflag:s22] =	ssyncset.done $0x0  }
0xa0: {  	[sflag:s22] =	ssyncadd.s32 s4;
	_ =	sdelay $0x1  }
0xa1: {  	s23 =	simm.s32 $0x1B8B  }
0xa2: {  	_ =	swait.ge [sflag:s23], $0x1  }
0xa3: {  	[sflag:s23] =	ssyncset.done $0x0  }
0xa4: {  	s25 =	simm.s32 $0x1B8E;
	s24 =	sld [smem:$0x3FFE];
	[sflag:s23] =	ssyncadd.s32 $0xFFFFFFFF  }
0xa5: {  	s26 =	simm.s32 $execute0_lowered;
	[smem:$0x3FD2] =	sst s25  }
0xa6: {  	s5 =	sshll.u32 s26, $0x1;
	_ =	strace $0x80000046;
	[dreg:$0x1] =	wrdreg $0xFFFFFFFF  }
0xa7: {  	s28 =	simm.s32 $_size_execute0_lowered;
	s3 =	sadd.s32 s3, s5;
	[dreg:$0x0] =	wrdreg $0x0  }
0xa8: {  	s5 =	sshll.u32 s28, $0x1;
	[dreg:$0x2] =	wrdreg s3  }
0xa9: {  	[dreg:$0x3] =	wrdreg s5  }
0xaa: {  	[dreg:$0x4] =	wrdreg $0xC0  }
0xab: {  	_ =	task [dreg:s7], $0x5FFFF  }
0xac: {  	[dreg:$0x1] =	wrdreg $0xFFFFFFFF  }
0xad: {  	[dreg:$0x0] =	wrdreg $0x60  }
0xae: {  	[dreg:$0x2] =	wrdreg s2  }
0xaf: {  	[dreg:$0x3] =	wrdreg s24  }
0xb0: {  	[dreg:$0x4] =	wrdreg $0x81000  }
0xb1: {  	[dreg:$0x5] =	wrdreg $0x9  }
0xb2: {  	_ =	task.clear_ibuf [dreg:s7], $0x6FFFF;
	_ =	strace $0x90000046  }
0xb3: {  	s29 =	simm.s32 $0x9;
	_ =	strace $0x80000048  }
0xb4: {  	_ =	swait.ge [sflag:s29], $0x1  }
0xb5: {  	[sflag:s29] =	ssyncadd.s32 $0xFFFFFFFF  }
0xb6: {  	_ =	strace $0x90000048  }
0xb7: {  	_ =	sfence  }
0xb8: {  	s30 =	sld [smem:$0x0];
	_ =	sdelay $0x2  }
0xb9: {  	s31 =	sshll.u32 s1, $0xD;
	s1 =	sshrl.u32 s1, $0x2  }
0xba: {  	s3 =	sand.u32 $0x4000, s31;
	s1 =	sadd.s32 s1, s30  }
0xbb: {  	s0 =	sor.u32 s3, s0;
	s1 =	sshll.u32 s1, $0x11  }
0xbc: {  	s0 =	sor.u32 s1, s0  }
0xbd: {  	s0 =	sadd.s32 $0x8F2B, s0  }
0xbe: {  	[sflag:s0] =	ssyncadd.remote.s32 $0x1  }
0xbf: {  	_ =	sfence.sel $0xFFFF  }
0xc0: {  	[dreg:$0x0] =	wrdreg $0xFFFFFFFF;
	(pc) =	sbr.abs _section_cstart, $3  }
0xc1: {  	[dreg:$0x1] =	wrdreg $0xFFFFFFFF  }
0xc2: {  	_ =	task.clear_ibuf [dreg:s7], $0x2FFFF;
	_ =	strace $0x9FFFFFFF  }
0xc3: {  	(tm) =	ssettm $0x7FFFFFFF  }
tec
execute0_lowered:
.L_overlay_start_1:
0x0: {  	(tag) =	ssettag $0x1  }
0x1: {  	s1 =	rddreg [dreg:$0x0]  }
0x2: {  	s0 =	rddreg [dreg:$0x1]  }
0x3: {  	s2 =	rddreg [dreg:$0x2];
	s3 =	simm.s32 $0x0  }
0x4: {  	s4 =	srdreg.scid;
	s10 =	stileid.u32;
	s20 =	simm.s32 $0x4100  }
0x5: {  	s21 =	simm.s32 $0x3;
	s22 =	simm.s32 $0x80;
	s23 =	simm.s32 $0x100  }
0x6: {  	s24 =	simm.s32 $0x1;
	s25 =	simm.s32 $0x2;
	s26 =	simm.s32 $0x0  }
0x7: {  	[smem:$0x7FF] =	sst s3;
	s5 =	sadd.s32 $0x9E9C00, s0;
	s4 =	sand.u32 $0x1, s4  }
0x8: {  	s6 =	sadd.s32 $0x4E6000, s0;
	s8 =	smul.u32 $0x50000, s10;
	s0 =	sadd.s32 $0x4000, s0  }
0x9: {  	s12 =	smul.u32 $0x14000, s10;
	_ =	strace $0x80000047;
	s7 =	ssub.s32 $0x2, s4  }
0xa: {  	s29 =	sshll.u32 s4, $0x4;
	s4 =	smul.u32 $0x140000, s4;
	s9 =	sshrl.u32 s7, $0x1  }
0xb: {  	s8 =	sshrl.u32 s8, $0x2;
	s13 =	sor.u32 s10, s29;
	s15 =	sadd.s32 $0x4000, s12  }
0xc: {  	s16 =	sadd.s32 $0x8000, s12;
	s17 =	sadd.s32 $0xC000, s12;
	s18 =	sadd.s32 $0x10000, s12  }
0xd: {  	s14 =	ssub.s32 s7, s9;
	s7 =	sadd.s32 s8, s2;
	s8 =	sadd.s32 s15, s2  }
0xe: {  	s9 =	sadd.s32 s16, s2;
	s10 =	sadd.s32 s17, s2;
	s11 =	sadd.s32 s18, s2  }
0xf: {  	s19 =	sadd.s32 s12, s4;
	s12 =	smul.u32 $0x4F00, s13;
	s15 =	sadd.s32 s4, s15  }
0x10: {  	s13 =	smul.u32 $0x13C000, s13;
	s30 =	sadd.s32 s4, s16;
	s31 =	sadd.s32 s4, s17  }
0x11: {  	s4 =	sadd.s32 s4, s18;
	s19 =	sshrl.u32 s19, $0x3;
	s15 =	sshrl.u32 s15, $0x3  }
0x12: {  	s16 =	sshrl.u32 s31, $0x3;
	s4 =	sshrl.u32 s4, $0x3;
	s15 =	sadd.s32 s0, s15  }
0x13: {  	s19 =	sadd.s32 s0, s19;
	[dreg:$0x5] =	wrdreg s15;
	s15 =	sshrl.u32 s30, $0x3  }
0x14: {  	s17 =	sadd.s32 s0, s16;
	[dreg:$0x4] =	wrdreg s19;
	s15 =	sadd.s32 s0, s15  }
0x15: {  	v0 =	vimm.f32 $0.0e+00;
	s18 =	sadd.s32 s0, s4;
	s19 =	smax.u32 s14, $0x1;
	[dreg:$0x6] =	wrdreg s15  }
.LBB2_1:
0x16: {  	s0 =	simm.s32 $0x0;
	s4 =	simm.s32 $0x200  }
.LBB2_2:
0x17: {  	p0 =	sne.s32 s4, $0xFE00;
	[tilespmem:s0+$0x4170] =	vst v0  }
0x18: {  	[tilespmem:s0+$0x4100] =	vst v0  }
0x19: {  	[tilespmem:s0+$0x4110] =	vst v0  }
.Ltmp0:
0x1a: {  	[tilespmem:s0+$0x4120] =	vst v0;
	(pc) =	sbr.rel @p0 .LBB2_2-.Ltmp0, $4  }
0x1b: {  	[tilespmem:s0+$0x4130] =	vst v0  }
0x1c: {  	[tilespmem:s0+$0x4140] =	vst v0  }
0x1d: {  	[tilespmem:s0+$0x4150] =	vst v0  }
0x1e: {  	[tilespmem:s0+$0x4160] =	vst v0;
	s0 =	sshra.s32 s4, $0x2;
	s4 =	sadd.s32 $0x200, s4  }
0x1f: {  	[tilespmem:s0+$0x4170] =	vst v0  }
0x20: {  	[tilespmem:s0+$0x4100] =	vst v0  }
0x21: {  	[tilespmem:s0+$0x4110] =	vst v0  }
0x22: {  	[tilespmem:s0+$0x4120] =	vst v0  }
0x23: {  	[tilespmem:s0+$0x4130] =	vst v0  }
0x24: {  	[tilespmem:s0+$0x4140] =	vst v0  }
0x25: {  	[tilespmem:s0+$0x4150] =	vst v0  }
0x26: {  	[tilespmem:s0+$0x4160] =	vst v0  }
0x27: {  	[spmem:s7] =	stream.linear.scatter [tilespmem:s20], [sflag:$0x3], $0x4000, $0x38;
	[tilespmem:$0x1C100] =	vst v63  }
0x28: {  	_ =	swait.ge [sflag:s21], $0x4000  }
0x29: {  	[sflag:s21] =	ssyncset.done $0x0  }
0x2a: {  	[sflag:s21] =	ssyncadd.s32 $0xFFFFC000  }
0x2b: {  	[spmem:s8] =	stream.linear.scatter [tilespmem:s20], [sflag:$0x3], $0x4000, $0x38;
	[tilespmem:$0x1C100] =	vst v63  }
0x2c: {  	_ =	swait.ge [sflag:s21], $0x4000  }
0x2d: {  	[sflag:s21] =	ssyncset.done $0x0  }
0x2e: {  	[sflag:s21] =	ssyncadd.s32 $0xFFFFC000  }
0x2f: {  	[spmem:s9] =	stream.linear.scatter [tilespmem:s20], [sflag:$0x3], $0x4000, $0x38;
	[tilespmem:$0x1C100] =	vst v63  }
0x30: {  	_ =	swait.ge [sflag:s21], $0x4000  }
0x31: {  	[sflag:s21] =	ssyncset.done $0x0  }
0x32: {  	[sflag:s21] =	ssyncadd.s32 $0xFFFFC000  }
0x33: {  	[spmem:s10] =	stream.linear.scatter [tilespmem:s20], [sflag:$0x3], $0x4000, $0x38;
	[tilespmem:$0x1C100] =	vst v63  }
0x34: {  	_ =	swait.ge [sflag:s21], $0x4000  }
0x35: {  	[sflag:s21] =	ssyncset.done $0x0  }
0x36: {  	[sflag:s21] =	ssyncadd.s32 $0xFFFFC000  }
0x37: {  	[spmem:s11] =	stream.linear.scatter [tilespmem:s20], [sflag:$0x3], $0x4000, $0x38;
	[tilespmem:$0x1C100] =	vst v63  }
0x38: {  	_ =	swait.ge [sflag:s21], $0x4000  }
0x39: {  	[sflag:s21] =	ssyncset.done $0x0  }
0x3a: {  	[sflag:s21] =	ssyncadd.s32 $0xFFFFC000  }
0x3b: {  	s28 =	simm.s32 $0x0;
	[bflag:$0x0] =	sbarrier.arrive $0xFFFF  }
.LBB2_4:
0x3c: {  	s0 =	sshll.u32 s28, $0x8  }
0x3d: {  	s0 =	sadd.s32 s12, s0  }
0x3e: {  	s0 =	sshrl.u32 s0, $0x3  }
0x3f: {  	s0 =	sadd.s32 s6, s0  }
0x40: {  	[tilespmem:s3], [sflag:$0x3] =	stream.linear.gather [hbm4b:s0+s3], $0x100, $0x38;
	[tilespmem:$0x1C100] =	vst v63  }
0x41: {  	s16 =	sshll.u32 s28, $0xE;
	_ =	swait.ge [sflag:s21], $0x100  }
0x42: {  	s0 =	sadd.s32 s13, s16;
	[sflag:s21] =	ssyncset.done $0x0  }
0x43: {  	s0 =	sshrl.u32 s0, $0x3;
	[sflag:s21] =	ssyncadd.s32 $0xFFFFFF00  }
0x44: {  	[tilespmem:s20], [sflag:$0x1] =	stream.indirect.gather [hbm4b:s1+s22], $0x80, s3, s22, $0xb8;
	[tilespmem:$0x1C100] =	vst v63  }
0x45: {  	s0 =	sadd.s32 s5, s0  }
0x46: {  	[tilespmem:s23], [sflag:$0x2] =	stream.linear.gather [hbm4b:s0+s3], $0x4000, $0x38;
	[tilespmem:$0x1C100] =	vst v63  }
0x47: {  	_ =	swait.ge [sflag:s24], $0x4000  }
0x48: {  	[sflag:s24] =	ssyncset.done $0x0  }
0x49: {  	[sflag:s24] =	ssyncadd.s32 $0xFFFFC000  }
0x4a: {  	_ =	swait.ge [sflag:s25], $0x4000  }
0x4b: {  	[sflag:s25] =	ssyncset.done $0x0  }
0x4c: {  	s14 =	simm.s32 $0x4180;
	[sflag:s25] =	ssyncadd.s32 $0xFFFFC000  }
0x4d: {  	s29 =	simm.s32 $0x180;
	v1 =	vld [tilespmem:s14+$0x0]  }
0x4e: {  	v2 =	vld [tilespmem:s29+$0x0];
	_ =	sdelay $0x4  }
0x4f: {  	v1 =	vadd.f32 v2, v1;
	_ =	sdelay $0x1  }
0x50: {  	v1 =	vmax.f32 v1, $0.0e+00  }
0x51: {  	[tilespmem:s29+$0x0] =	vst v1;
	v1 =	vld [tilespmem:s29+$0x10]  }
0x52: {  	v2 =	vld [tilespmem:s14+$0x10];
	_ =	sdelay $0x3  }
0x53: {  	v3 =	vld [tilespmem:s14+$0xFFFFFF80]  }
0x54: {  	v1 =	vadd.f32 v1, v2;
	v2 =	vld [tilespmem:s29+$0xFFFFFF80];
	_ =	sdelay $0x1  }
0x55: {  	v1 =	vmax.f32 v1, $0.0e+00  }
0x56: {  	[tilespmem:s29+$0x10] =	vst v1;
	v1 =	vld [tilespmem:s29+$0x20]  }
0x57: {  	v4 =	vld [tilespmem:s14+$0x20]  }
0x58: {  	s31 =	simm.s32 $0x4280;
	v5 =	vld [tilespmem:s29+$0xFFFFFFA0];
	v2 =	vadd.f32 v2, v3  }
0x59: {  	v7 =	vld [tilespmem:s31+$0x0]  }
0x5a: {  	v8 =	vld [tilespmem:s29+$0xFFFFFFC0];
	v2 =	vmax.f32 v2, $0.0e+00  }
0x5b: {  	v3 =	vld [tilespmem:s29+$0xFFFFFF90];
	[tilespmem:s29+$0xFFFFFF80] =	vst v2  }
0x5c: {  	v1 =	vadd.f32 v1, v4;
	v2 =	vld [tilespmem:s14+$0xFFFFFF90]  }
0x5d: {  	v9 =	vld [tilespmem:s29+$0xFFFFFFD0]  }
0x5e: {  	v10 =	vld [tilespmem:s29+$0x40];
	v1 =	vmax.f32 v1, $0.0e+00  }
0x5f: {  	[tilespmem:s29+$0x20] =	vst v1;
	v1 =	vld [tilespmem:s29+$0x30]  }
0x60: {  	s30 =	simm.s32 $0x280;
	v6 =	vld [tilespmem:s14+$0x30]  }
0x61: {  	v11 =	vld [tilespmem:s30+$0x10];
	v2 =	vadd.f32 v3, v2  }
0x62: {  	v3 =	vld [tilespmem:s30+$0x0]  }
0x63: {  	s4 =	simm.s32 $0x380;
	v13 =	vld [tilespmem:s29+$0xFFFFFFE0];
	v2 =	vmax.f32 v2, $0.0e+00  }
0x64: {  	v17 =	vld [tilespmem:s4+$0xFFFFFF80];
	[tilespmem:s29+$0xFFFFFF90] =	vst v2  }
0x65: {  	v1 =	vadd.f32 v1, v6;
	v2 =	vld [tilespmem:s14+$0xFFFFFFA0]  }
0x66: {  	v6 =	vld [tilespmem:s30+$0xFFFFFF80]  }
0x67: {  	s0 =	simm.s32 $0x4380;
	v3 =	vadd.f32 v3, v7;
	v7 =	vld [tilespmem:s31+$0xFFFFFF80];
	v1 =	vmax.f32 v1, $0.0e+00  }
0x68: {  	v18 =	vld [tilespmem:s0+$0xFFFFFF80];
	[tilespmem:s29+$0x30] =	vst v1  }
0x69: {  	v1 =	vmax.f32 v3, $0.0e+00;
	v3 =	vld [tilespmem:s14+$0x40]  }
0x6a: {  	v19 =	vld [tilespmem:s4+$0xFFFFFF90];
	[tilespmem:s30+$0x0] =	vst v1  }
0x6b: {  	v12 =	vld [tilespmem:s31+$0x10];
	v2 =	vadd.f32 v5, v2  }
0x6c: {  	v63 =	vld [tilespmem:s30+$0x60];
	v5 =	vadd.f32 v6, v7  }
0x6d: {  	v4 =	vld [tilespmem:s29+$0xFFFFFFB0];
	v2 =	vmax.f32 v2, $0.0e+00  }
0x6e: {  	v6 =	vld [tilespmem:s30+$0xFFFFFF90];
	[tilespmem:s29+$0xFFFFFFA0] =	vst v2;
	v2 =	vmax.f32 v5, $0.0e+00;
	v3 =	vadd.f32 v10, v3  }
0x6f: {  	v5 =	vld [tilespmem:s14+$0xFFFFFFB0];
	[tilespmem:s30+$0xFFFFFF80] =	vst v2  }
0x70: {  	v10 =	vld [tilespmem:s31+$0xFFFFFF90];
	v2 =	vmax.f32 v3, $0.0e+00;
	v3 =	vadd.f32 v11, v12  }
0x71: {  	v12 =	vld [tilespmem:s30+$0x20]  }
0x72: {  	[tilespmem:s29+$0x40] =	vst v2;
	v2 =	vld [tilespmem:s29+$0x50];
	v3 =	vmax.f32 v3, $0.0e+00  }
0x73: {  	v11 =	vld [tilespmem:s14+$0x50];
	[tilespmem:s30+$0x10] =	vst v3  }
0x74: {  	v3 =	vadd.f32 v4, v5;
	v14 =	vld [tilespmem:s31+$0x20]  }
0x75: {  	v1 =	vld [tilespmem:s29+$0xFFFFFFF0]  }
0x76: {  	v7 =	vld [tilespmem:s30+$0xFFFFFFA0];
	v4 =	vadd.f32 v6, v10;
	v10 =	vmax.f32 v3, $0.0e+00  }
0x77: {  	v5 =	vld [tilespmem:s30+$0xFFFFFFB0];
	[tilespmem:s29+$0xFFFFFFB0] =	vst v10  }
0x78: {  	v2 =	vadd.f32 v2, v11;
	v11 =	vld [tilespmem:s14+$0xFFFFFFC0]  }
0x79: {  	v6 =	vld [tilespmem:s30+$0xFFFFFFC0];
	v4 =	vmax.f32 v4, $0.0e+00;
	v10 =	vadd.f32 v12, v14  }
0x7a: {  	v3 =	vld [tilespmem:s30+$0xFFFFFFD0];
	[tilespmem:s30+$0xFFFFFF90] =	vst v4;
	v2 =	vmax.f32 v2, $0.0e+00  }
0x7b: {  	v4 =	vld [tilespmem:s30+$0xFFFFFFE0];
	[tilespmem:s29+$0x50] =	vst v2;
	v2 =	vmax.f32 v10, $0.0e+00  }
0x7c: {  	v14 =	vld [tilespmem:s30+$0x30];
	[tilespmem:s30+$0x20] =	vst v2  }
0x7d: {  	v8 =	vadd.f32 v8, v11;
	v15 =	vld [tilespmem:s31+$0x30]  }
0x7e: {  	v12 =	vld [tilespmem:s31+$0xFFFFFFA0]  }
0x7f: {  	v11 =	vld [tilespmem:s0+$0x0];
	v8 =	vmax.f32 v8, $0.0e+00  }
0x80: {  	[tilespmem:s29+$0xFFFFFFC0] =	vst v8;
	v8 =	vld [tilespmem:s4+$0x0]  }
0x81: {  	v10 =	vld [tilespmem:s29+$0x60]  }
0x82: {  	v16 =	vld [tilespmem:s14+$0x60];
	v14 =	vadd.f32 v14, v15  }
0x83: {  	v2 =	vld [tilespmem:s30+$0xFFFFFFF0]  }
0x84: {  	v7 =	vadd.f32 v7, v12;
	v12 =	vld [tilespmem:s30+$0x40];
	v14 =	vmax.f32 v14, $0.0e+00  }
0x85: {  	v15 =	vld [tilespmem:s14+$0xFFFFFFD0];
	v8 =	vadd.f32 v8, v11;
	[tilespmem:s30+$0x30] =	vst v14  }
0x86: {  	v7 =	vmax.f32 v7, $0.0e+00;
	v14 =	vld [tilespmem:s31+$0x40]  }
0x87: {  	[tilespmem:s30+$0xFFFFFFA0] =	vst v7;
	v11 =	vld [tilespmem:s29+$0x70];
	v7 =	vmax.f32 v8, $0.0e+00;
	v8 =	vadd.f32 v10, v16  }
0x88: {  	v10 =	vld [tilespmem:s31+$0xFFFFFFB0]  }
0x89: {  	v16 =	vld [tilespmem:s4+$0x10];
	[tilespmem:s4+$0x0] =	vst v7;
	v7 =	vadd.f32 v17, v18;
	v8 =	vmax.f32 v8, $0.0e+00  }
0x8a: {  	v17 =	vld [tilespmem:s0+$0x10];
	[tilespmem:s29+$0x60] =	vst v8  }
0x8b: {  	v7 =	vmax.f32 v7, $0.0e+00;
	v62 =	vld [tilespmem:s14+$0x70];
	v12 =	vadd.f32 v12, v14  }
0x8c: {  	[tilespmem:s4+$0xFFFFFF80] =	vst v7;
	v14 =	vld [tilespmem:s4+$0xFFFFFFA0]  }
0x8d: {  	v8 =	vld [tilespmem:s0+$0xFFFFFF90];
	v7 =	vmax.f32 v12, $0.0e+00  }
0x8e: {  	v5 =	vadd.f32 v5, v10;
	v10 =	vld [tilespmem:s30+$0x50];
	[tilespmem:s30+$0x40] =	vst v7  }
0x8f: {  	v16 =	vadd.f32 v16, v17;
	v12 =	vld [tilespmem:s31+$0x50]  }
0x90: {  	v5 =	vmax.f32 v5, $0.0e+00;
	v17 =	vld [tilespmem:s4+$0x20]  }
0x91: {  	v9 =	vadd.f32 v9, v15;
	v7 =	vld [tilespmem:s4+$0xFFFFFFB0];
	[tilespmem:s30+$0xFFFFFFB0] =	vst v5;
	v16 =	vmax.f32 v16, $0.0e+00  }
0x92: {  	v15 =	vld [tilespmem:s31+$0xFFFFFFC0];
	[tilespmem:s4+$0x10] =	vst v16;
	v16 =	vadd.f32 v19, v8  }
0x93: {  	v5 =	vld [tilespmem:s4+$0xFFFFFFC0];
	v8 =	vmax.f32 v9, $0.0e+00  }
0x94: {  	v9 =	vld [tilespmem:s0+$0x20];
	[tilespmem:s29+$0xFFFFFFD0] =	vst v8;
	v10 =	vadd.f32 v10, v12;
	v12 =	vmax.f32 v16, $0.0e+00  }
0x95: {  	[tilespmem:s4+$0xFFFFFF90] =	vst v12;
	v12 =	vld [tilespmem:s14+$0xFFFFFFE0]  }
0x96: {  	v8 =	vld [tilespmem:s4+$0xFFFFFFD0];
	v10 =	vmax.f32 v10, $0.0e+00  }
0x97: {  	v16 =	vld [tilespmem:s0+$0xFFFFFFA0];
	[tilespmem:s30+$0x50] =	vst v10;
	v10 =	vadd.f32 v6, v15  }
0x98: {  	v20 =	vld [tilespmem:s31+$0x60]  }
0x99: {  	v15 =	vadd.f32 v17, v9;
	v6 =	vld [tilespmem:s4+$0xFFFFFFE0];
	v9 =	vmax.f32 v10, $0.0e+00  }
0x9a: {  	[tilespmem:s30+$0xFFFFFFC0] =	vst v9;
	v10 =	vadd.f32 v13, v12;
	v9 =	vld [tilespmem:s4+$0xFFFFFFF0]  }
0x9b: {  	v11 =	vadd.f32 v11, v62;
	v13 =	vmax.f32 v15, $0.0e+00;
	v12 =	vld [tilespmem:s31+$0xFFFFFFD0]  }
0x9c: {  	[tilespmem:s4+$0x20] =	vst v13;
	v14 =	vadd.f32 v14, v16;
	v13 =	vld [tilespmem:s4+$0x30];
	v10 =	vmax.f32 v10, $0.0e+00  }
0x9d: {  	v11 =	vmax.f32 v11, $0.0e+00;
	v15 =	vld [tilespmem:s0+$0x30];
	v16 =	vadd.f32 v63, v20;
	[tilespmem:s29+$0xFFFFFFE0] =	vst v10  }
0x9e: {  	[tilespmem:s29+$0x70] =	vst v11;
	v10 =	vmax.f32 v14, $0.0e+00;
	v11 =	vld [tilespmem:s14+$0xFFFFFFF0]  }
0x9f: {  	s15 =	simm.s32 $0x4;
	s16 =	simm.s32 $0x4480;
	[tilespmem:s4+$0xFFFFFFA0] =	vst v10;
	v10 =	vld [tilespmem:s30+$0x70];
	s14 =	simm.s32 $0x380;
	v14 =	vmax.f32 v16, $0.0e+00  }
.LBB2_5:
0xa0: {  	v16 =	vld [tilespmem:s16+$0x0];
	v12 =	vadd.f32 v3, v12;
	[tilespmem:s30+$0x60] =	vst v14;
	v3 =	vmov v8  }
0xa1: {  	s4 =	sadd.s32 $0x100, s4;
	v8 =	vld [tilespmem:s31+$0x70]  }
0xa2: {  	s15 =	sadd.s32 $0x2, s15;
	v14 =	vld [tilespmem:s4+$0x0];
	v13 =	vadd.f32 v13, v15;
	v12 =	vmax.f32 v12, $0.0e+00  }
0xa3: {  	p0 =	slt.u32 s15, $0x7E;
	v15 =	vld [tilespmem:s4+$0xFFFFFF80];
	[tilespmem:s30+$0xFFFFFFD0] =	vst v12;
	v11 =	vadd.f32 v1, v11;
	v1 =	vmov v2;
	v2 =	vmov v9  }
0xa4: {  	v9 =	vld [tilespmem:s16+$0xFFFFFF80];
	v12 =	vmax.f32 v13, $0.0e+00  }
0xa5: {  	[tilespmem:s14+$0x30] =	vst v12;
	v12 =	vld [tilespmem:s14+$0x40];
	v11 =	vmax.f32 v11, $0.0e+00  }
0xa6: {  	v13 =	vld [tilespmem:s0+$0x40];
	v8 =	vadd.f32 v10, v8;
	[tilespmem:s29+$0xFFFFFFF0] =	vst v11;
	s29 =	smov.u32 s30;
	s30 =	smov.u32 s14;
	s14 =	smov.u32 s4  }
0xa7: {  	v10 =	vld [tilespmem:s4+$0xFFFFFF90];
	v11 =	vadd.f32 v14, v16  }
0xa8: {  	v14 =	vld [tilespmem:s4+$0xFFFFFFA0];
	v8 =	vmax.f32 v8, $0.0e+00  }
0xa9: {  	v9 =	vadd.f32 v15, v9;
	v11 =	vmax.f32 v11, $0.0e+00;
	v15 =	vld [tilespmem:s0+$0xFFFFFFB0];
	[tilespmem:s29+$0x70] =	vst v8  }
0xaa: {  	[tilespmem:s4+$0x0] =	vst v11;
	v8 =	vld [tilespmem:s4+$0x10]  }
0xab: {  	v9 =	vmax.f32 v9, $0.0e+00;
	v11 =	vld [tilespmem:s16+$0x10];
	v12 =	vadd.f32 v12, v13  }
0xac: {  	[tilespmem:s4+$0xFFFFFF80] =	vst v9;
	v9 =	vld [tilespmem:s4+$0xFFFFFFB0]  }
0xad: {  	v13 =	vld [tilespmem:s16+$0xFFFFFF90];
	v12 =	vmax.f32 v12, $0.0e+00  }
0xae: {  	v18 =	vadd.f32 v7, v15;
	[tilespmem:s30+$0x40] =	vst v12;
	v12 =	vld [tilespmem:s30+$0x50]  }
0xaf: {  	v15 =	vld [tilespmem:s0+$0x50]  }
0xb0: {  	v16 =	vld [tilespmem:s4+$0xFFFFFFC0];
	v11 =	vadd.f32 v8, v11;
	v17 =	vmax.f32 v18, $0.0e+00  }
0xb1: {  	v8 =	vld [tilespmem:s4+$0xFFFFFFD0];
	[tilespmem:s30+$0xFFFFFFB0] =	vst v17;
	v7 =	vmov v9  }
0xb2: {  	v9 =	vadd.f32 v10, v13;
	v10 =	vmax.f32 v11, $0.0e+00;
	v11 =	vld [tilespmem:s0+$0xFFFFFFC0]  }
0xb3: {  	[tilespmem:s4+$0x10] =	vst v10;
	v10 =	vld [tilespmem:s4+$0x20]  }
0xb4: {  	v9 =	vmax.f32 v9, $0.0e+00;
	v13 =	vld [tilespmem:s16+$0x20];
	v12 =	vadd.f32 v12, v15  }
0xb5: {  	[tilespmem:s4+$0xFFFFFF90] =	vst v9;
	v15 =	vld [tilespmem:s31+$0xFFFFFFE0]  }
0xb6: {  	v17 =	vld [tilespmem:s16+$0xFFFFFFA0];
	v9 =	vmax.f32 v12, $0.0e+00  }
0xb7: {  	v11 =	vadd.f32 v5, v11;
	[tilespmem:s30+$0x50] =	vst v9;
	v18 =	vld [tilespmem:s30+$0x60];
	v5 =	vmov v16  }
0xb8: {  	v16 =	vld [tilespmem:s0+$0x60]  }
0xb9: {  	v19 =	vld [tilespmem:s4+$0xFFFFFFE0];
	v10 =	vadd.f32 v10, v13;
	v11 =	vmax.f32 v11, $0.0e+00  }
0xba: {  	v9 =	vld [tilespmem:s4+$0xFFFFFFF0];
	[tilespmem:s30+$0xFFFFFFC0] =	vst v11;
	v11 =	vadd.f32 v4, v15;
	v4 =	vmov v6  }
.Ltmp1:
0xbb: {  	v20 =	vadd.f32 v14, v17;
	v10 =	vmax.f32 v10, $0.0e+00;
	v12 =	vld [tilespmem:s0+$0xFFFFFFD0];
	(pc) =	sbr.rel @p0 .LBB2_5-.Ltmp1, $4  }
0xbc: {  	[tilespmem:s4+$0x20] =	vst v10;
	v13 =	vld [tilespmem:s4+$0x30];
	v10 =	vmax.f32 v11, $0.0e+00  }
0xbd: {  	v17 =	vmax.f32 v20, $0.0e+00;
	v15 =	vld [tilespmem:s16+$0x30];
	v14 =	vadd.f32 v18, v16;
	[tilespmem:s29+$0xFFFFFFE0] =	vst v10  }
0xbe: {  	[tilespmem:s4+$0xFFFFFFA0] =	vst v17;
	v11 =	vld [tilespmem:s31+$0xFFFFFFF0];
	v6 =	vmov v19;
	s31 =	smov.u32 s0;
	s0 =	smov.u32 s16  }
0xbf: {  	s16 =	sadd.s32 $0x100, s16;
	v14 =	vmax.f32 v14, $0.0e+00;
	v10 =	vld [tilespmem:s30+$0x70]  }
0xc0: {  	v16 =	vld [tilespmem:s0+$0xFFFFFFB0];
	_ =	sdelay $0x3  }
0xc1: {  	v13 =	vadd.f32 v13, v15  }
0xc2: {  	v7 =	vadd.f32 v7, v16  }
0xc3: {  	v13 =	vmax.f32 v13, $0.0e+00  }
0xc4: {  	v55 =	vld [tilespmem:s14+$0x40];
	[tilespmem:s14+$0x30] =	vst v13;
	v7 =	vmax.f32 v7, $0.0e+00  }
0xc5: {  	v56 =	vld [tilespmem:s0+$0x40];
	[tilespmem:s14+$0xFFFFFFB0] =	vst v7  }
0xc6: {  	v7 =	vld [tilespmem:s0+$0xFFFFFFC0];
	_ =	sdelay $0x3  }
0xc7: {  	v13 =	vadd.f32 v55, v56  }
0xc8: {  	v5 =	vadd.f32 v5, v7  }
0xc9: {  	v13 =	vmax.f32 v13, $0.0e+00  }
0xca: {  	v57 =	vld [tilespmem:s14+$0x50];
	[tilespmem:s14+$0x40] =	vst v13;
	v5 =	vmax.f32 v5, $0.0e+00  }
0xcb: {  	v13 =	vld [tilespmem:s0+$0x50];
	[tilespmem:s14+$0xFFFFFFC0] =	vst v5  }
0xcc: {  	v5 =	vld [tilespmem:s0+$0xFFFFFFD0];
	_ =	sdelay $0x1  }
0xcd: {  	v3 =	vadd.f32 v3, v12;
	_ =	sdelay $0x1  }
0xce: {  	v3 =	vmax.f32 v3, $0.0e+00;
	v7 =	vadd.f32 v57, v13  }
0xcf: {  	[tilespmem:s30+$0xFFFFFFD0] =	vst v3;
	v5 =	vadd.f32 v8, v5  }
0xd0: {  	v58 =	vld [tilespmem:s31+$0xFFFFFFE0];
	v3 =	vmax.f32 v7, $0.0e+00  }
0xd1: {  	[tilespmem:s14+$0x50] =	vst v3;
	v3 =	vld [tilespmem:s14+$0x60];
	v5 =	vmax.f32 v5, $0.0e+00  }
0xd2: {  	v59 =	vld [tilespmem:s0+$0x60];
	[tilespmem:s14+$0xFFFFFFD0] =	vst v5  }
0xd3: {  	v5 =	vld [tilespmem:s0+$0xFFFFFFE0];
	_ =	sdelay $0x2  }
0xd4: {  	v4 =	vadd.f32 v4, v58  }
0xd5: {  	v3 =	vadd.f32 v3, v59  }
0xd6: {  	[tilespmem:s30+$0x60] =	vst v14;
	v61 =	vld [tilespmem:s14+$0x70];
	v4 =	vmax.f32 v4, $0.0e+00;
	v5 =	vadd.f32 v6, v5  }
0xd7: {  	v60 =	vld [tilespmem:s31+$0x70];
	[tilespmem:s30+$0xFFFFFFE0] =	vst v4;
	v3 =	vmax.f32 v3, $0.0e+00  }
0xd8: {  	v62 =	vld [tilespmem:s31+$0xFFFFFFF0];
	[tilespmem:s14+$0x60] =	vst v3;
	v3 =	vmax.f32 v5, $0.0e+00  }
0xd9: {  	v63 =	vld [tilespmem:s0+$0x70];
	[tilespmem:s14+$0xFFFFFFE0] =	vst v3  }
0xda: {  	v3 =	vld [tilespmem:s0+$0xFFFFFFF0]  }
0xdb: {  	v1 =	vadd.f32 v1, v11  }
0xdc: {  	v7 =	vadd.f32 v10, v60  }
0xdd: {  	v1 =	vmax.f32 v1, $0.0e+00;
	v2 =	vadd.f32 v2, v62  }
0xde: {  	[tilespmem:s29+$0xFFFFFFF0] =	vst v1;
	v1 =	vmax.f32 v7, $0.0e+00;
	v4 =	vadd.f32 v61, v63  }
0xdf: {  	[tilespmem:s30+$0x70] =	vst v1;
	v1 =	vmax.f32 v2, $0.0e+00;
	v2 =	vadd.f32 v9, v3  }
0xe0: {  	s28 =	sadd.s32 $0x1, s28;
	[tilespmem:s30+$0xFFFFFFF0] =	vst v1;
	v1 =	vmax.f32 v4, $0.0e+00  }
0xe1: {  	p0 =	sne.s32 s28, $0x4F;
	[tilespmem:s14+$0x70] =	vst v1;
	v1 =	vmax.f32 v2, $0.0e+00  }
.Ltmp2:
0xe2: {  	[tilespmem:s14+$0xFFFFFFF0] =	vst v1;
	(pc) =	sbr.rel @p0 .LBB2_4-.Ltmp2, $4  }
0xe3: {  	[spmem:s2] =	stream.indirect.scatter.add.f32 [tilespmem:s23], [sflag:$0x3], $0x80, s22, s22, $0xb8;
	[tilespmem:$0x1C100] =	vst v63  }
0xe4: {  	_ =	swait.ge [sflag:s21], $0x4000  }
0xe5: {  	[sflag:s21] =	ssyncset.done $0x0  }
0xe6: {  	[sflag:s21] =	ssyncadd.s32 $0xFFFFC000  }
0xe7: {  	s0 =	stileid.u32  }
0xe8: {  	[bflag:$0x0] =	sbarrier.arrive $0xFFFF;
	s0 =	sshll.u32 s0, $0x6  }
0xe9: {  	s4 =	sshrl.u32 s7, $0x3;
	s14 =	rddreg [dreg:$0x4];
	s0 =	sor.u32 $0x1C03, s0  }
0xea: {  	[hbm:s14], [sflag:s0] =	dma.local [spmem:s4], $0x800  }
0xeb: {  	_ =	swait.ge [sflag:s21], $0x800  }
0xec: {  	[sflag:s21] =	ssyncset.done $0x0  }
0xed: {  	s15 =	sshrl.u32 s8, $0x3;
	s16 =	rddreg [dreg:$0x5];
	[sflag:s21] =	ssyncadd.s32 $0xFFFFF800  }
0xee: {  	[hbm:s16], [sflag:s0] =	dma.local [spmem:s15], $0x800  }
0xef: {  	_ =	swait.ge [sflag:s21], $0x800  }
0xf0: {  	[sflag:s21] =	ssyncset.done $0x0  }
0xf1: {  	s28 =	sshrl.u32 s9, $0x3;
	s29 =	rddreg [dreg:$0x6];
	[sflag:s21] =	ssyncadd.s32 $0xFFFFF800  }
0xf2: {  	[hbm:s29], [sflag:s0] =	dma.local [spmem:s28], $0x800  }
0xf3: {  	_ =	swait.ge [sflag:s21], $0x800  }
0xf4: {  	[sflag:s21] =	ssyncset.done $0x0  }
0xf5: {  	s30 =	sshrl.u32 s10, $0x3;
	[sflag:s21] =	ssyncadd.s32 $0xFFFFF800  }
0xf6: {  	[hbm:s17], [sflag:s0] =	dma.local [spmem:s30], $0x800  }
0xf7: {  	s26 =	sadd.s32 $0x1, s26;
	_ =	swait.ge [sflag:s21], $0x800  }
0xf8: {  	p0 =	sne.s32 s26, s19;
	[sflag:s21] =	ssyncset.done $0x0  }
.Ltmp3:
0xf9: {  	s31 =	sshrl.u32 s11, $0x3;
	[sflag:s21] =	ssyncadd.s32 $0xFFFFF800;
	(pc) =	sbr.rel @p0 .LBB2_1-.Ltmp3, $4  }
0xfa: {  	[hbm:s18], [sflag:s0] =	dma.local [spmem:s31], $0x800  }
0xfb: {  	_ =	swait.ge [sflag:s21], $0x800  }
0xfc: {  	[sflag:s21] =	ssyncset.done $0x0  }
0xfd: {  	[sflag:s21] =	ssyncadd.s32 $0xFFFFF800  }
0xfe: {  	_ =	sfence.sel $0x180000  }
0xff: {  	[bflag:$0x0] =	sbarrier.arrive $0xFFFF  }
0x100: {  	_ =	strace $0x90000047  }
0x101: {  	s0 =	stileid.u32;
	[bflag:$0x2] =	sbarrier.arrive $0xFFFF  }
0x102: {  	p0 =	sne.s32 s0, $0x0;
	s0 =	rddreg [dreg:$0x3]  }
0x103: {  	s0 =	sadd.s32 @!p0 $0x100000, s0  }
0x104: {  	[sflag:s0] =	ssyncadd.tile.s32 @!p0 $0x1;
	_ =	shalt  }
.Lfunc_end2:
_tile_overlayer_lowered:
.L_overlay_start_2:
0x105: {  	(tag) =	ssettag $0x2  }
0x106: {  	s0 =	rddreg [dreg:$0x0];
	s2 =	stileid.u32  }
0x107: {  	s1 =	rddreg [dreg:$0x1];
	p0 =	sne.s32 s2, $0x0  }
0x108: {  	s3 =	rddreg [dreg:$0x2];
	[bflag:$0x3] =	sbarrier.arrive $0xFFFF;
	s2 =	simm.s32 @!p0 $0x1C03  }
0x109: {  	[timem:s3], [sflag:s2] =	dma.local @!p0 [hbm:s0], s1  }
0x10a: {  	s0 =	simm.s32 @!p0 $0x3  }
0x10b: {  	_ =	swait.ge @!p0 [sflag:s0], s1  }
0x10c: {  	s1 =	ssub.s32 @!p0 $0x0, s1;
	[sflag:s0] =	ssyncset.done @!p0 $0x0  }
0x10d: {  	[sflag:s0] =	ssyncadd.s32 @!p0 s1  }
0x10e: {  	[bflag:$0x3] =	sbarrier.arrive $0xFFFF  }
0x10f: {  	_ =	shalt  }

// kernel: kernel.15.cloned.1.call-start
scs
__scs_entry_jumppad:
0x0: {  	(pc) =	sbr.rel $0x88, $3  }
0x1: {  	(tag) =	ssettag $0x0;
	lr =	simm.s32 $0x1  }
0x2: {  	[smem:$0x3F8A] =	sst lr;
	_ =	strace $0xD0000000  }
0x3: {  	_ = 	snop  }
0x4: {  	_ = 	snop  }
0x5: {  	_ = 	snop  }
0x6: {  	_ = 	snop  }
0x7: {  	_ = 	snop  }
__scs_overlays_trampoline_lowered:
0x8: {  	[smem:$0x3F99] =	sst s0  }
0x9: {  	[smem:$0x3F9A] =	sst s1  }
0xa: {  	[smem:$0x3F9B] =	sst s2  }
0xb: {  	[smem:$0x3F9C] =	sst s3  }
0xc: {  	[smem:$0x3F9D] =	sst s4  }
0xd: {  	[smem:$0x3F9E] =	sst s5  }
0xe: {  	[smem:$0x3F9F] =	sst s6  }
0xf: {  	[smem:$0x3FA0] =	sst s7  }
0x10: {  	[smem:$0x3FA1] =	sst s8  }
0x11: {  	[smem:$0x3FA2] =	sst s9;
	s0 =	simm.s32 @!p0 $0x0  }
0x12: {  	s1 =	sld [smem:$0x3F88];
	s0 =	simm.s32 @p0 $0x1  }
0x13: {  	[smem:$0x3FA3] =	sst s0;
	s0 =	simm.s32 @!p1 $0x0  }
0x14: {  	s2 =	sld [smem:$0x3F87];
	s0 =	simm.s32 @p1 $0x1  }
0x15: {  	[smem:$0x3FA4] =	sst s0;
	s0 =	simm.s32 @!p2 $0x0  }
0x16: {  	s3 =	sld [smem:$0x3FDB];
	s0 =	simm.s32 @p2 $0x1  }
0x17: {  	s4 =	simm.s32 $0x1BF5;
	[smem:$0x3FA6] =	sst s0  }
0x18: {  	s0 =	sld [smem:$0x3F89];
	_ =	swait.ge [sflag:s4], $0x0  }
0x19: {  	s7 =	sld [smem:$0x3F8A]  }
0x1a: {  	s8 =	sadd.s32 $0xFFFFE003, lr  }
0x1b: {  	s9 =	sadd.s32 $0xFFFFFEF7, lr;
	s5 =	simm.s32 $0xFFFFFFFF;
	p2 =	slt.u32 s8, $0xFFFFF086  }
0x1c: {  	p1 =	slt.u32 s9, $0xF7A;
	s5 =	simm.s32 @!p2 $0x0  }
0x1d: {  	s5 =	simm.s32 @p1 $0x1;
	p0 =	seq.s32 s7, s2  }
0x1e: {  	s7 =	smul.u32 @!p0 $0xF7A, s2;
	p2 =	seq.s32 @!p0 s5, $0x0  }
0x1f: {  	s9 =	smul.u32 $0xF7A, s1;
	s8 =	simm.s32 @!p0 $0x1BF5;
	p2 =	por !p2, p0  }
0x20: {  	[sflag:s8] =	ssyncset.s32 @!p0 $0xFFFFF086;
	s6 =	sadd.s32 @!p0 s3, s7;
	s7 =	simm.s32 @!p0 $0x108  }
0x21: {  	s3 =	sadd.s32 s3, s9;
	s6 =	sadd.s32 @!p0 $0x88, s6;
	s7 =	simm.s32 @p2 $0x1082  }
0x22: {  	[simem:s7], [sflag:s8] =	dma.local @!p0 [hbm:s6], $0xF7A  }
0x23: {  	s9 =	sor.u32 $0xD0000000, s2;
	s6 =	simm.s32 $0x108;
	_ =	swait.ge @!p0 [sflag:s8], $0x0  }
0x24: {  	s3 =	sadd.s32 $0x88, s3;
	s6 =	simm.s32 @!p1 $0x1082;
	[sflag:s4] =	ssyncset.s32 $0xFFFFF086  }
0x25: {  	[simem:s6], [sflag:s4] =	dma.local [hbm:s3], $0xF7A  }
0x26: {  	[smem:$0x3F8A] =	sst s1;
	(tag) =	ssettag s2;
	_ =	strace s9  }
0x27: {  	s1 =	sld [smem:$0x3F9A]  }
0x28: {  	s2 =	sld [smem:$0x3F9B]  }
0x29: {  	s4 =	sld [smem:$0x3F9D]  }
0x2a: {  	p0 =	seq.s32 s5, $0x0;
	s5 =	sld [smem:$0x3F9E]  }
0x2b: {  	s6 =	sld [smem:$0x3F9F]  }
0x2c: {  	s7 =	sld [smem:$0x3FA0]  }
0x2d: {  	s3 =	simm.s32 $0x108;
	s8 =	sld [smem:$0x3FA1]  }
0x2e: {  	s3 =	simm.s32 @!p0 $0x1082;
	s9 =	sld [smem:$0x3FA2]  }
0x2f: {  	lr =	sadd.s32 s0, s3;
	s0 =	sld [smem:$0x3F99]  }
0x30: {  	s3 =	sld [smem:$0x3F9C]  }
0x31: {  	[smem:$0x3FA5] =	sst s10  }
0x32: {  	s10 =	sld [smem:$0x3FA3];
	_ =	sdelay $0x3  }
0x33: {  	p0 =	seq.s32 s10, $0x1;
	s10 =	sld [smem:$0x3FA5];
	_ =	sdelay $0x3  }
0x34: {  	[smem:$0x3FA5] =	sst s10  }
0x35: {  	s10 =	sld [smem:$0x3FA4];
	_ =	sdelay $0x3  }
0x36: {  	p1 =	seq.s32 s10, $0x1;
	s10 =	sld [smem:$0x3FA5];
	_ =	sdelay $0x3  }
0x37: {  	[smem:$0x3FA5] =	sst s10  }
0x38: {  	s10 =	sld [smem:$0x3FA6]  }
0x39: {  	_ = 	snop;
	(pc) =	sbr.ind lr, $3  }
0x3a: {  	_ = 	snop  }
0x3b: {  	_ = 	snop  }
0x3c: {  	p2 =	seq.s32 s10, $0x1;
	s10 =	sld [smem:$0x3FA5]  }
0x3d: {  	_ =	shalt  }
0x3e: {  	_ =	shalt  }
0x3f: {  	_ =	shalt  }
0x40: {  	_ =	shalt  }
0x41: {  	_ =	shalt  }
0x42: {  	_ =	shalt  }
0x43: {  	_ =	shalt  }
0x44: {  	_ =	shalt  }
0x45: {  	_ =	shalt  }
0x46: {  	_ =	shalt  }
0x47: {  	_ =	shalt  }
0x48: {  	_ =	shalt  }
0x49: {  	_ =	shalt  }
0x4a: {  	_ =	shalt  }
0x4b: {  	_ =	shalt  }
0x4c: {  	_ =	shalt  }
0x4d: {  	_ =	shalt  }
0x4e: {  	_ =	shalt  }
0x4f: {  	_ =	shalt  }
0x50: {  	_ =	shalt  }
0x51: {  	_ =	shalt  }
0x52: {  	_ =	shalt  }
0x53: {  	_ =	shalt  }
0x54: {  	_ =	shalt  }
0x55: {  	_ =	shalt  }
0x56: {  	_ =	shalt  }
0x57: {  	_ =	shalt  }
0x58: {  	_ =	shalt  }
0x59: {  	_ =	shalt  }
0x5a: {  	_ =	shalt  }
0x5b: {  	_ =	shalt  }
0x5c: {  	_ =	shalt  }
0x5d: {  	_ =	shalt  }
0x5e: {  	_ =	shalt  }
0x5f: {  	_ =	shalt  }
0x60: {  	_ =	shalt  }
0x61: {  	_ =	shalt  }
0x62: {  	_ =	shalt  }
0x63: {  	_ =	shalt  }
0x64: {  	_ =	shalt  }
0x65: {  	_ =	shalt  }
0x66: {  	_ =	shalt  }
0x67: {  	_ =	shalt  }
0x68: {  	_ =	shalt  }
0x69: {  	_ =	shalt  }
0x6a: {  	_ =	shalt  }
0x6b: {  	_ =	shalt  }
0x6c: {  	_ =	shalt  }
0x6d: {  	_ =	shalt  }
0x6e: {  	_ =	shalt  }
0x6f: {  	_ =	shalt  }
0x70: {  	_ =	shalt  }
0x71: {  	_ =	shalt  }
0x72: {  	_ =	shalt  }
0x73: {  	_ =	shalt  }
0x74: {  	_ =	shalt  }
0x75: {  	_ =	shalt  }
0x76: {  	_ =	shalt  }
0x77: {  	_ =	shalt  }
0x78: {  	_ =	shalt  }
0x79: {  	_ =	shalt  }
0x7a: {  	_ =	shalt  }
0x7b: {  	_ =	shalt  }
0x7c: {  	_ =	shalt  }
0x7d: {  	_ =	shalt  }
0x7e: {  	_ =	shalt  }
0x7f: {  	_ =	shalt  }
0x80: {  	_ =	shalt  }
0x81: {  	_ =	shalt  }
0x82: {  	_ =	shalt  }
0x83: {  	_ =	shalt  }
0x84: {  	_ =	shalt  }
0x85: {  	_ =	shalt  }
0x86: {  	_ =	shalt  }
0x87: {  	_ =	shalt  }
.Lfunc_end0:
.L_simem_size_0:
called_computation.1_lowered:
.L_overlay_start_0:
0x88: {  	s2 =	sld [smem:$0x3FD9]  }
0x89: {  	s3 =	sld [smem:$0x3FFE];
	_ =	sdelay $0x1  }
0x8a: {  	s1 =	srdreg.scid  }
0x8b: {  	s0 =	sand.u32 $0x1, s1  }
0x8c: {  	s16 =	sshll.u32 s0, $0xA;
	s2 =	sadd.s32 s3, s2  }
0x8d: {  	s2 =	sadd.s32 s2, s16  }
0x8e: {  	[smem:$0x3FB1] =	sst s2  }
0x8f: {  	_ = 	snop  }
0x90: {  	(tm) =	ssettm $0x1  }
0x91: {  	s17 =	sld [smem:$0x3FFB];
	_ =	sdelay $0x3  }
0x92: {  	_ =	strace s17  }
0x93: {  	s2 =	sld [smem:$0x3FFC];
	_ =	sdelay $0x3  }
0x94: {  	_ =	strace s2  }
0x95: {  	s2 =	sld [smem:$0x3FFD];
	_ =	sdelay $0x3  }
0x96: {  	_ =	strace s2  }
0x97: {  	_ =	strace $0x8FFFFFFF  }
0x98: {  	s18 =	sld [smem:$0x3FDB];
	_ =	sdelay $0x1  }
0x99: {  	s19 =	simm.s32 $_scs_section_size  }
0x9a: {  	s4 =	simm.s32 $_size__tile_overlayer_lowered;
	s5 =	simm.s32 $_tile_overlayer_lowered  }
0x9b: {  	s22 =	simm.s32 $0x1BFF;
	s21 =	sshll.u32 s5, $0x1;
	s2 =	sadd.s32 s19, s18  }
0x9c: {  	s6 =	simm.s32 $0x0;
	s20 =	sshll.u32 s4, $0x1;
	s4 =	sadd.s32 s21, s2  }
0x9d: {  	[timem:s6], [sflag:s22] =	dma.local [hbm:s4], s20  }
0x9e: {  	_ =	swait.ge [sflag:s22], s20  }
0x9f: {  	s3 =	ssub.s32 $0x0, s20;
	[sflag:s22] =	ssyncset.done $0x0  }
0xa0: {  	[sflag:s22] =	ssyncadd.s32 s3;
	_ =	sdelay $0x1  }
0xa1: {  	s23 =	simm.s32 $0x1B8B  }
0xa2: {  	_ =	swait.ge [sflag:s23], $0x1  }
0xa3: {  	[sflag:s23] =	ssyncset.done $0x0  }
0xa4: {  	s25 =	simm.s32 $0x1B8E;
	s24 =	sld [smem:$0x3FFE];
	[sflag:s23] =	ssyncadd.s32 $0xFFFFFFFF  }
0xa5: {  	s26 =	simm.s32 $execute0_lowered;
	[smem:$0x3FD2] =	sst s25  }
0xa6: {  	s4 =	sshll.u32 s26, $0x1;
	_ =	strace $0x80000049;
	[dreg:$0x1] =	wrdreg $0xFFFFFFFF  }
0xa7: {  	s28 =	simm.s32 $_size_execute0_lowered;
	s2 =	sadd.s32 s2, s4;
	[dreg:$0x0] =	wrdreg $0x0  }
0xa8: {  	s4 =	sshll.u32 s28, $0x1;
	[dreg:$0x2] =	wrdreg s2  }
0xa9: {  	[dreg:$0x3] =	wrdreg s4  }
0xaa: {  	[dreg:$0x4] =	wrdreg $0xC0  }
0xab: {  	_ =	task [dreg:s6], $0x5FFFF  }
0xac: {  	[dreg:$0x1] =	wrdreg $0xFFFFFFFF  }
0xad: {  	[dreg:$0x0] =	wrdreg $0x60  }
0xae: {  	[dreg:$0x2] =	wrdreg s24  }
0xaf: {  	[dreg:$0x3] =	wrdreg $0x81000  }
0xb0: {  	[dreg:$0x4] =	wrdreg $0x9  }
0xb1: {  	_ =	task.clear_ibuf [dreg:s6], $0x5FFFF;
	_ =	strace $0x90000049  }
0xb2: {  	s29 =	simm.s32 $0x9;
	_ =	strace $0x8000004B  }
0xb3: {  	_ =	swait.ge [sflag:s29], $0x1  }
0xb4: {  	[sflag:s29] =	ssyncadd.s32 $0xFFFFFFFF  }
0xb5: {  	_ =	strace $0x9000004B  }
0xb6: {  	_ =	sfence  }
0xb7: {  	s30 =	sld [smem:$0x0];
	_ =	sdelay $0x2  }
0xb8: {  	s31 =	sshll.u32 s1, $0xD;
	s1 =	sshrl.u32 s1, $0x2  }
0xb9: {  	s3 =	sand.u32 $0x4000, s31;
	s1 =	sadd.s32 s1, s30  }
0xba: {  	s0 =	sor.u32 s3, s0;
	s1 =	sshll.u32 s1, $0x11  }
0xbb: {  	s0 =	sor.u32 s1, s0  }
0xbc: {  	s0 =	sadd.s32 $0x8F2B, s0  }
0xbd: {  	[sflag:s0] =	ssyncadd.remote.s32 $0x1  }
0xbe: {  	_ =	sfence.sel $0xFFFF  }
0xbf: {  	[dreg:$0x0] =	wrdreg $0xFFFFFFFF;
	(pc) =	sbr.abs _section_cstart, $3  }
0xc0: {  	[dreg:$0x1] =	wrdreg $0xFFFFFFFF  }
0xc1: {  	_ =	task.clear_ibuf [dreg:s6], $0x2FFFF;
	_ =	strace $0x9FFFFFFF  }
0xc2: {  	(tm) =	ssettm $0x7FFFFFFF  }
0xc3: {  	_ =	shalt  }
tec
execute0_lowered:
.L_overlay_start_1:
0x0: {  	(tag) =	ssettag $0x1  }
0x1: {  	s0 =	rddreg [dreg:$0x0]  }
0x2: {  	s1 =	rddreg [dreg:$0x1];
	s2 =	simm.s32 $0x0;
	s3 =	srdreg.scid  }
0x3: {  	s10 =	stileid.u32;
	s20 =	simm.s32 $0x4100;
	s21 =	simm.s32 $0x3  }
0x4: {  	s22 =	simm.s32 $0x80;
	s23 =	simm.s32 $0x100;
	s24 =	simm.s32 $0x1  }
0x5: {  	s25 =	simm.s32 $0x2;
	s26 =	simm.s32 $0x0;
	[smem:$0x7FF] =	sst s2  }
0x6: {  	s4 =	sadd.s32 $0x4000, s0;
	s5 =	sadd.s32 $0xED9C00, s0;
	s3 =	sand.u32 $0x1, s3  }
0x7: {  	s6 =	sadd.s32 $0x4E6000, s0;
	s8 =	smul.u32 $0x50000, s10;
	s0 =	sadd.s32 $0x2B200, s0  }
0x8: {  	s12 =	smul.u32 $0x14000, s10;
	_ =	strace $0x8000004A;
	s7 =	ssub.s32 $0x2, s3  }
0x9: {  	s29 =	sshll.u32 s3, $0x4;
	s3 =	smul.u32 $0x140000, s3;
	s9 =	sshrl.u32 s7, $0x1  }
0xa: {  	s8 =	sshrl.u32 s8, $0x2;
	s13 =	sor.u32 s10, s29;
	s15 =	sadd.s32 $0x4000, s12  }
0xb: {  	s16 =	sadd.s32 $0x8000, s12;
	s17 =	sadd.s32 $0xC000, s12;
	s18 =	sadd.s32 $0x10000, s12  }
0xc: {  	s14 =	ssub.s32 s7, s9;
	s7 =	sadd.s32 s8, s1;
	s8 =	sadd.s32 s15, s1  }
0xd: {  	s9 =	sadd.s32 s16, s1;
	s10 =	sadd.s32 s17, s1;
	s11 =	sadd.s32 s18, s1  }
0xe: {  	s19 =	sadd.s32 s12, s3;
	s12 =	smul.u32 $0x4F00, s13;
	s15 =	sadd.s32 s3, s15  }
0xf: {  	s13 =	smul.u32 $0x13C000, s13;
	s30 =	sadd.s32 s3, s16;
	s31 =	sadd.s32 s3, s17  }
0x10: {  	s3 =	sadd.s32 s3, s18;
	s19 =	sshrl.u32 s19, $0x3;
	s15 =	sshrl.u32 s15, $0x3  }
0x11: {  	s16 =	sshrl.u32 s31, $0x3;
	s3 =	sshrl.u32 s3, $0x3;
	s15 =	sadd.s32 s0, s15  }
0x12: {  	s19 =	sadd.s32 s0, s19;
	[dreg:$0x4] =	wrdreg s15;
	s15 =	sshrl.u32 s30, $0x3  }
0x13: {  	s17 =	sadd.s32 s0, s16;
	[dreg:$0x3] =	wrdreg s19;
	s15 =	sadd.s32 s0, s15  }
0x14: {  	v0 =	vimm.f32 $0.0e+00;
	s18 =	sadd.s32 s0, s3;
	s19 =	smax.u32 s14, $0x1;
	[dreg:$0x5] =	wrdreg s15  }
.LBB2_1:
0x15: {  	s0 =	simm.s32 $0x0;
	s3 =	simm.s32 $0x200  }
.LBB2_2:
0x16: {  	p0 =	sne.s32 s3, $0xFE00;
	[tilespmem:s0+$0x4170] =	vst v0  }
0x17: {  	[tilespmem:s0+$0x4100] =	vst v0  }
0x18: {  	[tilespmem:s0+$0x4110] =	vst v0  }
.Ltmp0:
0x19: {  	[tilespmem:s0+$0x4120] =	vst v0;
	(pc) =	sbr.rel @p0 .LBB2_2-.Ltmp0, $4  }
0x1a: {  	[tilespmem:s0+$0x4130] =	vst v0  }
0x1b: {  	[tilespmem:s0+$0x4140] =	vst v0  }
0x1c: {  	[tilespmem:s0+$0x4150] =	vst v0  }
0x1d: {  	[tilespmem:s0+$0x4160] =	vst v0;
	s0 =	sshra.s32 s3, $0x2;
	s3 =	sadd.s32 $0x200, s3  }
0x1e: {  	[tilespmem:s0+$0x4170] =	vst v0  }
0x1f: {  	[tilespmem:s0+$0x4100] =	vst v0  }
0x20: {  	[tilespmem:s0+$0x4110] =	vst v0  }
0x21: {  	[tilespmem:s0+$0x4120] =	vst v0  }
0x22: {  	[tilespmem:s0+$0x4130] =	vst v0  }
0x23: {  	[tilespmem:s0+$0x4140] =	vst v0  }
0x24: {  	[tilespmem:s0+$0x4150] =	vst v0  }
0x25: {  	[tilespmem:s0+$0x4160] =	vst v0  }
0x26: {  	[spmem:s7] =	stream.linear.scatter [tilespmem:s20], [sflag:$0x3], $0x4000, $0x38;
	[tilespmem:$0x1C100] =	vst v63  }
0x27: {  	_ =	swait.ge [sflag:s21], $0x4000  }
0x28: {  	[sflag:s21] =	ssyncset.done $0x0  }
0x29: {  	[sflag:s21] =	ssyncadd.s32 $0xFFFFC000  }
0x2a: {  	[spmem:s8] =	stream.linear.scatter [tilespmem:s20], [sflag:$0x3], $0x4000, $0x38;
	[tilespmem:$0x1C100] =	vst v63  }
0x2b: {  	_ =	swait.ge [sflag:s21], $0x4000  }
0x2c: {  	[sflag:s21] =	ssyncset.done $0x0  }
0x2d: {  	[sflag:s21] =	ssyncadd.s32 $0xFFFFC000  }
0x2e: {  	[spmem:s9] =	stream.linear.scatter [tilespmem:s20], [sflag:$0x3], $0x4000, $0x38;
	[tilespmem:$0x1C100] =	vst v63  }
0x2f: {  	_ =	swait.ge [sflag:s21], $0x4000  }
0x30: {  	[sflag:s21] =	ssyncset.done $0x0  }
0x31: {  	[sflag:s21] =	ssyncadd.s32 $0xFFFFC000  }
0x32: {  	[spmem:s10] =	stream.linear.scatter [tilespmem:s20], [sflag:$0x3], $0x4000, $0x38;
	[tilespmem:$0x1C100] =	vst v63  }
0x33: {  	_ =	swait.ge [sflag:s21], $0x4000  }
0x34: {  	[sflag:s21] =	ssyncset.done $0x0  }
0x35: {  	[sflag:s21] =	ssyncadd.s32 $0xFFFFC000  }
0x36: {  	[spmem:s11] =	stream.linear.scatter [tilespmem:s20], [sflag:$0x3], $0x4000, $0x38;
	[tilespmem:$0x1C100] =	vst v63  }
0x37: {  	_ =	swait.ge [sflag:s21], $0x4000  }
0x38: {  	[sflag:s21] =	ssyncset.done $0x0  }
0x39: {  	[sflag:s21] =	ssyncadd.s32 $0xFFFFC000  }
0x3a: {  	s28 =	simm.s32 $0x0;
	[bflag:$0x0] =	sbarrier.arrive $0xFFFF  }
.LBB2_4:
0x3b: {  	s0 =	sshll.u32 s28, $0x8  }
0x3c: {  	s0 =	sadd.s32 s12, s0  }
0x3d: {  	s0 =	sshrl.u32 s0, $0x3  }
0x3e: {  	s0 =	sadd.s32 s6, s0  }
0x3f: {  	[tilespmem:s2], [sflag:$0x3] =	stream.linear.gather [hbm4b:s0+s2], $0x100, $0x38;
	[tilespmem:$0x1C100] =	vst v63  }
0x40: {  	s16 =	sshll.u32 s28, $0xE;
	_ =	swait.ge [sflag:s21], $0x100  }
0x41: {  	s0 =	sadd.s32 s13, s16;
	[sflag:s21] =	ssyncset.done $0x0  }
0x42: {  	s0 =	sshrl.u32 s0, $0x3;
	[sflag:s21] =	ssyncadd.s32 $0xFFFFFF00  }
0x43: {  	[tilespmem:s20], [sflag:$0x1] =	stream.indirect.gather [hbm4b:s4+s22], $0x80, s2, s22, $0xb8;
	[tilespmem:$0x1C100] =	vst v63  }
0x44: {  	s0 =	sadd.s32 s5, s0  }
0x45: {  	[tilespmem:s23], [sflag:$0x2] =	stream.linear.gather [hbm4b:s0+s2], $0x4000, $0x38;
	[tilespmem:$0x1C100] =	vst v63  }
0x46: {  	_ =	swait.ge [sflag:s24], $0x4000  }
0x47: {  	[sflag:s24] =	ssyncset.done $0x0  }
0x48: {  	[sflag:s24] =	ssyncadd.s32 $0xFFFFC000  }
0x49: {  	_ =	swait.ge [sflag:s25], $0x4000  }
0x4a: {  	[sflag:s25] =	ssyncset.done $0x0  }
0x4b: {  	s14 =	simm.s32 $0x4180;
	[sflag:s25] =	ssyncadd.s32 $0xFFFFC000  }
0x4c: {  	s29 =	simm.s32 $0x180;
	v1 =	vld [tilespmem:s14+$0x0]  }
0x4d: {  	v2 =	vld [tilespmem:s29+$0x0];
	_ =	sdelay $0x4  }
0x4e: {  	v1 =	vadd.f32 v2, v1;
	_ =	sdelay $0x1  }
0x4f: {  	v1 =	vmax.f32 v1, $0.0e+00  }
0x50: {  	[tilespmem:s29+$0x0] =	vst v1;
	v1 =	vld [tilespmem:s29+$0x10]  }
0x51: {  	v2 =	vld [tilespmem:s14+$0x10];
	_ =	sdelay $0x3  }
0x52: {  	v3 =	vld [tilespmem:s14+$0xFFFFFF80]  }
0x53: {  	v1 =	vadd.f32 v1, v2;
	v2 =	vld [tilespmem:s29+$0xFFFFFF80];
	_ =	sdelay $0x1  }
0x54: {  	v1 =	vmax.f32 v1, $0.0e+00  }
0x55: {  	[tilespmem:s29+$0x10] =	vst v1;
	v1 =	vld [tilespmem:s29+$0x20]  }
0x56: {  	v4 =	vld [tilespmem:s14+$0x20]  }
0x57: {  	s31 =	simm.s32 $0x4280;
	v5 =	vld [tilespmem:s29+$0xFFFFFFA0];
	v2 =	vadd.f32 v2, v3  }
0x58: {  	v7 =	vld [tilespmem:s31+$0x0]  }
0x59: {  	v8 =	vld [tilespmem:s29+$0xFFFFFFC0];
	v2 =	vmax.f32 v2, $0.0e+00  }
0x5a: {  	v3 =	vld [tilespmem:s29+$0xFFFFFF90];
	[tilespmem:s29+$0xFFFFFF80] =	vst v2  }
0x5b: {  	v1 =	vadd.f32 v1, v4;
	v2 =	vld [tilespmem:s14+$0xFFFFFF90]  }
0x5c: {  	v9 =	vld [tilespmem:s29+$0xFFFFFFD0]  }
0x5d: {  	v10 =	vld [tilespmem:s29+$0x40];
	v1 =	vmax.f32 v1, $0.0e+00  }
0x5e: {  	[tilespmem:s29+$0x20] =	vst v1;
	v1 =	vld [tilespmem:s29+$0x30]  }
0x5f: {  	s30 =	simm.s32 $0x280;
	v6 =	vld [tilespmem:s14+$0x30]  }
0x60: {  	v11 =	vld [tilespmem:s30+$0x10];
	v2 =	vadd.f32 v3, v2  }
0x61: {  	v3 =	vld [tilespmem:s30+$0x0]  }
0x62: {  	s3 =	simm.s32 $0x380;
	v13 =	vld [tilespmem:s29+$0xFFFFFFE0];
	v2 =	vmax.f32 v2, $0.0e+00  }
0x63: {  	v17 =	vld [tilespmem:s3+$0xFFFFFF80];
	[tilespmem:s29+$0xFFFFFF90] =	vst v2  }
0x64: {  	v1 =	vadd.f32 v1, v6;
	v2 =	vld [tilespmem:s14+$0xFFFFFFA0]  }
0x65: {  	v6 =	vld [tilespmem:s30+$0xFFFFFF80]  }
0x66: {  	s0 =	simm.s32 $0x4380;
	v3 =	vadd.f32 v3, v7;
	v7 =	vld [tilespmem:s31+$0xFFFFFF80];
	v1 =	vmax.f32 v1, $0.0e+00  }
0x67: {  	v18 =	vld [tilespmem:s0+$0xFFFFFF80];
	[tilespmem:s29+$0x30] =	vst v1  }
0x68: {  	v1 =	vmax.f32 v3, $0.0e+00;
	v3 =	vld [tilespmem:s14+$0x40]  }
0x69: {  	v19 =	vld [tilespmem:s3+$0xFFFFFF90];
	[tilespmem:s30+$0x0] =	vst v1  }
0x6a: {  	v12 =	vld [tilespmem:s31+$0x10];
	v2 =	vadd.f32 v5, v2  }
0x6b: {  	v63 =	vld [tilespmem:s30+$0x60];
	v5 =	vadd.f32 v6, v7  }
0x6c: {  	v4 =	vld [tilespmem:s29+$0xFFFFFFB0];
	v2 =	vmax.f32 v2, $0.0e+00  }
0x6d: {  	v6 =	vld [tilespmem:s30+$0xFFFFFF90];
	[tilespmem:s29+$0xFFFFFFA0] =	vst v2;
	v2 =	vmax.f32 v5, $0.0e+00;
	v3 =	vadd.f32 v10, v3  }
0x6e: {  	v5 =	vld [tilespmem:s14+$0xFFFFFFB0];
	[tilespmem:s30+$0xFFFFFF80] =	vst v2  }
0x6f: {  	v10 =	vld [tilespmem:s31+$0xFFFFFF90];
	v2 =	vmax.f32 v3, $0.0e+00;
	v3 =	vadd.f32 v11, v12  }
0x70: {  	v12 =	vld [tilespmem:s30+$0x20]  }
0x71: {  	[tilespmem:s29+$0x40] =	vst v2;
	v2 =	vld [tilespmem:s29+$0x50];
	v3 =	vmax.f32 v3, $0.0e+00  }
0x72: {  	v11 =	vld [tilespmem:s14+$0x50];
	[tilespmem:s30+$0x10] =	vst v3  }
0x73: {  	v3 =	vadd.f32 v4, v5;
	v14 =	vld [tilespmem:s31+$0x20]  }
0x74: {  	v1 =	vld [tilespmem:s29+$0xFFFFFFF0]  }
0x75: {  	v7 =	vld [tilespmem:s30+$0xFFFFFFA0];
	v4 =	vadd.f32 v6, v10;
	v10 =	vmax.f32 v3, $0.0e+00  }
0x76: {  	v5 =	vld [tilespmem:s30+$0xFFFFFFB0];
	[tilespmem:s29+$0xFFFFFFB0] =	vst v10  }
0x77: {  	v2 =	vadd.f32 v2, v11;
	v11 =	vld [tilespmem:s14+$0xFFFFFFC0]  }
0x78: {  	v6 =	vld [tilespmem:s30+$0xFFFFFFC0];
	v4 =	vmax.f32 v4, $0.0e+00;
	v10 =	vadd.f32 v12, v14  }
0x79: {  	v3 =	vld [tilespmem:s30+$0xFFFFFFD0];
	[tilespmem:s30+$0xFFFFFF90] =	vst v4;
	v2 =	vmax.f32 v2, $0.0e+00  }
0x7a: {  	v4 =	vld [tilespmem:s30+$0xFFFFFFE0];
	[tilespmem:s29+$0x50] =	vst v2;
	v2 =	vmax.f32 v10, $0.0e+00  }
0x7b: {  	v14 =	vld [tilespmem:s30+$0x30];
	[tilespmem:s30+$0x20] =	vst v2  }
0x7c: {  	v8 =	vadd.f32 v8, v11;
	v15 =	vld [tilespmem:s31+$0x30]  }
0x7d: {  	v12 =	vld [tilespmem:s31+$0xFFFFFFA0]  }
0x7e: {  	v11 =	vld [tilespmem:s0+$0x0];
	v8 =	vmax.f32 v8, $0.0e+00  }
0x7f: {  	[tilespmem:s29+$0xFFFFFFC0] =	vst v8;
	v8 =	vld [tilespmem:s3+$0x0]  }
0x80: {  	v10 =	vld [tilespmem:s29+$0x60]  }
0x81: {  	v16 =	vld [tilespmem:s14+$0x60];
	v14 =	vadd.f32 v14, v15  }
0x82: {  	v2 =	vld [tilespmem:s30+$0xFFFFFFF0]  }
0x83: {  	v7 =	vadd.f32 v7, v12;
	v12 =	vld [tilespmem:s30+$0x40];
	v14 =	vmax.f32 v14, $0.0e+00  }
0x84: {  	v15 =	vld [tilespmem:s14+$0xFFFFFFD0];
	v8 =	vadd.f32 v8, v11;
	[tilespmem:s30+$0x30] =	vst v14  }
0x85: {  	v7 =	vmax.f32 v7, $0.0e+00;
	v14 =	vld [tilespmem:s31+$0x40]  }
0x86: {  	[tilespmem:s30+$0xFFFFFFA0] =	vst v7;
	v11 =	vld [tilespmem:s29+$0x70];
	v7 =	vmax.f32 v8, $0.0e+00;
	v8 =	vadd.f32 v10, v16  }
0x87: {  	v10 =	vld [tilespmem:s31+$0xFFFFFFB0]  }
0x88: {  	v16 =	vld [tilespmem:s3+$0x10];
	[tilespmem:s3+$0x0] =	vst v7;
	v7 =	vadd.f32 v17, v18;
	v8 =	vmax.f32 v8, $0.0e+00  }
0x89: {  	v17 =	vld [tilespmem:s0+$0x10];
	[tilespmem:s29+$0x60] =	vst v8  }
0x8a: {  	v7 =	vmax.f32 v7, $0.0e+00;
	v62 =	vld [tilespmem:s14+$0x70];
	v12 =	vadd.f32 v12, v14  }
0x8b: {  	[tilespmem:s3+$0xFFFFFF80] =	vst v7;
	v14 =	vld [tilespmem:s3+$0xFFFFFFA0]  }
0x8c: {  	v8 =	vld [tilespmem:s0+$0xFFFFFF90];
	v7 =	vmax.f32 v12, $0.0e+00  }
0x8d: {  	v5 =	vadd.f32 v5, v10;
	v10 =	vld [tilespmem:s30+$0x50];
	[tilespmem:s30+$0x40] =	vst v7  }
0x8e: {  	v16 =	vadd.f32 v16, v17;
	v12 =	vld [tilespmem:s31+$0x50]  }
0x8f: {  	v5 =	vmax.f32 v5, $0.0e+00;
	v17 =	vld [tilespmem:s3+$0x20]  }
0x90: {  	v9 =	vadd.f32 v9, v15;
	v7 =	vld [tilespmem:s3+$0xFFFFFFB0];
	[tilespmem:s30+$0xFFFFFFB0] =	vst v5;
	v16 =	vmax.f32 v16, $0.0e+00  }
0x91: {  	v15 =	vld [tilespmem:s31+$0xFFFFFFC0];
	[tilespmem:s3+$0x10] =	vst v16;
	v16 =	vadd.f32 v19, v8  }
0x92: {  	v5 =	vld [tilespmem:s3+$0xFFFFFFC0];
	v8 =	vmax.f32 v9, $0.0e+00  }
0x93: {  	v9 =	vld [tilespmem:s0+$0x20];
	[tilespmem:s29+$0xFFFFFFD0] =	vst v8;
	v10 =	vadd.f32 v10, v12;
	v12 =	vmax.f32 v16, $0.0e+00  }
0x94: {  	[tilespmem:s3+$0xFFFFFF90] =	vst v12;
	v12 =	vld [tilespmem:s14+$0xFFFFFFE0]  }
0x95: {  	v8 =	vld [tilespmem:s3+$0xFFFFFFD0];
	v10 =	vmax.f32 v10, $0.0e+00  }
0x96: {  	v16 =	vld [tilespmem:s0+$0xFFFFFFA0];
	[tilespmem:s30+$0x50] =	vst v10;
	v10 =	vadd.f32 v6, v15  }
0x97: {  	v20 =	vld [tilespmem:s31+$0x60]  }
0x98: {  	v15 =	vadd.f32 v17, v9;
	v6 =	vld [tilespmem:s3+$0xFFFFFFE0];
	v9 =	vmax.f32 v10, $0.0e+00  }
0x99: {  	[tilespmem:s30+$0xFFFFFFC0] =	vst v9;
	v10 =	vadd.f32 v13, v12;
	v9 =	vld [tilespmem:s3+$0xFFFFFFF0]  }
0x9a: {  	v11 =	vadd.f32 v11, v62;
	v13 =	vmax.f32 v15, $0.0e+00;
	v12 =	vld [tilespmem:s31+$0xFFFFFFD0]  }
0x9b: {  	[tilespmem:s3+$0x20] =	vst v13;
	v14 =	vadd.f32 v14, v16;
	v13 =	vld [tilespmem:s3+$0x30];
	v10 =	vmax.f32 v10, $0.0e+00  }
0x9c: {  	v11 =	vmax.f32 v11, $0.0e+00;
	v15 =	vld [tilespmem:s0+$0x30];
	v16 =	vadd.f32 v63, v20;
	[tilespmem:s29+$0xFFFFFFE0] =	vst v10  }
0x9d: {  	[tilespmem:s29+$0x70] =	vst v11;
	v10 =	vmax.f32 v14, $0.0e+00;
	v11 =	vld [tilespmem:s14+$0xFFFFFFF0]  }
0x9e: {  	s15 =	simm.s32 $0x4;
	s16 =	simm.s32 $0x4480;
	[tilespmem:s3+$0xFFFFFFA0] =	vst v10;
	v10 =	vld [tilespmem:s30+$0x70];
	s14 =	simm.s32 $0x380;
	v14 =	vmax.f32 v16, $0.0e+00  }
.LBB2_5:
0x9f: {  	v16 =	vld [tilespmem:s16+$0x0];
	v12 =	vadd.f32 v3, v12;
	[tilespmem:s30+$0x60] =	vst v14;
	v3 =	vmov v8  }
0xa0: {  	s3 =	sadd.s32 $0x100, s3;
	v8 =	vld [tilespmem:s31+$0x70]  }
0xa1: {  	s15 =	sadd.s32 $0x2, s15;
	v14 =	vld [tilespmem:s3+$0x0];
	v13 =	vadd.f32 v13, v15;
	v12 =	vmax.f32 v12, $0.0e+00  }
0xa2: {  	p0 =	slt.u32 s15, $0x7E;
	v15 =	vld [tilespmem:s3+$0xFFFFFF80];
	[tilespmem:s30+$0xFFFFFFD0] =	vst v12;
	v11 =	vadd.f32 v1, v11;
	v1 =	vmov v2;
	v2 =	vmov v9  }
0xa3: {  	v9 =	vld [tilespmem:s16+$0xFFFFFF80];
	v12 =	vmax.f32 v13, $0.0e+00  }
0xa4: {  	[tilespmem:s14+$0x30] =	vst v12;
	v12 =	vld [tilespmem:s14+$0x40];
	v11 =	vmax.f32 v11, $0.0e+00  }
0xa5: {  	v13 =	vld [tilespmem:s0+$0x40];
	v8 =	vadd.f32 v10, v8;
	[tilespmem:s29+$0xFFFFFFF0] =	vst v11;
	s29 =	smov.u32 s30;
	s30 =	smov.u32 s14;
	s14 =	smov.u32 s3  }
0xa6: {  	v10 =	vld [tilespmem:s3+$0xFFFFFF90];
	v11 =	vadd.f32 v14, v16  }
0xa7: {  	v14 =	vld [tilespmem:s3+$0xFFFFFFA0];
	v8 =	vmax.f32 v8, $0.0e+00  }
0xa8: {  	v9 =	vadd.f32 v15, v9;
	v11 =	vmax.f32 v11, $0.0e+00;
	v15 =	vld [tilespmem:s0+$0xFFFFFFB0];
	[tilespmem:s29+$0x70] =	vst v8  }
0xa9: {  	[tilespmem:s3+$0x0] =	vst v11;
	v8 =	vld [tilespmem:s3+$0x10]  }
0xaa: {  	v9 =	vmax.f32 v9, $0.0e+00;
	v11 =	vld [tilespmem:s16+$0x10];
	v12 =	vadd.f32 v12, v13  }
0xab: {  	[tilespmem:s3+$0xFFFFFF80] =	vst v9;
	v9 =	vld [tilespmem:s3+$0xFFFFFFB0]  }
0xac: {  	v13 =	vld [tilespmem:s16+$0xFFFFFF90];
	v12 =	vmax.f32 v12, $0.0e+00  }
0xad: {  	v18 =	vadd.f32 v7, v15;
	[tilespmem:s30+$0x40] =	vst v12;
	v12 =	vld [tilespmem:s30+$0x50]  }
0xae: {  	v15 =	vld [tilespmem:s0+$0x50]  }
0xaf: {  	v16 =	vld [tilespmem:s3+$0xFFFFFFC0];
	v11 =	vadd.f32 v8, v11;
	v17 =	vmax.f32 v18, $0.0e+00  }
0xb0: {  	v8 =	vld [tilespmem:s3+$0xFFFFFFD0];
	[tilespmem:s30+$0xFFFFFFB0] =	vst v17;
	v7 =	vmov v9  }
0xb1: {  	v9 =	vadd.f32 v10, v13;
	v10 =	vmax.f32 v11, $0.0e+00;
	v11 =	vld [tilespmem:s0+$0xFFFFFFC0]  }
0xb2: {  	[tilespmem:s3+$0x10] =	vst v10;
	v10 =	vld [tilespmem:s3+$0x20]  }
0xb3: {  	v9 =	vmax.f32 v9, $0.0e+00;
	v13 =	vld [tilespmem:s16+$0x20];
	v12 =	vadd.f32 v12, v15  }
0xb4: {  	[tilespmem:s3+$0xFFFFFF90] =	vst v9;
	v15 =	vld [tilespmem:s31+$0xFFFFFFE0]  }
0xb5: {  	v17 =	vld [tilespmem:s16+$0xFFFFFFA0];
	v9 =	vmax.f32 v12, $0.0e+00  }
0xb6: {  	v11 =	vadd.f32 v5, v11;
	[tilespmem:s30+$0x50] =	vst v9;
	v18 =	vld [tilespmem:s30+$0x60];
	v5 =	vmov v16  }
0xb7: {  	v16 =	vld [tilespmem:s0+$0x60]  }
0xb8: {  	v19 =	vld [tilespmem:s3+$0xFFFFFFE0];
	v10 =	vadd.f32 v10, v13;
	v11 =	vmax.f32 v11, $0.0e+00  }
0xb9: {  	v9 =	vld [tilespmem:s3+$0xFFFFFFF0];
	[tilespmem:s30+$0xFFFFFFC0] =	vst v11;
	v11 =	vadd.f32 v4, v15;
	v4 =	vmov v6  }
.Ltmp1:
0xba: {  	v20 =	vadd.f32 v14, v17;
	v10 =	vmax.f32 v10, $0.0e+00;
	v12 =	vld [tilespmem:s0+$0xFFFFFFD0];
	(pc) =	sbr.rel @p0 .LBB2_5-.Ltmp1, $4  }
0xbb: {  	[tilespmem:s3+$0x20] =	vst v10;
	v13 =	vld [tilespmem:s3+$0x30];
	v10 =	vmax.f32 v11, $0.0e+00  }
0xbc: {  	v17 =	vmax.f32 v20, $0.0e+00;
	v15 =	vld [tilespmem:s16+$0x30];
	v14 =	vadd.f32 v18, v16;
	[tilespmem:s29+$0xFFFFFFE0] =	vst v10  }
0xbd: {  	[tilespmem:s3+$0xFFFFFFA0] =	vst v17;
	v11 =	vld [tilespmem:s31+$0xFFFFFFF0];
	v6 =	vmov v19;
	s31 =	smov.u32 s0;
	s0 =	smov.u32 s16  }
0xbe: {  	s16 =	sadd.s32 $0x100, s16;
	v14 =	vmax.f32 v14, $0.0e+00;
	v10 =	vld [tilespmem:s30+$0x70]  }
0xbf: {  	v16 =	vld [tilespmem:s0+$0xFFFFFFB0];
	_ =	sdelay $0x3  }
0xc0: {  	v13 =	vadd.f32 v13, v15  }
0xc1: {  	v7 =	vadd.f32 v7, v16  }
0xc2: {  	v13 =	vmax.f32 v13, $0.0e+00  }
0xc3: {  	v55 =	vld [tilespmem:s14+$0x40];
	[tilespmem:s14+$0x30] =	vst v13;
	v7 =	vmax.f32 v7, $0.0e+00  }
0xc4: {  	v56 =	vld [tilespmem:s0+$0x40];
	[tilespmem:s14+$0xFFFFFFB0] =	vst v7  }
0xc5: {  	v7 =	vld [tilespmem:s0+$0xFFFFFFC0];
	_ =	sdelay $0x3  }
0xc6: {  	v13 =	vadd.f32 v55, v56  }
0xc7: {  	v5 =	vadd.f32 v5, v7  }
0xc8: {  	v13 =	vmax.f32 v13, $0.0e+00  }
0xc9: {  	v57 =	vld [tilespmem:s14+$0x50];
	[tilespmem:s14+$0x40] =	vst v13;
	v5 =	vmax.f32 v5, $0.0e+00  }
0xca: {  	v13 =	vld [tilespmem:s0+$0x50];
	[tilespmem:s14+$0xFFFFFFC0] =	vst v5  }
0xcb: {  	v5 =	vld [tilespmem:s0+$0xFFFFFFD0];
	_ =	sdelay $0x1  }
0xcc: {  	v3 =	vadd.f32 v3, v12;
	_ =	sdelay $0x1  }
0xcd: {  	v3 =	vmax.f32 v3, $0.0e+00;
	v7 =	vadd.f32 v57, v13  }
0xce: {  	[tilespmem:s30+$0xFFFFFFD0] =	vst v3;
	v5 =	vadd.f32 v8, v5  }
0xcf: {  	v58 =	vld [tilespmem:s31+$0xFFFFFFE0];
	v3 =	vmax.f32 v7, $0.0e+00  }
0xd0: {  	[tilespmem:s14+$0x50] =	vst v3;
	v3 =	vld [tilespmem:s14+$0x60];
	v5 =	vmax.f32 v5, $0.0e+00  }
0xd1: {  	v59 =	vld [tilespmem:s0+$0x60];
	[tilespmem:s14+$0xFFFFFFD0] =	vst v5  }
0xd2: {  	v5 =	vld [tilespmem:s0+$0xFFFFFFE0];
	_ =	sdelay $0x2  }
0xd3: {  	v4 =	vadd.f32 v4, v58  }
0xd4: {  	v3 =	vadd.f32 v3, v59  }
0xd5: {  	[tilespmem:s30+$0x60] =	vst v14;
	v61 =	vld [tilespmem:s14+$0x70];
	v4 =	vmax.f32 v4, $0.0e+00;
	v5 =	vadd.f32 v6, v5  }
0xd6: {  	v60 =	vld [tilespmem:s31+$0x70];
	[tilespmem:s30+$0xFFFFFFE0] =	vst v4;
	v3 =	vmax.f32 v3, $0.0e+00  }
0xd7: {  	v62 =	vld [tilespmem:s31+$0xFFFFFFF0];
	[tilespmem:s14+$0x60] =	vst v3;
	v3 =	vmax.f32 v5, $0.0e+00  }
0xd8: {  	v63 =	vld [tilespmem:s0+$0x70];
	[tilespmem:s14+$0xFFFFFFE0] =	vst v3  }
0xd9: {  	v3 =	vld [tilespmem:s0+$0xFFFFFFF0]  }
0xda: {  	v1 =	vadd.f32 v1, v11  }
0xdb: {  	v7 =	vadd.f32 v10, v60  }
0xdc: {  	v1 =	vmax.f32 v1, $0.0e+00;
	v2 =	vadd.f32 v2, v62  }
0xdd: {  	[tilespmem:s29+$0xFFFFFFF0] =	vst v1;
	v1 =	vmax.f32 v7, $0.0e+00;
	v4 =	vadd.f32 v61, v63  }
0xde: {  	[tilespmem:s30+$0x70] =	vst v1;
	v1 =	vmax.f32 v2, $0.0e+00;
	v2 =	vadd.f32 v9, v3  }
0xdf: {  	s28 =	sadd.s32 $0x1, s28;
	[tilespmem:s30+$0xFFFFFFF0] =	vst v1;
	v1 =	vmax.f32 v4, $0.0e+00  }
0xe0: {  	p0 =	sne.s32 s28, $0x4F;
	[tilespmem:s14+$0x70] =	vst v1;
	v1 =	vmax.f32 v2, $0.0e+00  }
.Ltmp2:
0xe1: {  	[tilespmem:s14+$0xFFFFFFF0] =	vst v1;
	(pc) =	sbr.rel @p0 .LBB2_4-.Ltmp2, $4  }
0xe2: {  	[spmem:s1] =	stream.indirect.scatter.add.f32 [tilespmem:s23], [sflag:$0x3], $0x80, s22, s22, $0xb8;
	[tilespmem:$0x1C100] =	vst v63  }
0xe3: {  	_ =	swait.ge [sflag:s21], $0x4000  }
0xe4: {  	[sflag:s21] =	ssyncset.done $0x0  }
0xe5: {  	[sflag:s21] =	ssyncadd.s32 $0xFFFFC000  }
0xe6: {  	s0 =	stileid.u32  }
0xe7: {  	[bflag:$0x0] =	sbarrier.arrive $0xFFFF;
	s0 =	sshll.u32 s0, $0x6  }
0xe8: {  	s3 =	sshrl.u32 s7, $0x3;
	s14 =	rddreg [dreg:$0x3];
	s0 =	sor.u32 $0x1C03, s0  }
0xe9: {  	[hbm:s14], [sflag:s0] =	dma.local [spmem:s3], $0x800  }
0xea: {  	_ =	swait.ge [sflag:s21], $0x800  }
0xeb: {  	[sflag:s21] =	ssyncset.done $0x0  }
0xec: {  	s15 =	sshrl.u32 s8, $0x3;
	s16 =	rddreg [dreg:$0x4];
	[sflag:s21] =	ssyncadd.s32 $0xFFFFF800  }
0xed: {  	[hbm:s16], [sflag:s0] =	dma.local [spmem:s15], $0x800  }
0xee: {  	_ =	swait.ge [sflag:s21], $0x800  }
0xef: {  	[sflag:s21] =	ssyncset.done $0x0  }
0xf0: {  	s28 =	sshrl.u32 s9, $0x3;
	s29 =	rddreg [dreg:$0x5];
	[sflag:s21] =	ssyncadd.s32 $0xFFFFF800  }
0xf1: {  	[hbm:s29], [sflag:s0] =	dma.local [spmem:s28], $0x800  }
0xf2: {  	_ =	swait.ge [sflag:s21], $0x800  }
0xf3: {  	[sflag:s21] =	ssyncset.done $0x0  }
0xf4: {  	s30 =	sshrl.u32 s10, $0x3;
	[sflag:s21] =	ssyncadd.s32 $0xFFFFF800  }
0xf5: {  	[hbm:s17], [sflag:s0] =	dma.local [spmem:s30], $0x800  }
0xf6: {  	s26 =	sadd.s32 $0x1, s26;
	_ =	swait.ge [sflag:s21], $0x800  }
0xf7: {  	p0 =	sne.s32 s26, s19;
	[sflag:s21] =	ssyncset.done $0x0  }
.Ltmp3:
0xf8: {  	s31 =	sshrl.u32 s11, $0x3;
	[sflag:s21] =	ssyncadd.s32 $0xFFFFF800;
	(pc) =	sbr.rel @p0 .LBB2_1-.Ltmp3, $4  }
0xf9: {  	[hbm:s18], [sflag:s0] =	dma.local [spmem:s31], $0x800  }
0xfa: {  	_ =	swait.ge [sflag:s21], $0x800  }
0xfb: {  	[sflag:s21] =	ssyncset.done $0x0  }
0xfc: {  	[sflag:s21] =	ssyncadd.s32 $0xFFFFF800  }
0xfd: {  	_ =	sfence.sel $0x180000  }
0xfe: {  	[bflag:$0x0] =	sbarrier.arrive $0xFFFF  }
0xff: {  	_ =	strace $0x9000004A  }
0x100: {  	s0 =	stileid.u32;
	[bflag:$0x2] =	sbarrier.arrive $0xFFFF  }
0x101: {  	p0 =	sne.s32 s0, $0x0;
	s0 =	rddreg [dreg:$0x2]  }
0x102: {  	s0 =	sadd.s32 @!p0 $0x100000, s0  }
0x103: {  	[sflag:s0] =	ssyncadd.tile.s32 @!p0 $0x1;
	_ =	shalt  }
.Lfunc_end2:
_tile_overlayer_lowered:
.L_overlay_start_2:
0x104: {  	(tag) =	ssettag $0x2  }
0x105: {  	s0 =	rddreg [dreg:$0x0];
	s2 =	stileid.u32  }
0x106: {  	s1 =	rddreg [dreg:$0x1];
	p0 =	sne.s32 s2, $0x0  }
0x107: {  	s3 =	rddreg [dreg:$0x2];
	[bflag:$0x3] =	sbarrier.arrive $0xFFFF;
	s2 =	simm.s32 @!p0 $0x1C03  }
0x108: {  	[timem:s3], [sflag:s2] =	dma.local @!p0 [hbm:s0], s1  }
0x109: {  	s0 =	simm.s32 @!p0 $0x3  }
0x10a: {  	_ =	swait.ge @!p0 [sflag:s0], s1  }
0x10b: {  	s1 =	ssub.s32 @!p0 $0x0, s1;
	[sflag:s0] =	ssyncset.done @!p0 $0x0  }
0x10c: {  	[sflag:s0] =	ssyncadd.s32 @!p0 s1  }
0x10d: {  	[bflag:$0x3] =	sbarrier.arrive $0xFFFF  }
0x10e: {  	_ =	shalt  }

// kernel: kernel.18.cloned.1.call-start
scs
__scs_entry_jumppad:
0x0: {  	(pc) =	sbr.rel $0x88, $3  }
0x1: {  	(tag) =	ssettag $0x0;
	lr =	simm.s32 $0x1  }
0x2: {  	[smem:$0x3F8A] =	sst lr;
	_ =	strace $0xD0000000  }
0x3: {  	_ = 	snop  }
0x4: {  	_ = 	snop  }
0x5: {  	_ = 	snop  }
0x6: {  	_ = 	snop  }
0x7: {  	_ = 	snop  }
__scs_overlays_trampoline_lowered:
0x8: {  	[smem:$0x3F99] =	sst s0  }
0x9: {  	[smem:$0x3F9A] =	sst s1  }
0xa: {  	[smem:$0x3F9B] =	sst s2  }
0xb: {  	[smem:$0x3F9C] =	sst s3  }
0xc: {  	[smem:$0x3F9D] =	sst s4  }
0xd: {  	[smem:$0x3F9E] =	sst s5  }
0xe: {  	[smem:$0x3F9F] =	sst s6  }
0xf: {  	[smem:$0x3FA0] =	sst s7  }
0x10: {  	[smem:$0x3FA1] =	sst s8  }
0x11: {  	[smem:$0x3FA2] =	sst s9;
	s0 =	simm.s32 @!p0 $0x0  }
0x12: {  	s1 =	sld [smem:$0x3F88];
	s0 =	simm.s32 @p0 $0x1  }
0x13: {  	[smem:$0x3FA3] =	sst s0;
	s0 =	simm.s32 @!p1 $0x0  }
0x14: {  	s2 =	sld [smem:$0x3F87];
	s0 =	simm.s32 @p1 $0x1  }
0x15: {  	[smem:$0x3FA4] =	sst s0;
	s0 =	simm.s32 @!p2 $0x0  }
0x16: {  	s3 =	sld [smem:$0x3FDB];
	s0 =	simm.s32 @p2 $0x1  }
0x17: {  	s4 =	simm.s32 $0x1BF5;
	[smem:$0x3FA6] =	sst s0  }
0x18: {  	s0 =	sld [smem:$0x3F89];
	_ =	swait.ge [sflag:s4], $0x0  }
0x19: {  	s7 =	sld [smem:$0x3F8A]  }
0x1a: {  	s8 =	sadd.s32 $0xFFFFE003, lr  }
0x1b: {  	s9 =	sadd.s32 $0xFFFFFEF7, lr;
	s5 =	simm.s32 $0xFFFFFFFF;
	p2 =	slt.u32 s8, $0xFFFFF086  }
0x1c: {  	p1 =	slt.u32 s9, $0xF7A;
	s5 =	simm.s32 @!p2 $0x0  }
0x1d: {  	s5 =	simm.s32 @p1 $0x1;
	p0 =	seq.s32 s7, s2  }
0x1e: {  	s7 =	smul.u32 @!p0 $0xF7A, s2;
	p2 =	seq.s32 @!p0 s5, $0x0  }
0x1f: {  	s9 =	smul.u32 $0xF7A, s1;
	s8 =	simm.s32 @!p0 $0x1BF5;
	p2 =	por !p2, p0  }
0x20: {  	[sflag:s8] =	ssyncset.s32 @!p0 $0xFFFFF086;
	s6 =	sadd.s32 @!p0 s3, s7;
	s7 =	simm.s32 @!p0 $0x108  }
0x21: {  	s3 =	sadd.s32 s3, s9;
	s6 =	sadd.s32 @!p0 $0x88, s6;
	s7 =	simm.s32 @p2 $0x1082  }
0x22: {  	[simem:s7], [sflag:s8] =	dma.local @!p0 [hbm:s6], $0xF7A  }
0x23: {  	s9 =	sor.u32 $0xD0000000, s2;
	s6 =	simm.s32 $0x108;
	_ =	swait.ge @!p0 [sflag:s8], $0x0  }
0x24: {  	s3 =	sadd.s32 $0x88, s3;
	s6 =	simm.s32 @!p1 $0x1082;
	[sflag:s4] =	ssyncset.s32 $0xFFFFF086  }
0x25: {  	[simem:s6], [sflag:s4] =	dma.local [hbm:s3], $0xF7A  }
0x26: {  	[smem:$0x3F8A] =	sst s1;
	(tag) =	ssettag s2;
	_ =	strace s9  }
0x27: {  	s1 =	sld [smem:$0x3F9A]  }
0x28: {  	s2 =	sld [smem:$0x3F9B]  }
0x29: {  	s4 =	sld [smem:$0x3F9D]  }
0x2a: {  	p0 =	seq.s32 s5, $0x0;
	s5 =	sld [smem:$0x3F9E]  }
0x2b: {  	s6 =	sld [smem:$0x3F9F]  }
0x2c: {  	s7 =	sld [smem:$0x3FA0]  }
0x2d: {  	s3 =	simm.s32 $0x108;
	s8 =	sld [smem:$0x3FA1]  }
0x2e: {  	s3 =	simm.s32 @!p0 $0x1082;
	s9 =	sld [smem:$0x3FA2]  }
0x2f: {  	lr =	sadd.s32 s0, s3;
	s0 =	sld [smem:$0x3F99]  }
0x30: {  	s3 =	sld [smem:$0x3F9C]  }
0x31: {  	[smem:$0x3FA5] =	sst s10  }
0x32: {  	s10 =	sld [smem:$0x3FA3];
	_ =	sdelay $0x3  }
0x33: {  	p0 =	seq.s32 s10, $0x1;
	s10 =	sld [smem:$0x3FA5];
	_ =	sdelay $0x3  }
0x34: {  	[smem:$0x3FA5] =	sst s10  }
0x35: {  	s10 =	sld [smem:$0x3FA4];
	_ =	sdelay $0x3  }
0x36: {  	p1 =	seq.s32 s10, $0x1;
	s10 =	sld [smem:$0x3FA5];
	_ =	sdelay $0x3  }
0x37: {  	[smem:$0x3FA5] =	sst s10  }
0x38: {  	s10 =	sld [smem:$0x3FA6]  }
0x39: {  	_ = 	snop;
	(pc) =	sbr.ind lr, $3  }
0x3a: {  	_ = 	snop  }
0x3b: {  	_ = 	snop  }
0x3c: {  	p2 =	seq.s32 s10, $0x1;
	s10 =	sld [smem:$0x3FA5]  }
0x3d: {  	_ =	shalt  }
0x3e: {  	_ =	shalt  }
0x3f: {  	_ =	shalt  }
0x40: {  	_ =	shalt  }
0x41: {  	_ =	shalt  }
0x42: {  	_ =	shalt  }
0x43: {  	_ =	shalt  }
0x44: {  	_ =	shalt  }
0x45: {  	_ =	shalt  }
0x46: {  	_ =	shalt  }
0x47: {  	_ =	shalt  }
0x48: {  	_ =	shalt  }
0x49: {  	_ =	shalt  }
0x4a: {  	_ =	shalt  }
0x4b: {  	_ =	shalt  }
0x4c: {  	_ =	shalt  }
0x4d: {  	_ =	shalt  }
0x4e: {  	_ =	shalt  }
0x4f: {  	_ =	shalt  }
0x50: {  	_ =	shalt  }
0x51: {  	_ =	shalt  }
0x52: {  	_ =	shalt  }
0x53: {  	_ =	shalt  }
0x54: {  	_ =	shalt  }
0x55: {  	_ =	shalt  }
0x56: {  	_ =	shalt  }
0x57: {  	_ =	shalt  }
0x58: {  	_ =	shalt  }
0x59: {  	_ =	shalt  }
0x5a: {  	_ =	shalt  }
0x5b: {  	_ =	shalt  }
0x5c: {  	_ =	shalt  }
0x5d: {  	_ =	shalt  }
0x5e: {  	_ =	shalt  }
0x5f: {  	_ =	shalt  }
0x60: {  	_ =	shalt  }
0x61: {  	_ =	shalt  }
0x62: {  	_ =	shalt  }
0x63: {  	_ =	shalt  }
0x64: {  	_ =	shalt  }
0x65: {  	_ =	shalt  }
0x66: {  	_ =	shalt  }
0x67: {  	_ =	shalt  }
0x68: {  	_ =	shalt  }
0x69: {  	_ =	shalt  }
0x6a: {  	_ =	shalt  }
0x6b: {  	_ =	shalt  }
0x6c: {  	_ =	shalt  }
0x6d: {  	_ =	shalt  }
0x6e: {  	_ =	shalt  }
0x6f: {  	_ =	shalt  }
0x70: {  	_ =	shalt  }
0x71: {  	_ =	shalt  }
0x72: {  	_ =	shalt  }
0x73: {  	_ =	shalt  }
0x74: {  	_ =	shalt  }
0x75: {  	_ =	shalt  }
0x76: {  	_ =	shalt  }
0x77: {  	_ =	shalt  }
0x78: {  	_ =	shalt  }
0x79: {  	_ =	shalt  }
0x7a: {  	_ =	shalt  }
0x7b: {  	_ =	shalt  }
0x7c: {  	_ =	shalt  }
0x7d: {  	_ =	shalt  }
0x7e: {  	_ =	shalt  }
0x7f: {  	_ =	shalt  }
0x80: {  	_ =	shalt  }
0x81: {  	_ =	shalt  }
0x82: {  	_ =	shalt  }
0x83: {  	_ =	shalt  }
0x84: {  	_ =	shalt  }
0x85: {  	_ =	shalt  }
0x86: {  	_ =	shalt  }
0x87: {  	_ =	shalt  }
.Lfunc_end0:
.L_simem_size_0:
called_computation.2_lowered:
.L_overlay_start_0:
0x88: {  	s2 =	sld [smem:$0x3FD9]  }
0x89: {  	s3 =	sld [smem:$0x3FFE];
	_ =	sdelay $0x1  }
0x8a: {  	s1 =	srdreg.scid  }
0x8b: {  	s0 =	sand.u32 $0x1, s1  }
0x8c: {  	s16 =	sshll.u32 s0, $0xA;
	s2 =	sadd.s32 s3, s2  }
0x8d: {  	s2 =	sadd.s32 s2, s16  }
0x8e: {  	[smem:$0x3FB1] =	sst s2  }
0x8f: {  	_ = 	snop  }
0x90: {  	(tm) =	ssettm $0x1  }
0x91: {  	s17 =	sld [smem:$0x3FFB];
	_ =	sdelay $0x3  }
0x92: {  	_ =	strace s17  }
0x93: {  	s2 =	sld [smem:$0x3FFC];
	_ =	sdelay $0x3  }
0x94: {  	_ =	strace s2  }
0x95: {  	s2 =	sld [smem:$0x3FFD];
	_ =	sdelay $0x3  }
0x96: {  	_ =	strace s2  }
0x97: {  	_ =	strace $0x8FFFFFFF  }
0x98: {  	s18 =	sld [smem:$0x3FDB];
	_ =	sdelay $0x1  }
0x99: {  	s19 =	simm.s32 $_scs_section_size  }
0x9a: {  	s4 =	simm.s32 $_size__tile_overlayer_lowered;
	s5 =	simm.s32 $_tile_overlayer_lowered  }
0x9b: {  	s22 =	simm.s32 $0x1BFF;
	s21 =	sshll.u32 s5, $0x1;
	s2 =	sadd.s32 s19, s18  }
0x9c: {  	s6 =	simm.s32 $0x0;
	s20 =	sshll.u32 s4, $0x1;
	s4 =	sadd.s32 s21, s2  }
0x9d: {  	[timem:s6], [sflag:s22] =	dma.local [hbm:s4], s20  }
0x9e: {  	_ =	swait.ge [sflag:s22], s20  }
0x9f: {  	s3 =	ssub.s32 $0x0, s20;
	[sflag:s22] =	ssyncset.done $0x0  }
0xa0: {  	[sflag:s22] =	ssyncadd.s32 s3;
	_ =	sdelay $0x1  }
0xa1: {  	s23 =	simm.s32 $0x1B8B  }
0xa2: {  	_ =	swait.ge [sflag:s23], $0x1  }
0xa3: {  	[sflag:s23] =	ssyncset.done $0x0  }
0xa4: {  	s25 =	simm.s32 $0x1B8E;
	s24 =	sld [smem:$0x3FFE];
	[sflag:s23] =	ssyncadd.s32 $0xFFFFFFFF  }
0xa5: {  	s26 =	simm.s32 $execute0_lowered;
	[smem:$0x3FD2] =	sst s25  }
0xa6: {  	s4 =	sshll.u32 s26, $0x1;
	_ =	strace $0x8000004C;
	[dreg:$0x1] =	wrdreg $0xFFFFFFFF  }
0xa7: {  	s28 =	simm.s32 $_size_execute0_lowered;
	s2 =	sadd.s32 s2, s4;
	[dreg:$0x0] =	wrdreg $0x0  }
0xa8: {  	s4 =	sshll.u32 s28, $0x1;
	[dreg:$0x2] =	wrdreg s2  }
0xa9: {  	[dreg:$0x3] =	wrdreg s4  }
0xaa: {  	[dreg:$0x4] =	wrdreg $0xC0  }
0xab: {  	_ =	task [dreg:s6], $0x5FFFF  }
0xac: {  	[dreg:$0x1] =	wrdreg $0xFFFFFFFF  }
0xad: {  	[dreg:$0x0] =	wrdreg $0x60  }
0xae: {  	[dreg:$0x2] =	wrdreg s24  }
0xaf: {  	[dreg:$0x3] =	wrdreg $0x81000  }
0xb0: {  	[dreg:$0x4] =	wrdreg $0x9  }
0xb1: {  	_ =	task.clear_ibuf [dreg:s6], $0x5FFFF;
	_ =	strace $0x9000004C  }
0xb2: {  	s29 =	simm.s32 $0x9;
	_ =	strace $0x8000004E  }
0xb3: {  	_ =	swait.ge [sflag:s29], $0x1  }
0xb4: {  	[sflag:s29] =	ssyncadd.s32 $0xFFFFFFFF  }
0xb5: {  	_ =	strace $0x9000004E  }
0xb6: {  	_ =	sfence  }
0xb7: {  	s30 =	sld [smem:$0x0];
	_ =	sdelay $0x2  }
0xb8: {  	s31 =	sshll.u32 s1, $0xD;
	s1 =	sshrl.u32 s1, $0x2  }
0xb9: {  	s3 =	sand.u32 $0x4000, s31;
	s1 =	sadd.s32 s1, s30  }
0xba: {  	s0 =	sor.u32 s3, s0;
	s1 =	sshll.u32 s1, $0x11  }
0xbb: {  	s0 =	sor.u32 s1, s0  }
0xbc: {  	s0 =	sadd.s32 $0x8F2B, s0  }
0xbd: {  	[sflag:s0] =	ssyncadd.remote.s32 $0x1  }
0xbe: {  	_ =	sfence.sel $0xFFFF  }
0xbf: {  	[dreg:$0x0] =	wrdreg $0xFFFFFFFF;
	(pc) =	sbr.abs _section_cstart, $3  }
0xc0: {  	[dreg:$0x1] =	wrdreg $0xFFFFFFFF  }
0xc1: {  	_ =	task.clear_ibuf [dreg:s6], $0x2FFFF;
	_ =	strace $0x9FFFFFFF  }
0xc2: {  	(tm) =	ssettm $0x7FFFFFFF  }
0xc3: {  	_ =	shalt  }
tec
execute0_lowered:
.L_overlay_start_1:
0x0: {  	(tag) =	ssettag $0x1  }
0x1: {  	s0 =	rddreg [dreg:$0x0]  }
0x2: {  	s1 =	rddreg [dreg:$0x1];
	s2 =	simm.s32 $0x0;
	s3 =	srdreg.scid  }
0x3: {  	s10 =	stileid.u32;
	s20 =	simm.s32 $0x4100;
	s21 =	simm.s32 $0x3  }
0x4: {  	s22 =	simm.s32 $0x80;
	s23 =	simm.s32 $0x100;
	s24 =	simm.s32 $0x1  }
0x5: {  	s25 =	simm.s32 $0x2;
	s26 =	simm.s32 $0x0;
	[smem:$0x7FF] =	sst s2  }
0x6: {  	s4 =	sadd.s32 $0x4000, s0;
	s5 =	sadd.s32 $0x9E9C00, s0;
	s3 =	sand.u32 $0x1, s3  }
0x7: {  	s6 =	sadd.s32 $0x4E6000, s0;
	s8 =	smul.u32 $0x50000, s10;
	s0 =	sadd.s32 $0x2B200, s0  }
0x8: {  	s12 =	smul.u32 $0x14000, s10;
	_ =	strace $0x8000004D;
	s7 =	ssub.s32 $0x2, s3  }
0x9: {  	s29 =	sshll.u32 s3, $0x4;
	s3 =	smul.u32 $0x140000, s3;
	s9 =	sshrl.u32 s7, $0x1  }
0xa: {  	s8 =	sshrl.u32 s8, $0x2;
	s13 =	sor.u32 s10, s29;
	s15 =	sadd.s32 $0x4000, s12  }
0xb: {  	s16 =	sadd.s32 $0x8000, s12;
	s17 =	sadd.s32 $0xC000, s12;
	s18 =	sadd.s32 $0x10000, s12  }
0xc: {  	s14 =	ssub.s32 s7, s9;
	s7 =	sadd.s32 s8, s1;
	s8 =	sadd.s32 s15, s1  }
0xd: {  	s9 =	sadd.s32 s16, s1;
	s10 =	sadd.s32 s17, s1;
	s11 =	sadd.s32 s18, s1  }
0xe: {  	s19 =	sadd.s32 s12, s3;
	s12 =	smul.u32 $0x4F00, s13;
	s15 =	sadd.s32 s3, s15  }
0xf: {  	s13 =	smul.u32 $0x13C000, s13;
	s30 =	sadd.s32 s3, s16;
	s31 =	sadd.s32 s3, s17  }
0x10: {  	s3 =	sadd.s32 s3, s18;
	s19 =	sshrl.u32 s19, $0x3;
	s15 =	sshrl.u32 s15, $0x3  }
0x11: {  	s16 =	sshrl.u32 s31, $0x3;
	s3 =	sshrl.u32 s3, $0x3;
	s15 =	sadd.s32 s0, s15  }
0x12: {  	s19 =	sadd.s32 s0, s19;
	[dreg:$0x4] =	wrdreg s15;
	s15 =	sshrl.u32 s30, $0x3  }
0x13: {  	s17 =	sadd.s32 s0, s16;
	[dreg:$0x3] =	wrdreg s19;
	s15 =	sadd.s32 s0, s15  }
0x14: {  	v0 =	vimm.f32 $0.0e+00;
	s18 =	sadd.s32 s0, s3;
	s19 =	smax.u32 s14, $0x1;
	[dreg:$0x5] =	wrdreg s15  }
.LBB2_1:
0x15: {  	s0 =	simm.s32 $0x0;
	s3 =	simm.s32 $0x200  }
.LBB2_2:
0x16: {  	p0 =	sne.s32 s3, $0xFE00;
	[tilespmem:s0+$0x4170] =	vst v0  }
0x17: {  	[tilespmem:s0+$0x4100] =	vst v0  }
0x18: {  	[tilespmem:s0+$0x4110] =	vst v0  }
.Ltmp0:
0x19: {  	[tilespmem:s0+$0x4120] =	vst v0;
	(pc) =	sbr.rel @p0 .LBB2_2-.Ltmp0, $4  }
0x1a: {  	[tilespmem:s0+$0x4130] =	vst v0  }
0x1b: {  	[tilespmem:s0+$0x4140] =	vst v0  }
0x1c: {  	[tilespmem:s0+$0x4150] =	vst v0  }
0x1d: {  	[tilespmem:s0+$0x4160] =	vst v0;
	s0 =	sshra.s32 s3, $0x2;
	s3 =	sadd.s32 $0x200, s3  }
0x1e: {  	[tilespmem:s0+$0x4170] =	vst v0  }
0x1f: {  	[tilespmem:s0+$0x4100] =	vst v0  }
0x20: {  	[tilespmem:s0+$0x4110] =	vst v0  }
0x21: {  	[tilespmem:s0+$0x4120] =	vst v0  }
0x22: {  	[tilespmem:s0+$0x4130] =	vst v0  }
0x23: {  	[tilespmem:s0+$0x4140] =	vst v0  }
0x24: {  	[tilespmem:s0+$0x4150] =	vst v0  }
0x25: {  	[tilespmem:s0+$0x4160] =	vst v0  }
0x26: {  	[spmem:s7] =	stream.linear.scatter [tilespmem:s20], [sflag:$0x3], $0x4000, $0x38;
	[tilespmem:$0x1C100] =	vst v63  }
0x27: {  	_ =	swait.ge [sflag:s21], $0x4000  }
0x28: {  	[sflag:s21] =	ssyncset.done $0x0  }
0x29: {  	[sflag:s21] =	ssyncadd.s32 $0xFFFFC000  }
0x2a: {  	[spmem:s8] =	stream.linear.scatter [tilespmem:s20], [sflag:$0x3], $0x4000, $0x38;
	[tilespmem:$0x1C100] =	vst v63  }
0x2b: {  	_ =	swait.ge [sflag:s21], $0x4000  }
0x2c: {  	[sflag:s21] =	ssyncset.done $0x0  }
0x2d: {  	[sflag:s21] =	ssyncadd.s32 $0xFFFFC000  }
0x2e: {  	[spmem:s9] =	stream.linear.scatter [tilespmem:s20], [sflag:$0x3], $0x4000, $0x38;
	[tilespmem:$0x1C100] =	vst v63  }
0x2f: {  	_ =	swait.ge [sflag:s21], $0x4000  }
0x30: {  	[sflag:s21] =	ssyncset.done $0x0  }
0x31: {  	[sflag:s21] =	ssyncadd.s32 $0xFFFFC000  }
0x32: {  	[spmem:s10] =	stream.linear.scatter [tilespmem:s20], [sflag:$0x3], $0x4000, $0x38;
	[tilespmem:$0x1C100] =	vst v63  }
0x33: {  	_ =	swait.ge [sflag:s21], $0x4000  }
0x34: {  	[sflag:s21] =	ssyncset.done $0x0  }
0x35: {  	[sflag:s21] =	ssyncadd.s32 $0xFFFFC000  }
0x36: {  	[spmem:s11] =	stream.linear.scatter [tilespmem:s20], [sflag:$0x3], $0x4000, $0x38;
	[tilespmem:$0x1C100] =	vst v63  }
0x37: {  	_ =	swait.ge [sflag:s21], $0x4000  }
0x38: {  	[sflag:s21] =	ssyncset.done $0x0  }
0x39: {  	[sflag:s21] =	ssyncadd.s32 $0xFFFFC000  }
0x3a: {  	s28 =	simm.s32 $0x0;
	[bflag:$0x0] =	sbarrier.arrive $0xFFFF  }
.LBB2_4:
0x3b: {  	s0 =	sshll.u32 s28, $0x8  }
0x3c: {  	s0 =	sadd.s32 s12, s0  }
0x3d: {  	s0 =	sshrl.u32 s0, $0x3  }
0x3e: {  	s0 =	sadd.s32 s6, s0  }
0x3f: {  	[tilespmem:s2], [sflag:$0x3] =	stream.linear.gather [hbm4b:s0+s2], $0x100, $0x38;
	[tilespmem:$0x1C100] =	vst v63  }
0x40: {  	s16 =	sshll.u32 s28, $0xE;
	_ =	swait.ge [sflag:s21], $0x100  }
0x41: {  	s0 =	sadd.s32 s13, s16;
	[sflag:s21] =	ssyncset.done $0x0  }
0x42: {  	s0 =	sshrl.u32 s0, $0x3;
	[sflag:s21] =	ssyncadd.s32 $0xFFFFFF00  }
0x43: {  	[tilespmem:s20], [sflag:$0x1] =	stream.indirect.gather [hbm4b:s4+s22], $0x80, s2, s22, $0xb8;
	[tilespmem:$0x1C100] =	vst v63  }
0x44: {  	s0 =	sadd.s32 s5, s0  }
0x45: {  	[tilespmem:s23], [sflag:$0x2] =	stream.linear.gather [hbm4b:s0+s2], $0x4000, $0x38;
	[tilespmem:$0x1C100] =	vst v63  }
0x46: {  	_ =	swait.ge [sflag:s24], $0x4000  }
0x47: {  	[sflag:s24] =	ssyncset.done $0x0  }
0x48: {  	[sflag:s24] =	ssyncadd.s32 $0xFFFFC000  }
0x49: {  	_ =	swait.ge [sflag:s25], $0x4000  }
0x4a: {  	[sflag:s25] =	ssyncset.done $0x0  }
0x4b: {  	s14 =	simm.s32 $0x4180;
	[sflag:s25] =	ssyncadd.s32 $0xFFFFC000  }
0x4c: {  	s29 =	simm.s32 $0x180;
	v1 =	vld [tilespmem:s14+$0x0]  }
0x4d: {  	v2 =	vld [tilespmem:s29+$0x0];
	_ =	sdelay $0x4  }
0x4e: {  	v1 =	vadd.f32 v2, v1;
	_ =	sdelay $0x1  }
0x4f: {  	v1 =	vmax.f32 v1, $0.0e+00  }
0x50: {  	[tilespmem:s29+$0x0] =	vst v1;
	v1 =	vld [tilespmem:s29+$0x10]  }
0x51: {  	v2 =	vld [tilespmem:s14+$0x10];
	_ =	sdelay $0x3  }
0x52: {  	v3 =	vld [tilespmem:s14+$0xFFFFFF80]  }
0x53: {  	v1 =	vadd.f32 v1, v2;
	v2 =	vld [tilespmem:s29+$0xFFFFFF80];
	_ =	sdelay $0x1  }
0x54: {  	v1 =	vmax.f32 v1, $0.0e+00  }
0x55: {  	[tilespmem:s29+$0x10] =	vst v1;
	v1 =	vld [tilespmem:s29+$0x20]  }
0x56: {  	v4 =	vld [tilespmem:s14+$0x20]  }
0x57: {  	s31 =	simm.s32 $0x4280;
	v5 =	vld [tilespmem:s29+$0xFFFFFFA0];
	v2 =	vadd.f32 v2, v3  }
0x58: {  	v7 =	vld [tilespmem:s31+$0x0]  }
0x59: {  	v8 =	vld [tilespmem:s29+$0xFFFFFFC0];
	v2 =	vmax.f32 v2, $0.0e+00  }
0x5a: {  	v3 =	vld [tilespmem:s29+$0xFFFFFF90];
	[tilespmem:s29+$0xFFFFFF80] =	vst v2  }
0x5b: {  	v1 =	vadd.f32 v1, v4;
	v2 =	vld [tilespmem:s14+$0xFFFFFF90]  }
0x5c: {  	v9 =	vld [tilespmem:s29+$0xFFFFFFD0]  }
0x5d: {  	v10 =	vld [tilespmem:s29+$0x40];
	v1 =	vmax.f32 v1, $0.0e+00  }
0x5e: {  	[tilespmem:s29+$0x20] =	vst v1;
	v1 =	vld [tilespmem:s29+$0x30]  }
0x5f: {  	s30 =	simm.s32 $0x280;
	v6 =	vld [tilespmem:s14+$0x30]  }
0x60: {  	v11 =	vld [tilespmem:s30+$0x10];
	v2 =	vadd.f32 v3, v2  }
0x61: {  	v3 =	vld [tilespmem:s30+$0x0]  }
0x62: {  	s3 =	simm.s32 $0x380;
	v13 =	vld [tilespmem:s29+$0xFFFFFFE0];
	v2 =	vmax.f32 v2, $0.0e+00  }
0x63: {  	v17 =	vld [tilespmem:s3+$0xFFFFFF80];
	[tilespmem:s29+$0xFFFFFF90] =	vst v2  }
0x64: {  	v1 =	vadd.f32 v1, v6;
	v2 =	vld [tilespmem:s14+$0xFFFFFFA0]  }
0x65: {  	v6 =	vld [tilespmem:s30+$0xFFFFFF80]  }
0x66: {  	s0 =	simm.s32 $0x4380;
	v3 =	vadd.f32 v3, v7;
	v7 =	vld [tilespmem:s31+$0xFFFFFF80];
	v1 =	vmax.f32 v1, $0.0e+00  }
0x67: {  	v18 =	vld [tilespmem:s0+$0xFFFFFF80];
	[tilespmem:s29+$0x30] =	vst v1  }
0x68: {  	v1 =	vmax.f32 v3, $0.0e+00;
	v3 =	vld [tilespmem:s14+$0x40]  }
0x69: {  	v19 =	vld [tilespmem:s3+$0xFFFFFF90];
	[tilespmem:s30+$0x0] =	vst v1  }
0x6a: {  	v12 =	vld [tilespmem:s31+$0x10];
	v2 =	vadd.f32 v5, v2  }
0x6b: {  	v63 =	vld [tilespmem:s30+$0x60];
	v5 =	vadd.f32 v6, v7  }
0x6c: {  	v4 =	vld [tilespmem:s29+$0xFFFFFFB0];
	v2 =	vmax.f32 v2, $0.0e+00  }
0x6d: {  	v6 =	vld [tilespmem:s30+$0xFFFFFF90];
	[tilespmem:s29+$0xFFFFFFA0] =	vst v2;
	v2 =	vmax.f32 v5, $0.0e+00;
	v3 =	vadd.f32 v10, v3  }
0x6e: {  	v5 =	vld [tilespmem:s14+$0xFFFFFFB0];
	[tilespmem:s30+$0xFFFFFF80] =	vst v2  }
0x6f: {  	v10 =	vld [tilespmem:s31+$0xFFFFFF90];
	v2 =	vmax.f32 v3, $0.0e+00;
	v3 =	vadd.f32 v11, v12  }
0x70: {  	v12 =	vld [tilespmem:s30+$0x20]  }
0x71: {  	[tilespmem:s29+$0x40] =	vst v2;
	v2 =	vld [tilespmem:s29+$0x50];
	v3 =	vmax.f32 v3, $0.0e+00  }
0x72: {  	v11 =	vld [tilespmem:s14+$0x50];
	[tilespmem:s30+$0x10] =	vst v3  }
0x73: {  	v3 =	vadd.f32 v4, v5;
	v14 =	vld [tilespmem:s31+$0x20]  }
0x74: {  	v1 =	vld [tilespmem:s29+$0xFFFFFFF0]  }
0x75: {  	v7 =	vld [tilespmem:s30+$0xFFFFFFA0];
	v4 =	vadd.f32 v6, v10;
	v10 =	vmax.f32 v3, $0.0e+00  }
0x76: {  	v5 =	vld [tilespmem:s30+$0xFFFFFFB0];
	[tilespmem:s29+$0xFFFFFFB0] =	vst v10  }
0x77: {  	v2 =	vadd.f32 v2, v11;
	v11 =	vld [tilespmem:s14+$0xFFFFFFC0]  }
0x78: {  	v6 =	vld [tilespmem:s30+$0xFFFFFFC0];
	v4 =	vmax.f32 v4, $0.0e+00;
	v10 =	vadd.f32 v12, v14  }
0x79: {  	v3 =	vld [tilespmem:s30+$0xFFFFFFD0];
	[tilespmem:s30+$0xFFFFFF90] =	vst v4;
	v2 =	vmax.f32 v2, $0.0e+00  }
0x7a: {  	v4 =	vld [tilespmem:s30+$0xFFFFFFE0];
	[tilespmem:s29+$0x50] =	vst v2;
	v2 =	vmax.f32 v10, $0.0e+00  }
0x7b: {  	v14 =	vld [tilespmem:s30+$0x30];
	[tilespmem:s30+$0x20] =	vst v2  }
0x7c: {  	v8 =	vadd.f32 v8, v11;
	v15 =	vld [tilespmem:s31+$0x30]  }
0x7d: {  	v12 =	vld [tilespmem:s31+$0xFFFFFFA0]  }
0x7e: {  	v11 =	vld [tilespmem:s0+$0x0];
	v8 =	vmax.f32 v8, $0.0e+00  }
0x7f: {  	[tilespmem:s29+$0xFFFFFFC0] =	vst v8;
	v8 =	vld [tilespmem:s3+$0x0]  }
0x80: {  	v10 =	vld [tilespmem:s29+$0x60]  }
0x81: {  	v16 =	vld [tilespmem:s14+$0x60];
	v14 =	vadd.f32 v14, v15  }
0x82: {  	v2 =	vld [tilespmem:s30+$0xFFFFFFF0]  }
0x83: {  	v7 =	vadd.f32 v7, v12;
	v12 =	vld [tilespmem:s30+$0x40];
	v14 =	vmax.f32 v14, $0.0e+00  }
0x84: {  	v15 =	vld [tilespmem:s14+$0xFFFFFFD0];
	v8 =	vadd.f32 v8, v11;
	[tilespmem:s30+$0x30] =	vst v14  }
0x85: {  	v7 =	vmax.f32 v7, $0.0e+00;
	v14 =	vld [tilespmem:s31+$0x40]  }
0x86: {  	[tilespmem:s30+$0xFFFFFFA0] =	vst v7;
	v11 =	vld [tilespmem:s29+$0x70];
	v7 =	vmax.f32 v8, $0.0e+00;
	v8 =	vadd.f32 v10, v16  }
0x87: {  	v10 =	vld [tilespmem:s31+$0xFFFFFFB0]  }
0x88: {  	v16 =	vld [tilespmem:s3+$0x10];
	[tilespmem:s3+$0x0] =	vst v7;
	v7 =	vadd.f32 v17, v18;
	v8 =	vmax.f32 v8, $0.0e+00  }
0x89: {  	v17 =	vld [tilespmem:s0+$0x10];
	[tilespmem:s29+$0x60] =	vst v8  }
0x8a: {  	v7 =	vmax.f32 v7, $0.0e+00;
	v62 =	vld [tilespmem:s14+$0x70];
	v12 =	vadd.f32 v12, v14  }
0x8b: {  	[tilespmem:s3+$0xFFFFFF80] =	vst v7;
	v14 =	vld [tilespmem:s3+$0xFFFFFFA0]  }
0x8c: {  	v8 =	vld [tilespmem:s0+$0xFFFFFF90];
	v7 =	vmax.f32 v12, $0.0e+00  }
0x8d: {  	v5 =	vadd.f32 v5, v10;
	v10 =	vld [tilespmem:s30+$0x50];
	[tilespmem:s30+$0x40] =	vst v7  }
0x8e: {  	v16 =	vadd.f32 v16, v17;
	v12 =	vld [tilespmem:s31+$0x50]  }
0x8f: {  	v5 =	vmax.f32 v5, $0.0e+00;
	v17 =	vld [tilespmem:s3+$0x20]  }
0x90: {  	v9 =	vadd.f32 v9, v15;
	v7 =	vld [tilespmem:s3+$0xFFFFFFB0];
	[tilespmem:s30+$0xFFFFFFB0] =	vst v5;
	v16 =	vmax.f32 v16, $0.0e+00  }
0x91: {  	v15 =	vld [tilespmem:s31+$0xFFFFFFC0];
	[tilespmem:s3+$0x10] =	vst v16;
	v16 =	vadd.f32 v19, v8  }
0x92: {  	v5 =	vld [tilespmem:s3+$0xFFFFFFC0];
	v8 =	vmax.f32 v9, $0.0e+00  }
0x93: {  	v9 =	vld [tilespmem:s0+$0x20];
	[tilespmem:s29+$0xFFFFFFD0] =	vst v8;
	v10 =	vadd.f32 v10, v12;
	v12 =	vmax.f32 v16, $0.0e+00  }
0x94: {  	[tilespmem:s3+$0xFFFFFF90] =	vst v12;
	v12 =	vld [tilespmem:s14+$0xFFFFFFE0]  }
0x95: {  	v8 =	vld [tilespmem:s3+$0xFFFFFFD0];
	v10 =	vmax.f32 v10, $0.0e+00  }
0x96: {  	v16 =	vld [tilespmem:s0+$0xFFFFFFA0];
	[tilespmem:s30+$0x50] =	vst v10;
	v10 =	vadd.f32 v6, v15  }
0x97: {  	v20 =	vld [tilespmem:s31+$0x60]  }
0x98: {  	v15 =	vadd.f32 v17, v9;
	v6 =	vld [tilespmem:s3+$0xFFFFFFE0];
	v9 =	vmax.f32 v10, $0.0e+00  }
0x99: {  	[tilespmem:s30+$0xFFFFFFC0] =	vst v9;
	v10 =	vadd.f32 v13, v12;
	v9 =	vld [tilespmem:s3+$0xFFFFFFF0]  }
0x9a: {  	v11 =	vadd.f32 v11, v62;
	v13 =	vmax.f32 v15, $0.0e+00;
	v12 =	vld [tilespmem:s31+$0xFFFFFFD0]  }
0x9b: {  	[tilespmem:s3+$0x20] =	vst v13;
	v14 =	vadd.f32 v14, v16;
	v13 =	vld [tilespmem:s3+$0x30];
	v10 =	vmax.f32 v10, $0.0e+00  }
0x9c: {  	v11 =	vmax.f32 v11, $0.0e+00;
	v15 =	vld [tilespmem:s0+$0x30];
	v16 =	vadd.f32 v63, v20;
	[tilespmem:s29+$0xFFFFFFE0] =	vst v10  }
0x9d: {  	[tilespmem:s29+$0x70] =	vst v11;
	v10 =	vmax.f32 v14, $0.0e+00;
	v11 =	vld [tilespmem:s14+$0xFFFFFFF0]  }
0x9e: {  	s15 =	simm.s32 $0x4;
	s16 =	simm.s32 $0x4480;
	[tilespmem:s3+$0xFFFFFFA0] =	vst v10;
	v10 =	vld [tilespmem:s30+$0x70];
	s14 =	simm.s32 $0x380;
	v14 =	vmax.f32 v16, $0.0e+00  }
.LBB2_5:
0x9f: {  	v16 =	vld [tilespmem:s16+$0x0];
	v12 =	vadd.f32 v3, v12;
	[tilespmem:s30+$0x60] =	vst v14;
	v3 =	vmov v8  }
0xa0: {  	s3 =	sadd.s32 $0x100, s3;
	v8 =	vld [tilespmem:s31+$0x70]  }
0xa1: {  	s15 =	sadd.s32 $0x2, s15;
	v14 =	vld [tilespmem:s3+$0x0];
	v13 =	vadd.f32 v13, v15;
	v12 =	vmax.f32 v12, $0.0e+00  }
0xa2: {  	p0 =	slt.u32 s15, $0x7E;
	v15 =	vld [tilespmem:s3+$0xFFFFFF80];
	[tilespmem:s30+$0xFFFFFFD0] =	vst v12;
	v11 =	vadd.f32 v1, v11;
	v1 =	vmov v2;
	v2 =	vmov v9  }
0xa3: {  	v9 =	vld [tilespmem:s16+$0xFFFFFF80];
	v12 =	vmax.f32 v13, $0.0e+00  }
0xa4: {  	[tilespmem:s14+$0x30] =	vst v12;
	v12 =	vld [tilespmem:s14+$0x40];
	v11 =	vmax.f32 v11, $0.0e+00  }
0xa5: {  	v13 =	vld [tilespmem:s0+$0x40];
	v8 =	vadd.f32 v10, v8;
	[tilespmem:s29+$0xFFFFFFF0] =	vst v11;
	s29 =	smov.u32 s30;
	s30 =	smov.u32 s14;
	s14 =	smov.u32 s3  }
0xa6: {  	v10 =	vld [tilespmem:s3+$0xFFFFFF90];
	v11 =	vadd.f32 v14, v16  }
0xa7: {  	v14 =	vld [tilespmem:s3+$0xFFFFFFA0];
	v8 =	vmax.f32 v8, $0.0e+00  }
0xa8: {  	v9 =	vadd.f32 v15, v9;
	v11 =	vmax.f32 v11, $0.0e+00;
	v15 =	vld [tilespmem:s0+$0xFFFFFFB0];
	[tilespmem:s29+$0x70] =	vst v8  }
0xa9: {  	[tilespmem:s3+$0x0] =	vst v11;
	v8 =	vld [tilespmem:s3+$0x10]  }
0xaa: {  	v9 =	vmax.f32 v9, $0.0e+00;
	v11 =	vld [tilespmem:s16+$0x10];
	v12 =	vadd.f32 v12, v13  }
0xab: {  	[tilespmem:s3+$0xFFFFFF80] =	vst v9;
	v9 =	vld [tilespmem:s3+$0xFFFFFFB0]  }
0xac: {  	v13 =	vld [tilespmem:s16+$0xFFFFFF90];
	v12 =	vmax.f32 v12, $0.0e+00  }
0xad: {  	v18 =	vadd.f32 v7, v15;
	[tilespmem:s30+$0x40] =	vst v12;
	v12 =	vld [tilespmem:s30+$0x50]  }
0xae: {  	v15 =	vld [tilespmem:s0+$0x50]  }
0xaf: {  	v16 =	vld [tilespmem:s3+$0xFFFFFFC0];
	v11 =	vadd.f32 v8, v11;
	v17 =	vmax.f32 v18, $0.0e+00  }
0xb0: {  	v8 =	vld [tilespmem:s3+$0xFFFFFFD0];
	[tilespmem:s30+$0xFFFFFFB0] =	vst v17;
	v7 =	vmov v9  }
0xb1: {  	v9 =	vadd.f32 v10, v13;
	v10 =	vmax.f32 v11, $0.0e+00;
	v11 =	vld [tilespmem:s0+$0xFFFFFFC0]  }
0xb2: {  	[tilespmem:s3+$0x10] =	vst v10;
	v10 =	vld [tilespmem:s3+$0x20]  }
0xb3: {  	v9 =	vmax.f32 v9, $0.0e+00;
	v13 =	vld [tilespmem:s16+$0x20];
	v12 =	vadd.f32 v12, v15  }
0xb4: {  	[tilespmem:s3+$0xFFFFFF90] =	vst v9;
	v15 =	vld [tilespmem:s31+$0xFFFFFFE0]  }
0xb5: {  	v17 =	vld [tilespmem:s16+$0xFFFFFFA0];
	v9 =	vmax.f32 v12, $0.0e+00  }
0xb6: {  	v11 =	vadd.f32 v5, v11;
	[tilespmem:s30+$0x50] =	vst v9;
	v18 =	vld [tilespmem:s30+$0x60];
	v5 =	vmov v16  }
0xb7: {  	v16 =	vld [tilespmem:s0+$0x60]  }
0xb8: {  	v19 =	vld [tilespmem:s3+$0xFFFFFFE0];
	v10 =	vadd.f32 v10, v13;
	v11 =	vmax.f32 v11, $0.0e+00  }
0xb9: {  	v9 =	vld [tilespmem:s3+$0xFFFFFFF0];
	[tilespmem:s30+$0xFFFFFFC0] =	vst v11;
	v11 =	vadd.f32 v4, v15;
	v4 =	vmov v6  }
.Ltmp1:
0xba: {  	v20 =	vadd.f32 v14, v17;
	v10 =	vmax.f32 v10, $0.0e+00;
	v12 =	vld [tilespmem:s0+$0xFFFFFFD0];
	(pc) =	sbr.rel @p0 .LBB2_5-.Ltmp1, $4  }
0xbb: {  	[tilespmem:s3+$0x20] =	vst v10;
	v13 =	vld [tilespmem:s3+$0x30];
	v10 =	vmax.f32 v11, $0.0e+00  }
0xbc: {  	v17 =	vmax.f32 v20, $0.0e+00;
	v15 =	vld [tilespmem:s16+$0x30];
	v14 =	vadd.f32 v18, v16;
	[tilespmem:s29+$0xFFFFFFE0] =	vst v10  }
0xbd: {  	[tilespmem:s3+$0xFFFFFFA0] =	vst v17;
	v11 =	vld [tilespmem:s31+$0xFFFFFFF0];
	v6 =	vmov v19;
	s31 =	smov.u32 s0;
	s0 =	smov.u32 s16  }
0xbe: {  	s16 =	sadd.s32 $0x100, s16;
	v14 =	vmax.f32 v14, $0.0e+00;
	v10 =	vld [tilespmem:s30+$0x70]  }
0xbf: {  	v16 =	vld [tilespmem:s0+$0xFFFFFFB0];
	_ =	sdelay $0x3  }
0xc0: {  	v13 =	vadd.f32 v13, v15  }
0xc1: {  	v7 =	vadd.f32 v7, v16  }
0xc2: {  	v13 =	vmax.f32 v13, $0.0e+00  }
0xc3: {  	v55 =	vld [tilespmem:s14+$0x40];
	[tilespmem:s14+$0x30] =	vst v13;
	v7 =	vmax.f32 v7, $0.0e+00  }
0xc4: {  	v56 =	vld [tilespmem:s0+$0x40];
	[tilespmem:s14+$0xFFFFFFB0] =	vst v7  }
0xc5: {  	v7 =	vld [tilespmem:s0+$0xFFFFFFC0];
	_ =	sdelay $0x3  }
0xc6: {  	v13 =	vadd.f32 v55, v56  }
0xc7: {  	v5 =	vadd.f32 v5, v7  }
0xc8: {  	v13 =	vmax.f32 v13, $0.0e+00  }
0xc9: {  	v57 =	vld [tilespmem:s14+$0x50];
	[tilespmem:s14+$0x40] =	vst v13;
	v5 =	vmax.f32 v5, $0.0e+00  }
0xca: {  	v13 =	vld [tilespmem:s0+$0x50];
	[tilespmem:s14+$0xFFFFFFC0] =	vst v5  }
0xcb: {  	v5 =	vld [tilespmem:s0+$0xFFFFFFD0];
	_ =	sdelay $0x1  }
0xcc: {  	v3 =	vadd.f32 v3, v12;
	_ =	sdelay $0x1  }
0xcd: {  	v3 =	vmax.f32 v3, $0.0e+00;
	v7 =	vadd.f32 v57, v13  }
0xce: {  	[tilespmem:s30+$0xFFFFFFD0] =	vst v3;
	v5 =	vadd.f32 v8, v5  }
0xcf: {  	v58 =	vld [tilespmem:s31+$0xFFFFFFE0];
	v3 =	vmax.f32 v7, $0.0e+00  }
0xd0: {  	[tilespmem:s14+$0x50] =	vst v3;
	v3 =	vld [tilespmem:s14+$0x60];
	v5 =	vmax.f32 v5, $0.0e+00  }
0xd1: {  	v59 =	vld [tilespmem:s0+$0x60];
	[tilespmem:s14+$0xFFFFFFD0] =	vst v5  }
0xd2: {  	v5 =	vld [tilespmem:s0+$0xFFFFFFE0];
	_ =	sdelay $0x2  }
0xd3: {  	v4 =	vadd.f32 v4, v58  }
0xd4: {  	v3 =	vadd.f32 v3, v59  }
0xd5: {  	[tilespmem:s30+$0x60] =	vst v14;
	v61 =	vld [tilespmem:s14+$0x70];
	v4 =	vmax.f32 v4, $0.0e+00;
	v5 =	vadd.f32 v6, v5  }
0xd6: {  	v60 =	vld [tilespmem:s31+$0x70];
	[tilespmem:s30+$0xFFFFFFE0] =	vst v4;
	v3 =	vmax.f32 v3, $0.0e+00  }
0xd7: {  	v62 =	vld [tilespmem:s31+$0xFFFFFFF0];
	[tilespmem:s14+$0x60] =	vst v3;
	v3 =	vmax.f32 v5, $0.0e+00  }
0xd8: {  	v63 =	vld [tilespmem:s0+$0x70];
	[tilespmem:s14+$0xFFFFFFE0] =	vst v3  }
0xd9: {  	v3 =	vld [tilespmem:s0+$0xFFFFFFF0]  }
0xda: {  	v1 =	vadd.f32 v1, v11  }
0xdb: {  	v7 =	vadd.f32 v10, v60  }
0xdc: {  	v1 =	vmax.f32 v1, $0.0e+00;
	v2 =	vadd.f32 v2, v62  }
0xdd: {  	[tilespmem:s29+$0xFFFFFFF0] =	vst v1;
	v1 =	vmax.f32 v7, $0.0e+00;
	v4 =	vadd.f32 v61, v63  }
0xde: {  	[tilespmem:s30+$0x70] =	vst v1;
	v1 =	vmax.f32 v2, $0.0e+00;
	v2 =	vadd.f32 v9, v3  }
0xdf: {  	s28 =	sadd.s32 $0x1, s28;
	[tilespmem:s30+$0xFFFFFFF0] =	vst v1;
	v1 =	vmax.f32 v4, $0.0e+00  }
0xe0: {  	p0 =	sne.s32 s28, $0x4F;
	[tilespmem:s14+$0x70] =	vst v1;
	v1 =	vmax.f32 v2, $0.0e+00  }
.Ltmp2:
0xe1: {  	[tilespmem:s14+$0xFFFFFFF0] =	vst v1;
	(pc) =	sbr.rel @p0 .LBB2_4-.Ltmp2, $4  }
0xe2: {  	[spmem:s1] =	stream.indirect.scatter.add.f32 [tilespmem:s23], [sflag:$0x3], $0x80, s22, s22, $0xb8;
	[tilespmem:$0x1C100] =	vst v63  }
0xe3: {  	_ =	swait.ge [sflag:s21], $0x4000  }
0xe4: {  	[sflag:s21] =	ssyncset.done $0x0  }
0xe5: {  	[sflag:s21] =	ssyncadd.s32 $0xFFFFC000  }
0xe6: {  	s0 =	stileid.u32  }
0xe7: {  	[bflag:$0x0] =	sbarrier.arrive $0xFFFF;
	s0 =	sshll.u32 s0, $0x6  }
0xe8: {  	s3 =	sshrl.u32 s7, $0x3;
	s14 =	rddreg [dreg:$0x3];
	s0 =	sor.u32 $0x1C03, s0  }
0xe9: {  	[hbm:s14], [sflag:s0] =	dma.local [spmem:s3], $0x800  }
0xea: {  	_ =	swait.ge [sflag:s21], $0x800  }
0xeb: {  	[sflag:s21] =	ssyncset.done $0x0  }
0xec: {  	s15 =	sshrl.u32 s8, $0x3;
	s16 =	rddreg [dreg:$0x4];
	[sflag:s21] =	ssyncadd.s32 $0xFFFFF800  }
0xed: {  	[hbm:s16], [sflag:s0] =	dma.local [spmem:s15], $0x800  }
0xee: {  	_ =	swait.ge [sflag:s21], $0x800  }
0xef: {  	[sflag:s21] =	ssyncset.done $0x0  }
0xf0: {  	s28 =	sshrl.u32 s9, $0x3;
	s29 =	rddreg [dreg:$0x5];
	[sflag:s21] =	ssyncadd.s32 $0xFFFFF800  }
0xf1: {  	[hbm:s29], [sflag:s0] =	dma.local [spmem:s28], $0x800  }
0xf2: {  	_ =	swait.ge [sflag:s21], $0x800  }
0xf3: {  	[sflag:s21] =	ssyncset.done $0x0  }
0xf4: {  	s30 =	sshrl.u32 s10, $0x3;
	[sflag:s21] =	ssyncadd.s32 $0xFFFFF800  }
0xf5: {  	[hbm:s17], [sflag:s0] =	dma.local [spmem:s30], $0x800  }
0xf6: {  	s26 =	sadd.s32 $0x1, s26;
	_ =	swait.ge [sflag:s21], $0x800  }
0xf7: {  	p0 =	sne.s32 s26, s19;
	[sflag:s21] =	ssyncset.done $0x0  }
.Ltmp3:
0xf8: {  	s31 =	sshrl.u32 s11, $0x3;
	[sflag:s21] =	ssyncadd.s32 $0xFFFFF800;
	(pc) =	sbr.rel @p0 .LBB2_1-.Ltmp3, $4  }
0xf9: {  	[hbm:s18], [sflag:s0] =	dma.local [spmem:s31], $0x800  }
0xfa: {  	_ =	swait.ge [sflag:s21], $0x800  }
0xfb: {  	[sflag:s21] =	ssyncset.done $0x0  }
0xfc: {  	[sflag:s21] =	ssyncadd.s32 $0xFFFFF800  }
0xfd: {  	_ =	sfence.sel $0x180000  }
0xfe: {  	[bflag:$0x0] =	sbarrier.arrive $0xFFFF  }
0xff: {  	_ =	strace $0x9000004D  }
0x100: {  	s0 =	stileid.u32;
	[bflag:$0x2] =	sbarrier.arrive $0xFFFF  }
0x101: {  	p0 =	sne.s32 s0, $0x0;
	s0 =	rddreg [dreg:$0x2]  }
0x102: {  	s0 =	sadd.s32 @!p0 $0x100000, s0  }
0x103: {  	[sflag:s0] =	ssyncadd.tile.s32 @!p0 $0x1;
	_ =	shalt  }
.Lfunc_end2:
_tile_overlayer_lowered:
.L_overlay_start_2:
0x104: {  	(tag) =	ssettag $0x2  }
0x105: {  	s0 =	rddreg [dreg:$0x0];
	s2 =	stileid.u32  }
0x106: {  	s1 =	rddreg [dreg:$0x1];
	p0 =	sne.s32 s2, $0x0  }
0x107: {  	s3 =	rddreg [dreg:$0x2];
	[bflag:$0x3] =	sbarrier.arrive $0xFFFF;
	s2 =	simm.s32 @!p0 $0x1C03  }
0x108: {  	[timem:s3], [sflag:s2] =	dma.local @!p0 [hbm:s0], s1  }
0x109: {  	s0 =	simm.s32 @!p0 $0x3  }
0x10a: {  	_ =	swait.ge @!p0 [sflag:s0], s1  }
0x10b: {  	s1 =	ssub.s32 @!p0 $0x0, s1;
	[sflag:s0] =	ssyncset.done @!p0 $0x0  }
0x10c: {  	[sflag:s0] =	ssyncadd.s32 @!p0 s1  }
0x10d: {  	[bflag:$0x3] =	sbarrier.arrive $0xFFFF  }
0x10e: {  	_ =	shalt  }

</sc_bundles>
